<compile_context>
chip_gen: v7x
topology: tpu7x:2x2x1
jax: 0.10.2.dev20260603
libtpu: 0.0.44.dev20260713+nightly
codegen_flags: <defaults>
</compile_context>

<pallas_src>
import functools

import jax
import jax.numpy as jnp
import numpy as np
from jax import lax
from jax.experimental import pallas as pl
from jax.experimental.pallas import tpu as pltpu
from jax.experimental.pallas import tpu_sc as plsc

_NC = 8
_NB = 16
_LAYERS = ((64, 64), (32, 32), (16, 16))
_ANC = np.array([[[10., 13.], [16., 30.], [33., 23.]],
                 [[30., 61.], [62., 45.], [59., 119.]],
                 [[116., 90.], [156., 198.], [373., 326.]]], dtype=np.float32)
_NT = 64
_EPS = 1e-7
_NWORK = 32
_TPW = _NT // _NWORK


def _sc_body(p0, p1, p2, tgt, ind, out, tgt_v, ind_v, b00, b01, b02, b10,
             b11, b12, out0, out1, out2, sem):
    cix = lax.axis_index("c")
    six = lax.axis_index("s")
    wid = six * 2 + cix
    pltpu.sync_copy(tgt, tgt_v)
    pltpu.sync_copy(ind, ind_v)
    lane = lax.iota(jnp.int32, 16)
    zeros = lane * 0
    lane_c = jnp.minimum(lane, 12)
    d0 = plsc.load_gather(ind_v, [zeros])
    d1 = plsc.load_gather(ind_v, [zeros + 1])
    preds = (p0, p1, p2)
    bufs = ((b00, b01, b02), (b10, b11, b12))
    outs = (out0, out1, out2)
    copies = []
    gis = {}
    bests = {}
    for t_local in range(_TPW):
        t = wid * _TPW + t_local
        b6 = zeros + t * 6
        tbf = plsc.load_gather(tgt_v, [b6])
        xr = plsc.load_gather(tgt_v, [b6 + 2])
        yr = plsc.load_gather(tgt_v, [b6 + 3])
        wr = plsc.load_gather(tgt_v, [b6 + 4])
        hr = plsc.load_gather(tgt_v, [b6 + 5])
        tb = tbf.astype(jnp.int32)
        gwd = wr * d0
        ght = hr * d1
        for l, (gh, gw) in enumerate(_LAYERS):
            gx = xr * float(gw)
            gy = yr * float(gh)
            gi = jnp.minimum(jnp.maximum(gx.astype(jnp.int32), 0), gw - 1)
            gj = jnp.minimum(jnp.maximum(gy.astype(jnp.int32), 0), gh - 1)
            us = []
            for a in range(3):
                aw = float(_ANC[l, a, 0]) * gw
                ah = float(_ANC[l, a, 1]) * gh
                inter = jnp.minimum(gwd, aw) * jnp.minimum(ght, ah)
                union = gwd * ght + (aw * ah) - inter + 1e-16
                us.append(inter / union)
            b0 = jnp.logical_and(us[0] >= us[1], us[0] >= us[2])
            best = jnp.where(b0, 0, jnp.where(us[1] >= us[2], 1, 2))
            best = best.astype(jnp.int32)
            tbs = jnp.max(tb)
            cbs = jnp.max(best * 13)
            gjs = jnp.max(gj)
            copies.append(
                pltpu.async_copy(preds[l].at[tbs, pl.ds(cbs, 13), gjs],
                                 bufs[t_local][l].at[pl.ds(0, 13)], sem))
            gis[(t_local, l)] = gi
            bests[(t_local, l)] = best.astype(jnp.float32)
    for cp in copies:
        cp.wait()
    for t_local in range(_TPW):
        for l in range(3):
            v = plsc.load_gather(bufs[t_local][l],
                                 [lane_c, gis[(t_local, l)]])
            v = jnp.where(lane == 13, bests[(t_local, l)], v)
            plsc.store_scatter(outs[l], [lane + t_local * 16], v)
    for l in range(3):
        pltpu.sync_copy(outs[l],
                        out.at[pl.ds(l * _NT * 16 + wid * _TPW * 16,
                                     _TPW * 16)])


@functools.cache
def _sc_gather():
    return pl.kernel(
        _sc_body,
        out_type=jax.ShapeDtypeStruct((3 * _NT * 16,), jnp.float32),
        mesh=plsc.VectorSubcoreMesh(core_axis_name="c", subcore_axis_name="s"),
        compiler_params=pltpu.CompilerParams(needs_layout_passes=False,
                                             use_tc_tiling_on_sc=True),
        scratch_types=[
            pltpu.VMEM((_NT * 6,), jnp.float32),
            pltpu.VMEM((16,), jnp.float32),
            pltpu.VMEM((16, 64), jnp.float32),
            pltpu.VMEM((16, 32), jnp.float32),
            pltpu.VMEM((16, 16), jnp.float32),
            pltpu.VMEM((16, 64), jnp.float32),
            pltpu.VMEM((16, 32), jnp.float32),
            pltpu.VMEM((16, 16), jnp.float32),
            pltpu.VMEM((_TPW * 16,), jnp.float32),
            pltpu.VMEM((_TPW * 16,), jnp.float32),
            pltpu.VMEM((_TPW * 16,), jnp.float32),
            pltpu.SemaphoreType.DMA,
        ],
    )


def _tc_body(ind_s, p0_ref, p1_ref, p2_ref, tgt_ref, sc_ref, out_ref, acc):
    a = pl.program_id(0)

    @pl.when(a == 0)
    def _():
        for l in range(3):
            acc[l] = 0.0

    for l, pref in enumerate((p0_ref, p1_ref, p2_ref)):
        z = pref[:, 0]
        conf = jnp.clip(jax.nn.sigmoid(z), _EPS, 1.0 - _EPS)
        acc[l] = acc[l] + jnp.sum(-jnp.log(1.0 - conf))

    @pl.when(a == 2)
    def _():
        tgt = tgt_ref[...]
        tbf = tgt[:, 0:1]
        tclf = tgt[:, 1:2]
        xr = tgt[:, 2:3]
        yr = tgt[:, 3:4]
        wr = tgt[:, 4:5]
        hr = tgt[:, 5:6]
        d0 = ind_s[0]
        d1 = ind_s[1]
        tb = tbf
        gwd = wr * d0
        ght = hr * d1
        ii = lax.broadcasted_iota(jnp.int32, (_NT, _NT), 0)
        jj = lax.broadcasted_iota(jnp.int32, (_NT, _NT), 1)
        eye = (ii == jj).astype(jnp.float32)
        later = (jj > ii).astype(jnp.float32)
        total = 0.0
        for l, (gh, gw) in enumerate(_LAYERS):
            col = sc_ref[l]
            bestf = col[:, 13:14]
            gx = xr * float(gw)
            gy = yr * float(gh)
            gif = jnp.clip(jnp.floor(gx), 0.0, float(gw - 1))
            gjf = jnp.clip(jnp.floor(gy), 0.0, float(gh - 1))
            cid = ((tb * 3.0 + bestf) * gh + gjf) * gw + gif
            key2 = cid * float(_NC) + tclf
            live = None
            live2 = None
            masks = []
            for keyv in (cid, key2):
                kb = jnp.broadcast_to(keyv, (_NT, _NT))
                krow = jnp.sum(eye * kb, axis=0, keepdims=True)
                eq = (kb == jnp.broadcast_to(krow, (_NT, _NT))).astype(jnp.float32)
                dupcnt = jnp.sum(eq * later, axis=1, keepdims=True)
                masks.append((dupcnt == 0.0).astype(jnp.float32))
            live, live2 = masks
            nobj = jnp.sum(live)
            x = jax.nn.sigmoid(col[:, 0:1])
            y = jax.nn.sigmoid(col[:, 1:2])
            w = col[:, 2:3]
            h = col[:, 3:4]
            conf = jnp.clip(jax.nn.sigmoid(col[:, 4:5]), _EPS, 1.0 - _EPS)
            tx = gx - gif
            ty = gy - gjf
            aw0 = float(_ANC[l, 0, 0]); aw1 = float(_ANC[l, 1, 0]); aw2 = float(_ANC[l, 2, 0])
            ah0 = float(_ANC[l, 0, 1]); ah1 = float(_ANC[l, 1, 1]); ah2 = float(_ANC[l, 2, 1])
            ancw = jnp.where(bestf == 0.0, aw0, jnp.where(bestf == 1.0, aw1, aw2))
            anch = jnp.where(bestf == 0.0, ah0, jnp.where(bestf == 1.0, ah1, ah2))
            tw = jnp.log(gwd / ancw + 1e-16)
            th = jnp.log(ght / anch + 1e-16)
            sx = jnp.sum(live * (x - tx) ** 2)
            sy = jnp.sum(live * (y - ty) ** 2)
            sw = jnp.sum(live * (w - tw) ** 2)
            sh = jnp.sum(live * (h - th) ** 2)
            sobj = jnp.sum(live * -jnp.log(conf))
            scorr = jnp.sum(live * -jnp.log(1.0 - conf))
            s_allneg = 0.0
            ptc = 0.0
            for c in range(_NC):
                p = jnp.clip(jax.nn.sigmoid(col[:, 5 + c:6 + c]), _EPS, 1.0 - _EPS)
                s_allneg = s_allneg + jnp.sum(live * -jnp.log(1.0 - p))
                ptc = ptc + (tclf == float(c)).astype(jnp.float32) * p
            s_cls_corr = jnp.sum(live2 * (-jnp.log(ptc) + jnp.log(1.0 - ptc)))
            scls = s_allneg + s_cls_corr
            nd = jnp.maximum(nobj, 1.0)
            tot_l = float(_NB * 3 * gh * gw)
            total = total + (sx + sy + sw + sh + sobj) / nd \
                + 0.5 * (acc[l] - scorr) / jnp.maximum(tot_l - nobj, 1.0) \
                + scls / jnp.maximum(nobj * float(_NC), 1.0)
        out_ref[...] = jnp.broadcast_to(total, (1, 1))


def _tc_loss(ind, pred0, pred1, pred2, targets, scmat):
    specs = [pl.BlockSpec(memory_space=pltpu.SMEM)]
    for gh, gw in _LAYERS:
        specs.append(pl.BlockSpec((_NB, 1, gh, gw), lambda a: (0, 4 + 13 * a, 0, 0)))
    specs.append(pl.BlockSpec((_NT, 6), lambda a: (0, 0)))
    specs.append(pl.BlockSpec((3, _NT, 16), lambda a: (0, 0, 0)))
    return pl.pallas_call(
        _tc_body,
        grid=(3,),
        in_specs=specs,
        out_specs=pl.BlockSpec((1, 1), lambda a: (0, 0)),
        out_shape=jax.ShapeDtypeStruct((1, 1), jnp.float32),
        scratch_shapes=[pltpu.SMEM((3,), jnp.float32)],
    )(ind, pred0, pred1, pred2, targets, scmat)


def kernel(pred0, pred1, pred2, targets, input_dim):
    indf = jnp.asarray(input_dim, jnp.float32)
    ind16 = jnp.concatenate([indf, jnp.zeros((14,), jnp.float32)])
    scout = _sc_gather()(pred0, pred1, pred2, targets.reshape(-1), ind16)
    scmat = scout.reshape(3, _NT, 16)
    tot = _tc_loss(indf, pred0, pred1, pred2, targets, scmat)
    return tot[0, 0]

# --- scband reference (transcript-rebuilt; emitter-appended) ---
"""Pipeline reference for scband-yololoss-20212116095641 (READ-ONLY COPY).

The authoritative reference and input builder live on the scoring server;
editing this copy changes nothing except your own understanding.
"""

import jax, jax.numpy as jnp
import numpy as np

NUM_CLASSES = 8
ANCHORS = np.array([[[10., 13.], [16., 30.], [33., 23.]],
                    [[30., 61.], [62., 45.], [59., 119.]],
                    [[116., 90.], [156., 198.], [373., 326.]]], dtype=np.float32)


def _bce(p, t):
    p = jnp.clip(p, 1e-7, 1.0 - 1e-7)
    return -(t * jnp.log(p) + (1.0 - t) * jnp.log(1.0 - p))


def _masked_mean(v, m):
    return jnp.sum(v * m) / jnp.maximum(jnp.sum(m), 1.0)


def _layer_loss(pred, targets, anchors, d0, d1):
    B, _, gh, gw = pred.shape
    C = NUM_CLASSES
    pr = pred.reshape(B, 3, C + 5, gh, gw).transpose(0, 1, 3, 4, 2)
    x = jax.nn.sigmoid(pr[..., 0])
    y = jax.nn.sigmoid(pr[..., 1])
    w = pr[..., 2]
    h = pr[..., 3]
    conf = jax.nn.sigmoid(pr[..., 4])
    cls = jax.nn.sigmoid(pr[..., 5:])
    anc = jnp.asarray(anchors)
    tb = targets[:, 0].astype(jnp.int32)
    tc = targets[:, 1].astype(jnp.int32)
    gx = targets[:, 2] * gw
    gy = targets[:, 3] * gh
    gwd = targets[:, 4] * d0
    ght = targets[:, 5] * d1
    gi = jnp.clip(jnp.floor(gx).astype(jnp.int32), 0, gw - 1)
    gj = jnp.clip(jnp.floor(gy).astype(jnp.int32), 0, gh - 1)
    # anchor IoU exactly as torch loop: anchor_wh = scaled_anchor*grid*input_dim/grid = anchor*grid
    aw = anc[:, 0] * gw
    ah = anc[:, 1] * gh
    inter = jnp.minimum(gwd[:, None], aw[None, :]) * jnp.minimum(ght[:, None], ah[None, :])
    union = (gwd * ght)[:, None] + (aw * ah)[None, :] - inter + 1e-16
    best = jnp.argmax(inter / union, axis=1)
    shp = (B, 3, gh, gw)
    obj = jnp.zeros(shp, jnp.float32).at[tb, best, gj, gi].set(1.0)
    tx = jnp.zeros(shp, jnp.float32).at[tb, best, gj, gi].set(gx - gi.astype(jnp.float32))
    ty = jnp.zeros(shp, jnp.float32).at[tb, best, gj, gi].set(gy - gj.astype(jnp.float32))
    # scaled_anchors[best]*input_dim/grid == original anchor
    tw = jnp.zeros(shp, jnp.float32).at[tb, best, gj, gi].set(jnp.log(gwd / anc[best, 0] + 1e-16))
    th = jnp.zeros(shp, jnp.float32).at[tb, best, gj, gi].set(jnp.log(ght / anc[best, 1] + 1e-16))
    tcls = jnp.zeros(shp + (C,), jnp.float32).at[tb, best, gj, gi, tc].set(1.0)
    noobj = 1.0 - obj
    loss_x = _masked_mean((x - tx) ** 2, obj)
    loss_y = _masked_mean((y - ty) ** 2, obj)
    loss_w = _masked_mean((w - tw) ** 2, obj)
    loss_h = _masked_mean((h - th) ** 2, obj)
    # tconf equals obj (1 at object cells, 0 elsewhere)
    loss_conf_obj = _masked_mean(_bce(conf, obj), obj)
    loss_conf_noobj = _masked_mean(_bce(conf, obj), noobj)
    loss_cls = jnp.sum(_bce(cls, tcls) * obj[..., None]) / jnp.maximum(jnp.sum(obj) * C, 1.0)
    return loss_x + loss_y + loss_w + loss_h + loss_conf_obj + 0.5 * loss_conf_noobj + loss_cls


def setup_inputs(seed: int = 0):
    key = jax.random.key(seed)
    ks = jax.random.split(key, 7)
    pred0 = jax.random.normal(ks[0], (16, 39, 64, 64), dtype=jnp.float32)
    pred1 = jax.random.normal(ks[1], (16, 39, 32, 32), dtype=jnp.float32)
    pred2 = jax.random.normal(ks[2], (16, 39, 16, 16), dtype=jnp.float32)
    bidx = jax.random.randint(ks[3], (64,), 0, 16).astype(jnp.float32)
    tcl = jax.random.randint(ks[4], (64,), 0, 8).astype(jnp.float32)
    xy = jax.random.uniform(ks[5], (64, 2), minval=0.02, maxval=0.98)
    wh = jax.random.uniform(ks[6], (64, 2), minval=0.02, maxval=0.3)
    targets = jnp.concatenate([bidx[:, None], tcl[:, None], xy, wh], axis=1)
    input_dim = jnp.array([512, 512], dtype=jnp.int32)
    return {"pred0": pred0, "pred1": pred1, "pred2": pred2, "targets": targets, "input_dim": input_dim}


def reference(pred0, pred1, pred2, targets, input_dim):
    ind = jnp.asarray(input_dim, jnp.float32)
    d0, d1 = ind[0], ind[1]
    total = 0.0
    for i, pred in enumerate([pred0, pred1, pred2]):
        total = total + _layer_loss(pred, targets, ANCHORS[i], d0, d1)
    return total

if __name__ == "__main__":
    import jax
    _d = setup_inputs()
    print(jax.jit(kernel)(*tuple(_d.values())))

</pallas_src>

<mosaic_0001>
#map = affine_map<(d0, d1) -> (0, 0, 0, 0)>
#map1 = affine_map<(d0, d1) -> (0)>
module attributes {stable_mosaic.version = 14 : i64} {
  func.func @_sc_body(%arg0: i32, %arg1: i32, %arg2: memref<16x39x64x64xf32, #tpu.memory_space<hbm>>, %arg3: memref<16x39x32x32xf32, #tpu.memory_space<hbm>>, %arg4: memref<16x39x16x16xf32, #tpu.memory_space<hbm>>, %arg5: memref<384xf32, #tpu.memory_space<hbm>>, %arg6: memref<16xf32, #tpu.memory_space<hbm>>, %arg7: memref<3072xf32, #tpu.memory_space<hbm>>, %arg8: memref<384xf32, #tpu.memory_space<vmem>>, %arg9: memref<16xf32, #tpu.memory_space<vmem>>, %arg10: memref<16x64xf32, #tpu.memory_space<vmem>>, %arg11: memref<16x32xf32, #tpu.memory_space<vmem>>, %arg12: memref<16x16xf32, #tpu.memory_space<vmem>>, %arg13: memref<16x64xf32, #tpu.memory_space<vmem>>, %arg14: memref<16x32xf32, #tpu.memory_space<vmem>>, %arg15: memref<16x16xf32, #tpu.memory_space<vmem>>, %arg16: memref<32xf32, #tpu.memory_space<vmem>>, %arg17: memref<32xf32, #tpu.memory_space<vmem>>, %arg18: memref<32xf32, #tpu.memory_space<vmem>>, %arg19: memref<!tpu.dma_semaphore, #tpu.memory_space<semaphore_mem>>) attributes {dimension_semantics = [#tpu.dimension_semantics<core_parallel>, #tpu.dimension_semantics<subcore_parallel>], iteration_bounds = array<i64: 2, 16>, scalar_prefetch = 0 : i64, scratch_operands = 12 : i64, tpu.core_type = #tpu.core_type<sc_vector_subcore>, window_params = [{transform_indices = #map}, {transform_indices = #map}, {transform_indices = #map}, {transform_indices = #map1}, {transform_indices = #map1}, {transform_indices = #map1}]} {
    %mul3A = arith.constant 2 : i32
    %mul3A_0 = arith.muli %arg1, %mul3A : i32
    %add3A = arith.addi %mul3A_0, %arg0 : i32
    "tpu.region"() ({
      %run_scoped3A = tpu.sem_alloc : memref<!tpu.dma_semaphore, #tpu.memory_space<semaphore_mem>>
      tpu.enqueue_dma source(%arg5 : memref<384xf32, #tpu.memory_space<hbm>>) target(%arg8 : memref<384xf32, #tpu.memory_space<vmem>>) target_semaphore(%run_scoped3A : memref<!tpu.dma_semaphore, #tpu.memory_space<semaphore_mem>>)
      tpu.wait_dma2 semaphore(%run_scoped3A : memref<!tpu.dma_semaphore, #tpu.memory_space<semaphore_mem>>) src(%arg5 : memref<384xf32, #tpu.memory_space<hbm>>) dst(%arg8 : memref<384xf32, #tpu.memory_space<vmem>>)
      tpu.yield
    }) : () -> ()
    "tpu.region"() ({
      %run_scoped3A = tpu.sem_alloc : memref<!tpu.dma_semaphore, #tpu.memory_space<semaphore_mem>>
      tpu.enqueue_dma source(%arg6 : memref<16xf32, #tpu.memory_space<hbm>>) target(%arg9 : memref<16xf32, #tpu.memory_space<vmem>>) target_semaphore(%run_scoped3A : memref<!tpu.dma_semaphore, #tpu.memory_space<semaphore_mem>>)
      tpu.wait_dma2 semaphore(%run_scoped3A : memref<!tpu.dma_semaphore, #tpu.memory_space<semaphore_mem>>) src(%arg6 : memref<16xf32, #tpu.memory_space<hbm>>) dst(%arg9 : memref<16xf32, #tpu.memory_space<vmem>>)
      tpu.yield
    }) : () -> ()
    %iota3A = tpu.iota {dimensions = array<i32: 0>} : vector<16xi32>
    %mul3A_1 = arith.constant 0 : i32
    %mul3A_2 = vector.broadcast %mul3A_1 : i32 to vector<16xi32>
    %mul3A_3 = arith.muli %iota3A, %mul3A_2 : vector<16xi32>
    %min3A = arith.constant 12 : i32
    %min3A_4 = vector.broadcast %min3A : i32 to vector<16xi32>
    %min3A_5 = arith.minsi %iota3A, %min3A_4 : vector<16xi32>
    %gather3A = tpu.vector_load_idx %arg9[%mul3A_3] : memref<16xf32, #tpu.memory_space<vmem>>[vector<16xi32>], vector<16xf32>,
    %add3A_6 = arith.constant 1 : i32
    %add3A_7 = vector.broadcast %add3A_6 : i32 to vector<16xi32>
    %add3A_8 = arith.addi %mul3A_3, %add3A_7 : vector<16xi32>
    %gather3A_9 = tpu.vector_load_idx %arg9[%add3A_8] : memref<16xf32, #tpu.memory_space<vmem>>[vector<16xi32>], vector<16xf32>,
    %mul3A_10 = arith.constant 2 : i32
    %mul3A_11 = arith.muli %add3A, %mul3A_10 : i32
    %add3A_12 = arith.constant 0 : i32
    %add3A_13 = arith.addi %mul3A_11, %add3A_12 : i32
    %mul3A_14 = arith.constant 6 : i32
    %mul3A_15 = arith.muli %add3A_13, %mul3A_14 : i32
    %add3A_16 = vector.broadcast %mul3A_15 : i32 to vector<16xi32>
    %add3A_17 = arith.addi %mul3A_3, %add3A_16 : vector<16xi32>
    %gather3A_18 = tpu.vector_load_idx %arg8[%add3A_17] : memref<384xf32, #tpu.memory_space<vmem>>[vector<16xi32>], vector<16xf32>,
    %add3A_19 = arith.constant 2 : i32
    %add3A_20 = vector.broadcast %add3A_19 : i32 to vector<16xi32>
    %add3A_21 = arith.addi %add3A_17, %add3A_20 : vector<16xi32>
    %gather3A_22 = tpu.vector_load_idx %arg8[%add3A_21] : memref<384xf32, #tpu.memory_space<vmem>>[vector<16xi32>], vector<16xf32>,
    %add3A_23 = arith.constant 3 : i32
    %add3A_24 = vector.broadcast %add3A_23 : i32 to vector<16xi32>
    %add3A_25 = arith.addi %add3A_17, %add3A_24 : vector<16xi32>
    %gather3A_26 = tpu.vector_load_idx %arg8[%add3A_25] : memref<384xf32, #tpu.memory_space<vmem>>[vector<16xi32>], vector<16xf32>,
    %add3A_27 = arith.constant 4 : i32
    %add3A_28 = vector.broadcast %add3A_27 : i32 to vector<16xi32>
    %add3A_29 = arith.addi %add3A_17, %add3A_28 : vector<16xi32>
    %gather3A_30 = tpu.vector_load_idx %arg8[%add3A_29] : memref<384xf32, #tpu.memory_space<vmem>>[vector<16xi32>], vector<16xf32>,
    %add3A_31 = arith.constant 5 : i32
    %add3A_32 = vector.broadcast %add3A_31 : i32 to vector<16xi32>
    %add3A_33 = arith.addi %add3A_17, %add3A_32 : vector<16xi32>
    %gather3A_34 = tpu.vector_load_idx %arg8[%add3A_33] : memref<384xf32, #tpu.memory_space<vmem>>[vector<16xi32>], vector<16xf32>,
    %convert_element_type3A = arith.fptosi %gather3A_18 : vector<16xf32> to vector<16xi32>
    %mul3A_35 = arith.mulf %gather3A_30, %gather3A : vector<16xf32>
    %mul3A_36 = arith.mulf %gather3A_34, %gather3A_9 : vector<16xf32>
    %mul3A_37 = arith.constant 6.400000e+01 : f32
    %mul3A_38 = vector.broadcast %mul3A_37 : f32 to vector<16xf32>
    %mul3A_39 = arith.mulf %gather3A_22, %mul3A_38 : vector<16xf32>
    %mul3A_40 = arith.constant 6.400000e+01 : f32
    %mul3A_41 = vector.broadcast %mul3A_40 : f32 to vector<16xf32>
    %mul3A_42 = arith.mulf %gather3A_26, %mul3A_41 : vector<16xf32>
    %convert_element_type3A_43 = arith.fptosi %mul3A_39 : vector<16xf32> to vector<16xi32>
    %max3A = arith.constant 0 : i32
    %max3A_44 = vector.broadcast %max3A : i32 to vector<16xi32>
    %max3A_45 = arith.maxsi %convert_element_type3A_43, %max3A_44 : vector<16xi32>
    %min3A_46 = arith.constant 63 : i32
    %min3A_47 = vector.broadcast %min3A_46 : i32 to vector<16xi32>
    %min3A_48 = arith.minsi %max3A_45, %min3A_47 : vector<16xi32>
    %convert_element_type3A_49 = arith.fptosi %mul3A_42 : vector<16xf32> to vector<16xi32>
    %max3A_50 = arith.constant 0 : i32
    %max3A_51 = vector.broadcast %max3A_50 : i32 to vector<16xi32>
    %max3A_52 = arith.maxsi %convert_element_type3A_49, %max3A_51 : vector<16xi32>
    %min3A_53 = arith.constant 63 : i32
    %min3A_54 = vector.broadcast %min3A_53 : i32 to vector<16xi32>
    %min3A_55 = arith.minsi %max3A_52, %min3A_54 : vector<16xi32>
    %min3A_56 = arith.constant 6.400000e+02 : f32
    %min3A_57 = vector.broadcast %min3A_56 : f32 to vector<16xf32>
    %min3A_58 = arith.minimumf %mul3A_35, %min3A_57 : vector<16xf32>
    %min3A_59 = arith.constant 8.320000e+02 : f32
    %min3A_60 = vector.broadcast %min3A_59 : f32 to vector<16xf32>
    %min3A_61 = arith.minimumf %mul3A_36, %min3A_60 : vector<16xf32>
    %mul3A_62 = arith.mulf %min3A_58, %min3A_61 : vector<16xf32>
    %mul3A_63 = arith.mulf %mul3A_35, %mul3A_36 : vector<16xf32>
    %add3A_64 = arith.constant 5.324800e+05 : f32
    %add3A_65 = vector.broadcast %add3A_64 : f32 to vector<16xf32>
    %add3A_66 = arith.addf %mul3A_63, %add3A_65 : vector<16xf32>
    %sub3A = arith.subf %add3A_66, %mul3A_62 : vector<16xf32>
    %add3A_67 = arith.constant 1.000000e-16 : f32
    %add3A_68 = vector.broadcast %add3A_67 : f32 to vector<16xf32>
    %add3A_69 = arith.addf %sub3A, %add3A_68 : vector<16xf32>
    %div3A = arith.divf %mul3A_62, %add3A_69 : vector<16xf32>
    %min3A_70 = arith.constant 1.024000e+03 : f32
    %min3A_71 = vector.broadcast %min3A_70 : f32 to vector<16xf32>
    %min3A_72 = arith.minimumf %mul3A_35, %min3A_71 : vector<16xf32>
    %min3A_73 = arith.constant 1.920000e+03 : f32
    %min3A_74 = vector.broadcast %min3A_73 : f32 to vector<16xf32>
    %min3A_75 = arith.minimumf %mul3A_36, %min3A_74 : vector<16xf32>
    %mul3A_76 = arith.mulf %min3A_72, %min3A_75 : vector<16xf32>
    %mul3A_77 = arith.mulf %mul3A_35, %mul3A_36 : vector<16xf32>
    %add3A_78 = arith.constant 1.966080e+06 : f32
    %add3A_79 = vector.broadcast %add3A_78 : f32 to vector<16xf32>
    %add3A_80 = arith.addf %mul3A_77, %add3A_79 : vector<16xf32>
    %sub3A_81 = arith.subf %add3A_80, %mul3A_76 : vector<16xf32>
    %add3A_82 = arith.constant 1.000000e-16 : f32
    %add3A_83 = vector.broadcast %add3A_82 : f32 to vector<16xf32>
    %add3A_84 = arith.addf %sub3A_81, %add3A_83 : vector<16xf32>
    %div3A_85 = arith.divf %mul3A_76, %add3A_84 : vector<16xf32>
    %min3A_86 = arith.constant 2.112000e+03 : f32
    %min3A_87 = vector.broadcast %min3A_86 : f32 to vector<16xf32>
    %min3A_88 = arith.minimumf %mul3A_35, %min3A_87 : vector<16xf32>
    %min3A_89 = arith.constant 1.472000e+03 : f32
    %min3A_90 = vector.broadcast %min3A_89 : f32 to vector<16xf32>
    %min3A_91 = arith.minimumf %mul3A_36, %min3A_90 : vector<16xf32>
    %mul3A_92 = arith.mulf %min3A_88, %min3A_91 : vector<16xf32>
    %mul3A_93 = arith.mulf %mul3A_35, %mul3A_36 : vector<16xf32>
    %add3A_94 = arith.constant 0x4A3DC000 : f32
    %add3A_95 = vector.broadcast %add3A_94 : f32 to vector<16xf32>
    %add3A_96 = arith.addf %mul3A_93, %add3A_95 : vector<16xf32>
    %sub3A_97 = arith.subf %add3A_96, %mul3A_92 : vector<16xf32>
    %add3A_98 = arith.constant 1.000000e-16 : f32
    %add3A_99 = vector.broadcast %add3A_98 : f32 to vector<16xf32>
    %add3A_100 = arith.addf %sub3A_97, %add3A_99 : vector<16xf32>
    %div3A_101 = arith.divf %mul3A_92, %add3A_100 : vector<16xf32>
    %ge3A = arith.cmpf oge, %div3A, %div3A_85 : vector<16xf32>
    %ge3A_102 = arith.cmpf oge, %div3A, %div3A_101 : vector<16xf32>
    %and3A = arith.andi %ge3A, %ge3A_102 : vector<16xi1>
    %ge3A_103 = arith.cmpf oge, %div3A_85, %div3A_101 : vector<16xf32>
    %jit3A = arith.constant 1 : i32
    %jit3A_104 = arith.constant 2 : i32
    %broadcast_in_dim3A = vector.broadcast %jit3A : i32 to vector<16xi32>
    %broadcast_in_dim3A_105 = vector.broadcast %jit3A_104 : i32 to vector<16xi32>
    %select_n3A = arith.select %ge3A_103, %broadcast_in_dim3A, %broadcast_in_dim3A_105 : vector<16xi1>, vector<16xi32>
    %jit3A_106 = arith.constant 0 : i32
    %broadcast_in_dim3A_107 = vector.broadcast %jit3A_106 : i32 to vector<16xi32>
    %select_n3A_108 = arith.select %and3A, %broadcast_in_dim3A_107, %select_n3A : vector<16xi1>, vector<16xi32>
    %reduce_max3A = arith.constant true
    %reduce_max3A_109 = vector.broadcast %reduce_max3A : i1 to vector<16xi1>
    %reduce_max3A_110 = arith.constant -2147483648 : i32
    %reduce_max3A_111 = vector.broadcast %reduce_max3A_110 : i32 to vector<16xi32>
    %reduce_max3A_112 = arith.xori %convert_element_type3A, %reduce_max3A_111 : vector<16xi32>
    %reduce_max3A_113 = tpu.scan <max>, %reduce_max3A_112 masked %reduce_max3A_109 : vector<16xi32>, vector<16xi1> -> vector<16xi32>
    %reduce_max3A_114 = arith.xori %reduce_max3A_113, %reduce_max3A_111 : vector<16xi32>
    %reduce_max3A_115 = vector.extract %reduce_max3A_114[15] : i32 from vector<16xi32>
    %mul3A_116 = arith.constant 13 : i32
    %mul3A_117 = vector.broadcast %mul3A_116 : i32 to vector<16xi32>
    %mul3A_118 = arith.muli %select_n3A_108, %mul3A_117 : vector<16xi32>
    %reduce_max3A_119 = arith.constant true
    %reduce_max3A_120 = vector.broadcast %reduce_max3A_119 : i1 to vector<16xi1>
    %reduce_max3A_121 = arith.constant -2147483648 : i32
    %reduce_max3A_122 = vector.broadcast %reduce_max3A_121 : i32 to vector<16xi32>
    %reduce_max3A_123 = arith.xori %mul3A_118, %reduce_max3A_122 : vector<16xi32>
    %reduce_max3A_124 = tpu.scan <max>, %reduce_max3A_123 masked %reduce_max3A_120 : vector<16xi32>, vector<16xi1> -> vector<16xi32>
    %reduce_max3A_125 = arith.xori %reduce_max3A_124, %reduce_max3A_122 : vector<16xi32>
    %reduce_max3A_126 = vector.extract %reduce_max3A_125[15] : i32 from vector<16xi32>
    %reduce_max3A_127 = arith.constant true
    %reduce_max3A_128 = vector.broadcast %reduce_max3A_127 : i1 to vector<16xi1>
    %reduce_max3A_129 = arith.constant -2147483648 : i32
    %reduce_max3A_130 = vector.broadcast %reduce_max3A_129 : i32 to vector<16xi32>
    %reduce_max3A_131 = arith.xori %min3A_55, %reduce_max3A_130 : vector<16xi32>
    %reduce_max3A_132 = tpu.scan <max>, %reduce_max3A_131 masked %reduce_max3A_128 : vector<16xi32>, vector<16xi1> -> vector<16xi32>
    %reduce_max3A_133 = arith.xori %reduce_max3A_132, %reduce_max3A_130 : vector<16xi32>
    %reduce_max3A_134 = vector.extract %reduce_max3A_133[15] : i32 from vector<16xi32>
    %dma_start3A = arith.constant 0 : i32
    %dma_start3A_135 = arith.constant 0 : i32
    %dma_start3A_136 = tpu.memref_slice %arg10[%dma_start3A, %dma_start3A_135] : memref<16x64xf32, #tpu.memory_space<vmem>> -> memref<13x64xf32, #tpu.memory_space<vmem>>
    %dma_start3A_137 = arith.constant 0 : i32
    %dma_start3A_138 = tpu.memref_slice %arg2[%reduce_max3A_115, %reduce_max3A_126, %reduce_max3A_134, %dma_start3A_137] : memref<16x39x64x64xf32, #tpu.memory_space<hbm>> -> memref<1x13x1x64xf32, #tpu.memory_space<hbm>>
    %dma_start3A_139 = tpu.memref_squeeze %dma_start3A_138 : memref<1x13x1x64xf32, #tpu.memory_space<hbm>> -> memref<13x64xf32, #tpu.memory_space<hbm>>
    %dma_start3A_140 = arith.constant 0 : i32
    %dma_start3A_141 = arith.constant 0 : i32
    %dma_start3A_142 = tpu.memref_slice %arg10[%dma_start3A_140, %dma_start3A_141] : memref<16x64xf32, #tpu.memory_space<vmem>> -> memref<13x64xf32, #tpu.memory_space<vmem>>
    %dma_start3A_143 = arith.constant 0 : i32
    %dma_start3A_144 = tpu.memref_slice %arg2[%reduce_max3A_115, %reduce_max3A_126, %reduce_max3A_134, %dma_start3A_143] : memref<16x39x64x64xf32, #tpu.memory_space<hbm>> -> memref<1x13x1x64xf32, #tpu.memory_space<hbm>>
    %dma_start3A_145 = tpu.memref_squeeze %dma_start3A_144 : memref<1x13x1x64xf32, #tpu.memory_space<hbm>> -> memref<13x64xf32, #tpu.memory_space<hbm>>
    tpu.enqueue_dma source(%dma_start3A_145 : memref<13x64xf32, #tpu.memory_space<hbm>>) target(%dma_start3A_142 : memref<13x64xf32, #tpu.memory_space<vmem>>) target_semaphore(%arg19 : memref<!tpu.dma_semaphore, #tpu.memory_space<semaphore_mem>>)
    %convert_element_type3A_146 = arith.sitofp %select_n3A_108 : vector<16xi32> to vector<16xf32>
    %mul3A_147 = arith.constant 3.200000e+01 : f32
    %mul3A_148 = vector.broadcast %mul3A_147 : f32 to vector<16xf32>
    %mul3A_149 = arith.mulf %gather3A_22, %mul3A_148 : vector<16xf32>
    %mul3A_150 = arith.constant 3.200000e+01 : f32
    %mul3A_151 = vector.broadcast %mul3A_150 : f32 to vector<16xf32>
    %mul3A_152 = arith.mulf %gather3A_26, %mul3A_151 : vector<16xf32>
    %convert_element_type3A_153 = arith.fptosi %mul3A_149 : vector<16xf32> to vector<16xi32>
    %max3A_154 = arith.constant 0 : i32
    %max3A_155 = vector.broadcast %max3A_154 : i32 to vector<16xi32>
    %max3A_156 = arith.maxsi %convert_element_type3A_153, %max3A_155 : vector<16xi32>
    %min3A_157 = arith.constant 31 : i32
    %min3A_158 = vector.broadcast %min3A_157 : i32 to vector<16xi32>
    %min3A_159 = arith.minsi %max3A_156, %min3A_158 : vector<16xi32>
    %convert_element_type3A_160 = arith.fptosi %mul3A_152 : vector<16xf32> to vector<16xi32>
    %max3A_161 = arith.constant 0 : i32
    %max3A_162 = vector.broadcast %max3A_161 : i32 to vector<16xi32>
    %max3A_163 = arith.maxsi %convert_element_type3A_160, %max3A_162 : vector<16xi32>
    %min3A_164 = arith.constant 31 : i32
    %min3A_165 = vector.broadcast %min3A_164 : i32 to vector<16xi32>
    %min3A_166 = arith.minsi %max3A_163, %min3A_165 : vector<16xi32>
    %min3A_167 = arith.constant 9.600000e+02 : f32
    %min3A_168 = vector.broadcast %min3A_167 : f32 to vector<16xf32>
    %min3A_169 = arith.minimumf %mul3A_35, %min3A_168 : vector<16xf32>
    %min3A_170 = arith.constant 1.952000e+03 : f32
    %min3A_171 = vector.broadcast %min3A_170 : f32 to vector<16xf32>
    %min3A_172 = arith.minimumf %mul3A_36, %min3A_171 : vector<16xf32>
    %mul3A_173 = arith.mulf %min3A_169, %min3A_172 : vector<16xf32>
    %mul3A_174 = arith.mulf %mul3A_35, %mul3A_36 : vector<16xf32>
    %add3A_175 = arith.constant 1.873920e+06 : f32
    %add3A_176 = vector.broadcast %add3A_175 : f32 to vector<16xf32>
    %add3A_177 = arith.addf %mul3A_174, %add3A_176 : vector<16xf32>
    %sub3A_178 = arith.subf %add3A_177, %mul3A_173 : vector<16xf32>
    %add3A_179 = arith.constant 1.000000e-16 : f32
    %add3A_180 = vector.broadcast %add3A_179 : f32 to vector<16xf32>
    %add3A_181 = arith.addf %sub3A_178, %add3A_180 : vector<16xf32>
    %div3A_182 = arith.divf %mul3A_173, %add3A_181 : vector<16xf32>
    %min3A_183 = arith.constant 1.984000e+03 : f32
    %min3A_184 = vector.broadcast %min3A_183 : f32 to vector<16xf32>
    %min3A_185 = arith.minimumf %mul3A_35, %min3A_184 : vector<16xf32>
    %min3A_186 = arith.constant 1.440000e+03 : f32
    %min3A_187 = vector.broadcast %min3A_186 : f32 to vector<16xf32>
    %min3A_188 = arith.minimumf %mul3A_36, %min3A_187 : vector<16xf32>
    %mul3A_189 = arith.mulf %min3A_185, %min3A_188 : vector<16xf32>
    %mul3A_190 = arith.mulf %mul3A_35, %mul3A_36 : vector<16xf32>
    %add3A_191 = arith.constant 2.856960e+06 : f32
    %add3A_192 = vector.broadcast %add3A_191 : f32 to vector<16xf32>
    %add3A_193 = arith.addf %mul3A_190, %add3A_192 : vector<16xf32>
    %sub3A_194 = arith.subf %add3A_193, %mul3A_189 : vector<16xf32>
    %add3A_195 = arith.constant 1.000000e-16 : f32
    %add3A_196 = vector.broadcast %add3A_195 : f32 to vector<16xf32>
    %add3A_197 = arith.addf %sub3A_194, %add3A_196 : vector<16xf32>
    %div3A_198 = arith.divf %mul3A_189, %add3A_197 : vector<16xf32>
    %min3A_199 = arith.constant 1.888000e+03 : f32
    %min3A_200 = vector.broadcast %min3A_199 : f32 to vector<16xf32>
    %min3A_201 = arith.minimumf %mul3A_35, %min3A_200 : vector<16xf32>
    %min3A_202 = arith.constant 3.808000e+03 : f32
    %min3A_203 = vector.broadcast %min3A_202 : f32 to vector<16xf32>
    %min3A_204 = arith.minimumf %mul3A_36, %min3A_203 : vector<16xf32>
    %mul3A_205 = arith.mulf %min3A_201, %min3A_204 : vector<16xf32>
    %mul3A_206 = arith.mulf %mul3A_35, %mul3A_36 : vector<16xf32>
    %add3A_207 = arith.constant 0x4ADB6800 : f32
    %add3A_208 = vector.broadcast %add3A_207 : f32 to vector<16xf32>
    %add3A_209 = arith.addf %mul3A_206, %add3A_208 : vector<16xf32>
    %sub3A_210 = arith.subf %add3A_209, %mul3A_205 : vector<16xf32>
    %add3A_211 = arith.constant 1.000000e-16 : f32
    %add3A_212 = vector.broadcast %add3A_211 : f32 to vector<16xf32>
    %add3A_213 = arith.addf %sub3A_210, %add3A_212 : vector<16xf32>
    %div3A_214 = arith.divf %mul3A_205, %add3A_213 : vector<16xf32>
    %ge3A_215 = arith.cmpf oge, %div3A_182, %div3A_198 : vector<16xf32>
    %ge3A_216 = arith.cmpf oge, %div3A_182, %div3A_214 : vector<16xf32>
    %and3A_217 = arith.andi %ge3A_215, %ge3A_216 : vector<16xi1>
    %ge3A_218 = arith.cmpf oge, %div3A_198, %div3A_214 : vector<16xf32>
    %jit3A_219 = arith.constant 1 : i32
    %jit3A_220 = arith.constant 2 : i32
    %broadcast_in_dim3A_221 = vector.broadcast %jit3A_219 : i32 to vector<16xi32>
    %broadcast_in_dim3A_222 = vector.broadcast %jit3A_220 : i32 to vector<16xi32>
    %select_n3A_223 = arith.select %ge3A_218, %broadcast_in_dim3A_221, %broadcast_in_dim3A_222 : vector<16xi1>, vector<16xi32>
    %jit3A_224 = arith.constant 0 : i32
    %broadcast_in_dim3A_225 = vector.broadcast %jit3A_224 : i32 to vector<16xi32>
    %select_n3A_226 = arith.select %and3A_217, %broadcast_in_dim3A_225, %select_n3A_223 : vector<16xi1>, vector<16xi32>
    %reduce_max3A_227 = arith.constant true
    %reduce_max3A_228 = vector.broadcast %reduce_max3A_227 : i1 to vector<16xi1>
    %reduce_max3A_229 = arith.constant -2147483648 : i32
    %reduce_max3A_230 = vector.broadcast %reduce_max3A_229 : i32 to vector<16xi32>
    %reduce_max3A_231 = arith.xori %convert_element_type3A, %reduce_max3A_230 : vector<16xi32>
    %reduce_max3A_232 = tpu.scan <max>, %reduce_max3A_231 masked %reduce_max3A_228 : vector<16xi32>, vector<16xi1> -> vector<16xi32>
    %reduce_max3A_233 = arith.xori %reduce_max3A_232, %reduce_max3A_230 : vector<16xi32>
    %reduce_max3A_234 = vector.extract %reduce_max3A_233[15] : i32 from vector<16xi32>
    %mul3A_235 = arith.constant 13 : i32
    %mul3A_236 = vector.broadcast %mul3A_235 : i32 to vector<16xi32>
    %mul3A_237 = arith.muli %select_n3A_226, %mul3A_236 : vector<16xi32>
    %reduce_max3A_238 = arith.constant true
    %reduce_max3A_239 = vector.broadcast %reduce_max3A_238 : i1 to vector<16xi1>
    %reduce_max3A_240 = arith.constant -2147483648 : i32
    %reduce_max3A_241 = vector.broadcast %reduce_max3A_240 : i32 to vector<16xi32>
    %reduce_max3A_242 = arith.xori %mul3A_237, %reduce_max3A_241 : vector<16xi32>
    %reduce_max3A_243 = tpu.scan <max>, %reduce_max3A_242 masked %reduce_max3A_239 : vector<16xi32>, vector<16xi1> -> vector<16xi32>
    %reduce_max3A_244 = arith.xori %reduce_max3A_243, %reduce_max3A_241 : vector<16xi32>
    %reduce_max3A_245 = vector.extract %reduce_max3A_244[15] : i32 from vector<16xi32>
    %reduce_max3A_246 = arith.constant true
    %reduce_max3A_247 = vector.broadcast %reduce_max3A_246 : i1 to vector<16xi1>
    %reduce_max3A_248 = arith.constant -2147483648 : i32
    %reduce_max3A_249 = vector.broadcast %reduce_max3A_248 : i32 to vector<16xi32>
    %reduce_max3A_250 = arith.xori %min3A_166, %reduce_max3A_249 : vector<16xi32>
    %reduce_max3A_251 = tpu.scan <max>, %reduce_max3A_250 masked %reduce_max3A_247 : vector<16xi32>, vector<16xi1> -> vector<16xi32>
    %reduce_max3A_252 = arith.xori %reduce_max3A_251, %reduce_max3A_249 : vector<16xi32>
    %reduce_max3A_253 = vector.extract %reduce_max3A_252[15] : i32 from vector<16xi32>
    %dma_start3A_254 = arith.constant 0 : i32
    %dma_start3A_255 = arith.constant 0 : i32
    %dma_start3A_256 = tpu.memref_slice %arg11[%dma_start3A_254, %dma_start3A_255] : memref<16x32xf32, #tpu.memory_space<vmem>> -> memref<13x32xf32, #tpu.memory_space<vmem>>
    %dma_start3A_257 = arith.constant 0 : i32
    %dma_start3A_258 = tpu.memref_slice %arg3[%reduce_max3A_234, %reduce_max3A_245, %reduce_max3A_253, %dma_start3A_257] : memref<16x39x32x32xf32, #tpu.memory_space<hbm>> -> memref<1x13x1x32xf32, #tpu.memory_space<hbm>>
    %dma_start3A_259 = tpu.memref_squeeze %dma_start3A_258 : memref<1x13x1x32xf32, #tpu.memory_space<hbm>> -> memref<13x32xf32, #tpu.memory_space<hbm>>
    %dma_start3A_260 = arith.constant 0 : i32
    %dma_start3A_261 = arith.constant 0 : i32
    %dma_start3A_262 = tpu.memref_slice %arg11[%dma_start3A_260, %dma_start3A_261] : memref<16x32xf32, #tpu.memory_space<vmem>> -> memref<13x32xf32, #tpu.memory_space<vmem>>
    %dma_start3A_263 = arith.constant 0 : i32
    %dma_start3A_264 = tpu.memref_slice %arg3[%reduce_max3A_234, %reduce_max3A_245, %reduce_max3A_253, %dma_start3A_263] : memref<16x39x32x32xf32, #tpu.memory_space<hbm>> -> memref<1x13x1x32xf32, #tpu.memory_space<hbm>>
    %dma_start3A_265 = tpu.memref_squeeze %dma_start3A_264 : memref<1x13x1x32xf32, #tpu.memory_space<hbm>> -> memref<13x32xf32, #tpu.memory_space<hbm>>
    tpu.enqueue_dma source(%dma_start3A_265 : memref<13x32xf32, #tpu.memory_space<hbm>>) target(%dma_start3A_262 : memref<13x32xf32, #tpu.memory_space<vmem>>) target_semaphore(%arg19 : memref<!tpu.dma_semaphore, #tpu.memory_space<semaphore_mem>>)
    %convert_element_type3A_266 = arith.sitofp %select_n3A_226 : vector<16xi32> to vector<16xf32>
    %mul3A_267 = arith.constant 1.600000e+01 : f32
    %mul3A_268 = vector.broadcast %mul3A_267 : f32 to vector<16xf32>
    %mul3A_269 = arith.mulf %gather3A_22, %mul3A_268 : vector<16xf32>
    %mul3A_270 = arith.constant 1.600000e+01 : f32
    %mul3A_271 = vector.broadcast %mul3A_270 : f32 to vector<16xf32>
    %mul3A_272 = arith.mulf %gather3A_26, %mul3A_271 : vector<16xf32>
    %convert_element_type3A_273 = arith.fptosi %mul3A_269 : vector<16xf32> to vector<16xi32>
    %max3A_274 = arith.constant 0 : i32
    %max3A_275 = vector.broadcast %max3A_274 : i32 to vector<16xi32>
    %max3A_276 = arith.maxsi %convert_element_type3A_273, %max3A_275 : vector<16xi32>
    %min3A_277 = arith.constant 15 : i32
    %min3A_278 = vector.broadcast %min3A_277 : i32 to vector<16xi32>
    %min3A_279 = arith.minsi %max3A_276, %min3A_278 : vector<16xi32>
    %convert_element_type3A_280 = arith.fptosi %mul3A_272 : vector<16xf32> to vector<16xi32>
    %max3A_281 = arith.constant 0 : i32
    %max3A_282 = vector.broadcast %max3A_281 : i32 to vector<16xi32>
    %max3A_283 = arith.maxsi %convert_element_type3A_280, %max3A_282 : vector<16xi32>
    %min3A_284 = arith.constant 15 : i32
    %min3A_285 = vector.broadcast %min3A_284 : i32 to vector<16xi32>
    %min3A_286 = arith.minsi %max3A_283, %min3A_285 : vector<16xi32>
    %min3A_287 = arith.constant 1.856000e+03 : f32
    %min3A_288 = vector.broadcast %min3A_287 : f32 to vector<16xf32>
    %min3A_289 = arith.minimumf %mul3A_35, %min3A_288 : vector<16xf32>
    %min3A_290 = arith.constant 1.440000e+03 : f32
    %min3A_291 = vector.broadcast %min3A_290 : f32 to vector<16xf32>
    %min3A_292 = arith.minimumf %mul3A_36, %min3A_291 : vector<16xf32>
    %mul3A_293 = arith.mulf %min3A_289, %min3A_292 : vector<16xf32>
    %mul3A_294 = arith.mulf %mul3A_35, %mul3A_36 : vector<16xf32>
    %add3A_295 = arith.constant 2.672640e+06 : f32
    %add3A_296 = vector.broadcast %add3A_295 : f32 to vector<16xf32>
    %add3A_297 = arith.addf %mul3A_294, %add3A_296 : vector<16xf32>
    %sub3A_298 = arith.subf %add3A_297, %mul3A_293 : vector<16xf32>
    %add3A_299 = arith.constant 1.000000e-16 : f32
    %add3A_300 = vector.broadcast %add3A_299 : f32 to vector<16xf32>
    %add3A_301 = arith.addf %sub3A_298, %add3A_300 : vector<16xf32>
    %div3A_302 = arith.divf %mul3A_293, %add3A_301 : vector<16xf32>
    %min3A_303 = arith.constant 2.496000e+03 : f32
    %min3A_304 = vector.broadcast %min3A_303 : f32 to vector<16xf32>
    %min3A_305 = arith.minimumf %mul3A_35, %min3A_304 : vector<16xf32>
    %min3A_306 = arith.constant 3.168000e+03 : f32
    %min3A_307 = vector.broadcast %min3A_306 : f32 to vector<16xf32>
    %min3A_308 = arith.minimumf %mul3A_36, %min3A_307 : vector<16xf32>
    %mul3A_309 = arith.mulf %min3A_305, %min3A_308 : vector<16xf32>
    %mul3A_310 = arith.mulf %mul3A_35, %mul3A_36 : vector<16xf32>
    %add3A_311 = arith.constant 0x4AF15000 : f32
    %add3A_312 = vector.broadcast %add3A_311 : f32 to vector<16xf32>
    %add3A_313 = arith.addf %mul3A_310, %add3A_312 : vector<16xf32>
    %sub3A_314 = arith.subf %add3A_313, %mul3A_309 : vector<16xf32>
    %add3A_315 = arith.constant 1.000000e-16 : f32
    %add3A_316 = vector.broadcast %add3A_315 : f32 to vector<16xf32>
    %add3A_317 = arith.addf %sub3A_314, %add3A_316 : vector<16xf32>
    %div3A_318 = arith.divf %mul3A_309, %add3A_317 : vector<16xf32>
    %min3A_319 = arith.constant 5.968000e+03 : f32
    %min3A_320 = vector.broadcast %min3A_319 : f32 to vector<16xf32>
    %min3A_321 = arith.minimumf %mul3A_35, %min3A_320 : vector<16xf32>
    %min3A_322 = arith.constant 5.216000e+03 : f32
    %min3A_323 = vector.broadcast %min3A_322 : f32 to vector<16xf32>
    %min3A_324 = arith.minimumf %mul3A_36, %min3A_323 : vector<16xf32>
    %mul3A_325 = arith.mulf %min3A_321, %min3A_324 : vector<16xf32>
    %mul3A_326 = arith.mulf %mul3A_35, %mul3A_36 : vector<16xf32>
    %add3A_327 = arith.constant 0x4BED7F00 : f32
    %add3A_328 = vector.broadcast %add3A_327 : f32 to vector<16xf32>
    %add3A_329 = arith.addf %mul3A_326, %add3A_328 : vector<16xf32>
    %sub3A_330 = arith.subf %add3A_329, %mul3A_325 : vector<16xf32>
    %add3A_331 = arith.constant 1.000000e-16 : f32
    %add3A_332 = vector.broadcast %add3A_331 : f32 to vector<16xf32>
    %add3A_333 = arith.addf %sub3A_330, %add3A_332 : vector<16xf32>
    %div3A_334 = arith.divf %mul3A_325, %add3A_333 : vector<16xf32>
    %ge3A_335 = arith.cmpf oge, %div3A_302, %div3A_318 : vector<16xf32>
    %ge3A_336 = arith.cmpf oge, %div3A_302, %div3A_334 : vector<16xf32>
    %and3A_337 = arith.andi %ge3A_335, %ge3A_336 : vector<16xi1>
    %ge3A_338 = arith.cmpf oge, %div3A_318, %div3A_334 : vector<16xf32>
    %jit3A_339 = arith.constant 1 : i32
    %jit3A_340 = arith.constant 2 : i32
    %broadcast_in_dim3A_341 = vector.broadcast %jit3A_339 : i32 to vector<16xi32>
    %broadcast_in_dim3A_342 = vector.broadcast %jit3A_340 : i32 to vector<16xi32>
    %select_n3A_343 = arith.select %ge3A_338, %broadcast_in_dim3A_341, %broadcast_in_dim3A_342 : vector<16xi1>, vector<16xi32>
    %jit3A_344 = arith.constant 0 : i32
    %broadcast_in_dim3A_345 = vector.broadcast %jit3A_344 : i32 to vector<16xi32>
    %select_n3A_346 = arith.select %and3A_337, %broadcast_in_dim3A_345, %select_n3A_343 : vector<16xi1>, vector<16xi32>
    %reduce_max3A_347 = arith.constant true
    %reduce_max3A_348 = vector.broadcast %reduce_max3A_347 : i1 to vector<16xi1>
    %reduce_max3A_349 = arith.constant -2147483648 : i32
    %reduce_max3A_350 = vector.broadcast %reduce_max3A_349 : i32 to vector<16xi32>
    %reduce_max3A_351 = arith.xori %convert_element_type3A, %reduce_max3A_350 : vector<16xi32>
    %reduce_max3A_352 = tpu.scan <max>, %reduce_max3A_351 masked %reduce_max3A_348 : vector<16xi32>, vector<16xi1> -> vector<16xi32>
    %reduce_max3A_353 = arith.xori %reduce_max3A_352, %reduce_max3A_350 : vector<16xi32>
    %reduce_max3A_354 = vector.extract %reduce_max3A_353[15] : i32 from vector<16xi32>
    %mul3A_355 = arith.constant 13 : i32
    %mul3A_356 = vector.broadcast %mul3A_355 : i32 to vector<16xi32>
    %mul3A_357 = arith.muli %select_n3A_346, %mul3A_356 : vector<16xi32>
    %reduce_max3A_358 = arith.constant true
    %reduce_max3A_359 = vector.broadcast %reduce_max3A_358 : i1 to vector<16xi1>
    %reduce_max3A_360 = arith.constant -2147483648 : i32
    %reduce_max3A_361 = vector.broadcast %reduce_max3A_360 : i32 to vector<16xi32>
    %reduce_max3A_362 = arith.xori %mul3A_357, %reduce_max3A_361 : vector<16xi32>
    %reduce_max3A_363 = tpu.scan <max>, %reduce_max3A_362 masked %reduce_max3A_359 : vector<16xi32>, vector<16xi1> -> vector<16xi32>
    %reduce_max3A_364 = arith.xori %reduce_max3A_363, %reduce_max3A_361 : vector<16xi32>
    %reduce_max3A_365 = vector.extract %reduce_max3A_364[15] : i32 from vector<16xi32>
    %reduce_max3A_366 = arith.constant true
    %reduce_max3A_367 = vector.broadcast %reduce_max3A_366 : i1 to vector<16xi1>
    %reduce_max3A_368 = arith.constant -2147483648 : i32
    %reduce_max3A_369 = vector.broadcast %reduce_max3A_368 : i32 to vector<16xi32>
    %reduce_max3A_370 = arith.xori %min3A_286, %reduce_max3A_369 : vector<16xi32>
    %reduce_max3A_371 = tpu.scan <max>, %reduce_max3A_370 masked %reduce_max3A_367 : vector<16xi32>, vector<16xi1> -> vector<16xi32>
    %reduce_max3A_372 = arith.xori %reduce_max3A_371, %reduce_max3A_369 : vector<16xi32>
    %reduce_max3A_373 = vector.extract %reduce_max3A_372[15] : i32 from vector<16xi32>
    %dma_start3A_374 = arith.constant 0 : i32
    %dma_start3A_375 = arith.constant 0 : i32
    %dma_start3A_376 = tpu.memref_slice %arg12[%dma_start3A_374, %dma_start3A_375] : memref<16x16xf32, #tpu.memory_space<vmem>> -> memref<13x16xf32, #tpu.memory_space<vmem>>
    %dma_start3A_377 = arith.constant 0 : i32
    %dma_start3A_378 = tpu.memref_slice %arg4[%reduce_max3A_354, %reduce_max3A_365, %reduce_max3A_373, %dma_start3A_377] : memref<16x39x16x16xf32, #tpu.memory_space<hbm>> -> memref<1x13x1x16xf32, #tpu.memory_space<hbm>>
    %dma_start3A_379 = tpu.memref_squeeze %dma_start3A_378 : memref<1x13x1x16xf32, #tpu.memory_space<hbm>> -> memref<13x16xf32, #tpu.memory_space<hbm>>
    %dma_start3A_380 = arith.constant 0 : i32
    %dma_start3A_381 = arith.constant 0 : i32
    %dma_start3A_382 = tpu.memref_slice %arg12[%dma_start3A_380, %dma_start3A_381] : memref<16x16xf32, #tpu.memory_space<vmem>> -> memref<13x16xf32, #tpu.memory_space<vmem>>
    %dma_start3A_383 = arith.constant 0 : i32
    %dma_start3A_384 = tpu.memref_slice %arg4[%reduce_max3A_354, %reduce_max3A_365, %reduce_max3A_373, %dma_start3A_383] : memref<16x39x16x16xf32, #tpu.memory_space<hbm>> -> memref<1x13x1x16xf32, #tpu.memory_space<hbm>>
    %dma_start3A_385 = tpu.memref_squeeze %dma_start3A_384 : memref<1x13x1x16xf32, #tpu.memory_space<hbm>> -> memref<13x16xf32, #tpu.memory_space<hbm>>
    tpu.enqueue_dma source(%dma_start3A_385 : memref<13x16xf32, #tpu.memory_space<hbm>>) target(%dma_start3A_382 : memref<13x16xf32, #tpu.memory_space<vmem>>) target_semaphore(%arg19 : memref<!tpu.dma_semaphore, #tpu.memory_space<semaphore_mem>>)
    %convert_element_type3A_386 = arith.sitofp %select_n3A_346 : vector<16xi32> to vector<16xf32>
    %mul3A_387 = arith.constant 2 : i32
    %mul3A_388 = arith.muli %add3A, %mul3A_387 : i32
    %add3A_389 = arith.constant 1 : i32
    %add3A_390 = arith.addi %mul3A_388, %add3A_389 : i32
    %mul3A_391 = arith.constant 6 : i32
    %mul3A_392 = arith.muli %add3A_390, %mul3A_391 : i32
    %add3A_393 = vector.broadcast %mul3A_392 : i32 to vector<16xi32>
    %add3A_394 = arith.addi %mul3A_3, %add3A_393 : vector<16xi32>
    %gather3A_395 = tpu.vector_load_idx %arg8[%add3A_394] : memref<384xf32, #tpu.memory_space<vmem>>[vector<16xi32>], vector<16xf32>,
    %add3A_396 = arith.constant 2 : i32
    %add3A_397 = vector.broadcast %add3A_396 : i32 to vector<16xi32>
    %add3A_398 = arith.addi %add3A_394, %add3A_397 : vector<16xi32>
    %gather3A_399 = tpu.vector_load_idx %arg8[%add3A_398] : memref<384xf32, #tpu.memory_space<vmem>>[vector<16xi32>], vector<16xf32>,
    %add3A_400 = arith.constant 3 : i32
    %add3A_401 = vector.broadcast %add3A_400 : i32 to vector<16xi32>
    %add3A_402 = arith.addi %add3A_394, %add3A_401 : vector<16xi32>
    %gather3A_403 = tpu.vector_load_idx %arg8[%add3A_402] : memref<384xf32, #tpu.memory_space<vmem>>[vector<16xi32>], vector<16xf32>,
    %add3A_404 = arith.constant 4 : i32
    %add3A_405 = vector.broadcast %add3A_404 : i32 to vector<16xi32>
    %add3A_406 = arith.addi %add3A_394, %add3A_405 : vector<16xi32>
    %gather3A_407 = tpu.vector_load_idx %arg8[%add3A_406] : memref<384xf32, #tpu.memory_space<vmem>>[vector<16xi32>], vector<16xf32>,
    %add3A_408 = arith.constant 5 : i32
    %add3A_409 = vector.broadcast %add3A_408 : i32 to vector<16xi32>
    %add3A_410 = arith.addi %add3A_394, %add3A_409 : vector<16xi32>
    %gather3A_411 = tpu.vector_load_idx %arg8[%add3A_410] : memref<384xf32, #tpu.memory_space<vmem>>[vector<16xi32>], vector<16xf32>,
    %convert_element_type3A_412 = arith.fptosi %gather3A_395 : vector<16xf32> to vector<16xi32>
    %mul3A_413 = arith.mulf %gather3A_407, %gather3A : vector<16xf32>
    %mul3A_414 = arith.mulf %gather3A_411, %gather3A_9 : vector<16xf32>
    %mul3A_415 = arith.constant 6.400000e+01 : f32
    %mul3A_416 = vector.broadcast %mul3A_415 : f32 to vector<16xf32>
    %mul3A_417 = arith.mulf %gather3A_399, %mul3A_416 : vector<16xf32>
    %mul3A_418 = arith.constant 6.400000e+01 : f32
    %mul3A_419 = vector.broadcast %mul3A_418 : f32 to vector<16xf32>
    %mul3A_420 = arith.mulf %gather3A_403, %mul3A_419 : vector<16xf32>
    %convert_element_type3A_421 = arith.fptosi %mul3A_417 : vector<16xf32> to vector<16xi32>
    %max3A_422 = arith.constant 0 : i32
    %max3A_423 = vector.broadcast %max3A_422 : i32 to vector<16xi32>
    %max3A_424 = arith.maxsi %convert_element_type3A_421, %max3A_423 : vector<16xi32>
    %min3A_425 = arith.constant 63 : i32
    %min3A_426 = vector.broadcast %min3A_425 : i32 to vector<16xi32>
    %min3A_427 = arith.minsi %max3A_424, %min3A_426 : vector<16xi32>
    %convert_element_type3A_428 = arith.fptosi %mul3A_420 : vector<16xf32> to vector<16xi32>
    %max3A_429 = arith.constant 0 : i32
    %max3A_430 = vector.broadcast %max3A_429 : i32 to vector<16xi32>
    %max3A_431 = arith.maxsi %convert_element_type3A_428, %max3A_430 : vector<16xi32>
    %min3A_432 = arith.constant 63 : i32
    %min3A_433 = vector.broadcast %min3A_432 : i32 to vector<16xi32>
    %min3A_434 = arith.minsi %max3A_431, %min3A_433 : vector<16xi32>
    %min3A_435 = arith.constant 6.400000e+02 : f32
    %min3A_436 = vector.broadcast %min3A_435 : f32 to vector<16xf32>
    %min3A_437 = arith.minimumf %mul3A_413, %min3A_436 : vector<16xf32>
    %min3A_438 = arith.constant 8.320000e+02 : f32
    %min3A_439 = vector.broadcast %min3A_438 : f32 to vector<16xf32>
    %min3A_440 = arith.minimumf %mul3A_414, %min3A_439 : vector<16xf32>
    %mul3A_441 = arith.mulf %min3A_437, %min3A_440 : vector<16xf32>
    %mul3A_442 = arith.mulf %mul3A_413, %mul3A_414 : vector<16xf32>
    %add3A_443 = arith.constant 5.324800e+05 : f32
    %add3A_444 = vector.broadcast %add3A_443 : f32 to vector<16xf32>
    %add3A_445 = arith.addf %mul3A_442, %add3A_444 : vector<16xf32>
    %sub3A_446 = arith.subf %add3A_445, %mul3A_441 : vector<16xf32>
    %add3A_447 = arith.constant 1.000000e-16 : f32
    %add3A_448 = vector.broadcast %add3A_447 : f32 to vector<16xf32>
    %add3A_449 = arith.addf %sub3A_446, %add3A_448 : vector<16xf32>
    %div3A_450 = arith.divf %mul3A_441, %add3A_449 : vector<16xf32>
    %min3A_451 = arith.constant 1.024000e+03 : f32
    %min3A_452 = vector.broadcast %min3A_451 : f32 to vector<16xf32>
    %min3A_453 = arith.minimumf %mul3A_413, %min3A_452 : vector<16xf32>
    %min3A_454 = arith.constant 1.920000e+03 : f32
    %min3A_455 = vector.broadcast %min3A_454 : f32 to vector<16xf32>
    %min3A_456 = arith.minimumf %mul3A_414, %min3A_455 : vector<16xf32>
    %mul3A_457 = arith.mulf %min3A_453, %min3A_456 : vector<16xf32>
    %mul3A_458 = arith.mulf %mul3A_413, %mul3A_414 : vector<16xf32>
    %add3A_459 = arith.constant 1.966080e+06 : f32
    %add3A_460 = vector.broadcast %add3A_459 : f32 to vector<16xf32>
    %add3A_461 = arith.addf %mul3A_458, %add3A_460 : vector<16xf32>
    %sub3A_462 = arith.subf %add3A_461, %mul3A_457 : vector<16xf32>
    %add3A_463 = arith.constant 1.000000e-16 : f32
    %add3A_464 = vector.broadcast %add3A_463 : f32 to vector<16xf32>
    %add3A_465 = arith.addf %sub3A_462, %add3A_464 : vector<16xf32>
    %div3A_466 = arith.divf %mul3A_457, %add3A_465 : vector<16xf32>
    %min3A_467 = arith.constant 2.112000e+03 : f32
    %min3A_468 = vector.broadcast %min3A_467 : f32 to vector<16xf32>
    %min3A_469 = arith.minimumf %mul3A_413, %min3A_468 : vector<16xf32>
    %min3A_470 = arith.constant 1.472000e+03 : f32
    %min3A_471 = vector.broadcast %min3A_470 : f32 to vector<16xf32>
    %min3A_472 = arith.minimumf %mul3A_414, %min3A_471 : vector<16xf32>
    %mul3A_473 = arith.mulf %min3A_469, %min3A_472 : vector<16xf32>
    %mul3A_474 = arith.mulf %mul3A_413, %mul3A_414 : vector<16xf32>
    %add3A_475 = arith.constant 0x4A3DC000 : f32
    %add3A_476 = vector.broadcast %add3A_475 : f32 to vector<16xf32>
    %add3A_477 = arith.addf %mul3A_474, %add3A_476 : vector<16xf32>
    %sub3A_478 = arith.subf %add3A_477, %mul3A_473 : vector<16xf32>
    %add3A_479 = arith.constant 1.000000e-16 : f32
    %add3A_480 = vector.broadcast %add3A_479 : f32 to vector<16xf32>
    %add3A_481 = arith.addf %sub3A_478, %add3A_480 : vector<16xf32>
    %div3A_482 = arith.divf %mul3A_473, %add3A_481 : vector<16xf32>
    %ge3A_483 = arith.cmpf oge, %div3A_450, %div3A_466 : vector<16xf32>
    %ge3A_484 = arith.cmpf oge, %div3A_450, %div3A_482 : vector<16xf32>
    %and3A_485 = arith.andi %ge3A_483, %ge3A_484 : vector<16xi1>
    %ge3A_486 = arith.cmpf oge, %div3A_466, %div3A_482 : vector<16xf32>
    %jit3A_487 = arith.constant 1 : i32
    %jit3A_488 = arith.constant 2 : i32
    %broadcast_in_dim3A_489 = vector.broadcast %jit3A_487 : i32 to vector<16xi32>
    %broadcast_in_dim3A_490 = vector.broadcast %jit3A_488 : i32 to vector<16xi32>
    %select_n3A_491 = arith.select %ge3A_486, %broadcast_in_dim3A_489, %broadcast_in_dim3A_490 : vector<16xi1>, vector<16xi32>
    %jit3A_492 = arith.constant 0 : i32
    %broadcast_in_dim3A_493 = vector.broadcast %jit3A_492 : i32 to vector<16xi32>
    %select_n3A_494 = arith.select %and3A_485, %broadcast_in_dim3A_493, %select_n3A_491 : vector<16xi1>, vector<16xi32>
    %reduce_max3A_495 = arith.constant true
    %reduce_max3A_496 = vector.broadcast %reduce_max3A_495 : i1 to vector<16xi1>
    %reduce_max3A_497 = arith.constant -2147483648 : i32
    %reduce_max3A_498 = vector.broadcast %reduce_max3A_497 : i32 to vector<16xi32>
    %reduce_max3A_499 = arith.xori %convert_element_type3A_412, %reduce_max3A_498 : vector<16xi32>
    %reduce_max3A_500 = tpu.scan <max>, %reduce_max3A_499 masked %reduce_max3A_496 : vector<16xi32>, vector<16xi1> -> vector<16xi32>
    %reduce_max3A_501 = arith.xori %reduce_max3A_500, %reduce_max3A_498 : vector<16xi32>
    %reduce_max3A_502 = vector.extract %reduce_max3A_501[15] : i32 from vector<16xi32>
    %mul3A_503 = arith.constant 13 : i32
    %mul3A_504 = vector.broadcast %mul3A_503 : i32 to vector<16xi32>
    %mul3A_505 = arith.muli %select_n3A_494, %mul3A_504 : vector<16xi32>
    %reduce_max3A_506 = arith.constant true
    %reduce_max3A_507 = vector.broadcast %reduce_max3A_506 : i1 to vector<16xi1>
    %reduce_max3A_508 = arith.constant -2147483648 : i32
    %reduce_max3A_509 = vector.broadcast %reduce_max3A_508 : i32 to vector<16xi32>
    %reduce_max3A_510 = arith.xori %mul3A_505, %reduce_max3A_509 : vector<16xi32>
    %reduce_max3A_511 = tpu.scan <max>, %reduce_max3A_510 masked %reduce_max3A_507 : vector<16xi32>, vector<16xi1> -> vector<16xi32>
    %reduce_max3A_512 = arith.xori %reduce_max3A_511, %reduce_max3A_509 : vector<16xi32>
    %reduce_max3A_513 = vector.extract %reduce_max3A_512[15] : i32 from vector<16xi32>
    %reduce_max3A_514 = arith.constant true
    %reduce_max3A_515 = vector.broadcast %reduce_max3A_514 : i1 to vector<16xi1>
    %reduce_max3A_516 = arith.constant -2147483648 : i32
    %reduce_max3A_517 = vector.broadcast %reduce_max3A_516 : i32 to vector<16xi32>
    %reduce_max3A_518 = arith.xori %min3A_434, %reduce_max3A_517 : vector<16xi32>
    %reduce_max3A_519 = tpu.scan <max>, %reduce_max3A_518 masked %reduce_max3A_515 : vector<16xi32>, vector<16xi1> -> vector<16xi32>
    %reduce_max3A_520 = arith.xori %reduce_max3A_519, %reduce_max3A_517 : vector<16xi32>
    %reduce_max3A_521 = vector.extract %reduce_max3A_520[15] : i32 from vector<16xi32>
    %dma_start3A_522 = arith.constant 0 : i32
    %dma_start3A_523 = arith.constant 0 : i32
    %dma_start3A_524 = tpu.memref_slice %arg13[%dma_start3A_522, %dma_start3A_523] : memref<16x64xf32, #tpu.memory_space<vmem>> -> memref<13x64xf32, #tpu.memory_space<vmem>>
    %dma_start3A_525 = arith.constant 0 : i32
    %dma_start3A_526 = tpu.memref_slice %arg2[%reduce_max3A_502, %reduce_max3A_513, %reduce_max3A_521, %dma_start3A_525] : memref<16x39x64x64xf32, #tpu.memory_space<hbm>> -> memref<1x13x1x64xf32, #tpu.memory_space<hbm>>
    %dma_start3A_527 = tpu.memref_squeeze %dma_start3A_526 : memref<1x13x1x64xf32, #tpu.memory_space<hbm>> -> memref<13x64xf32, #tpu.memory_space<hbm>>
    %dma_start3A_528 = arith.constant 0 : i32
    %dma_start3A_529 = arith.constant 0 : i32
    %dma_start3A_530 = tpu.memref_slice %arg13[%dma_start3A_528, %dma_start3A_529] : memref<16x64xf32, #tpu.memory_space<vmem>> -> memref<13x64xf32, #tpu.memory_space<vmem>>
    %dma_start3A_531 = arith.constant 0 : i32
    %dma_start3A_532 = tpu.memref_slice %arg2[%reduce_max3A_502, %reduce_max3A_513, %reduce_max3A_521, %dma_start3A_531] : memref<16x39x64x64xf32, #tpu.memory_space<hbm>> -> memref<1x13x1x64xf32, #tpu.memory_space<hbm>>
    %dma_start3A_533 = tpu.memref_squeeze %dma_start3A_532 : memref<1x13x1x64xf32, #tpu.memory_space<hbm>> -> memref<13x64xf32, #tpu.memory_space<hbm>>
    tpu.enqueue_dma source(%dma_start3A_533 : memref<13x64xf32, #tpu.memory_space<hbm>>) target(%dma_start3A_530 : memref<13x64xf32, #tpu.memory_space<vmem>>) target_semaphore(%arg19 : memref<!tpu.dma_semaphore, #tpu.memory_space<semaphore_mem>>)
    %convert_element_type3A_534 = arith.sitofp %select_n3A_494 : vector<16xi32> to vector<16xf32>
    %mul3A_535 = arith.constant 3.200000e+01 : f32
    %mul3A_536 = vector.broadcast %mul3A_535 : f32 to vector<16xf32>
    %mul3A_537 = arith.mulf %gather3A_399, %mul3A_536 : vector<16xf32>
    %mul3A_538 = arith.constant 3.200000e+01 : f32
    %mul3A_539 = vector.broadcast %mul3A_538 : f32 to vector<16xf32>
    %mul3A_540 = arith.mulf %gather3A_403, %mul3A_539 : vector<16xf32>
    %convert_element_type3A_541 = arith.fptosi %mul3A_537 : vector<16xf32> to vector<16xi32>
    %max3A_542 = arith.constant 0 : i32
    %max3A_543 = vector.broadcast %max3A_542 : i32 to vector<16xi32>
    %max3A_544 = arith.maxsi %convert_element_type3A_541, %max3A_543 : vector<16xi32>
    %min3A_545 = arith.constant 31 : i32
    %min3A_546 = vector.broadcast %min3A_545 : i32 to vector<16xi32>
    %min3A_547 = arith.minsi %max3A_544, %min3A_546 : vector<16xi32>
    %convert_element_type3A_548 = arith.fptosi %mul3A_540 : vector<16xf32> to vector<16xi32>
    %max3A_549 = arith.constant 0 : i32
    %max3A_550 = vector.broadcast %max3A_549 : i32 to vector<16xi32>
    %max3A_551 = arith.maxsi %convert_element_type3A_548, %max3A_550 : vector<16xi32>
    %min3A_552 = arith.constant 31 : i32
    %min3A_553 = vector.broadcast %min3A_552 : i32 to vector<16xi32>
    %min3A_554 = arith.minsi %max3A_551, %min3A_553 : vector<16xi32>
    %min3A_555 = arith.constant 9.600000e+02 : f32
    %min3A_556 = vector.broadcast %min3A_555 : f32 to vector<16xf32>
    %min3A_557 = arith.minimumf %mul3A_413, %min3A_556 : vector<16xf32>
    %min3A_558 = arith.constant 1.952000e+03 : f32
    %min3A_559 = vector.broadcast %min3A_558 : f32 to vector<16xf32>
    %min3A_560 = arith.minimumf %mul3A_414, %min3A_559 : vector<16xf32>
    %mul3A_561 = arith.mulf %min3A_557, %min3A_560 : vector<16xf32>
    %mul3A_562 = arith.mulf %mul3A_413, %mul3A_414 : vector<16xf32>
    %add3A_563 = arith.constant 1.873920e+06 : f32
    %add3A_564 = vector.broadcast %add3A_563 : f32 to vector<16xf32>
    %add3A_565 = arith.addf %mul3A_562, %add3A_564 : vector<16xf32>
    %sub3A_566 = arith.subf %add3A_565, %mul3A_561 : vector<16xf32>
    %add3A_567 = arith.constant 1.000000e-16 : f32
    %add3A_568 = vector.broadcast %add3A_567 : f32 to vector<16xf32>
    %add3A_569 = arith.addf %sub3A_566, %add3A_568 : vector<16xf32>
    %div3A_570 = arith.divf %mul3A_561, %add3A_569 : vector<16xf32>
    %min3A_571 = arith.constant 1.984000e+03 : f32
    %min3A_572 = vector.broadcast %min3A_571 : f32 to vector<16xf32>
    %min3A_573 = arith.minimumf %mul3A_413, %min3A_572 : vector<16xf32>
    %min3A_574 = arith.constant 1.440000e+03 : f32
    %min3A_575 = vector.broadcast %min3A_574 : f32 to vector<16xf32>
    %min3A_576 = arith.minimumf %mul3A_414, %min3A_575 : vector<16xf32>
    %mul3A_577 = arith.mulf %min3A_573, %min3A_576 : vector<16xf32>
    %mul3A_578 = arith.mulf %mul3A_413, %mul3A_414 : vector<16xf32>
    %add3A_579 = arith.constant 2.856960e+06 : f32
    %add3A_580 = vector.broadcast %add3A_579 : f32 to vector<16xf32>
    %add3A_581 = arith.addf %mul3A_578, %add3A_580 : vector<16xf32>
    %sub3A_582 = arith.subf %add3A_581, %mul3A_577 : vector<16xf32>
    %add3A_583 = arith.constant 1.000000e-16 : f32
    %add3A_584 = vector.broadcast %add3A_583 : f32 to vector<16xf32>
    %add3A_585 = arith.addf %sub3A_582, %add3A_584 : vector<16xf32>
    %div3A_586 = arith.divf %mul3A_577, %add3A_585 : vector<16xf32>
    %min3A_587 = arith.constant 1.888000e+03 : f32
    %min3A_588 = vector.broadcast %min3A_587 : f32 to vector<16xf32>
    %min3A_589 = arith.minimumf %mul3A_413, %min3A_588 : vector<16xf32>
    %min3A_590 = arith.constant 3.808000e+03 : f32
    %min3A_591 = vector.broadcast %min3A_590 : f32 to vector<16xf32>
    %min3A_592 = arith.minimumf %mul3A_414, %min3A_591 : vector<16xf32>
    %mul3A_593 = arith.mulf %min3A_589, %min3A_592 : vector<16xf32>
    %mul3A_594 = arith.mulf %mul3A_413, %mul3A_414 : vector<16xf32>
    %add3A_595 = arith.constant 0x4ADB6800 : f32
    %add3A_596 = vector.broadcast %add3A_595 : f32 to vector<16xf32>
    %add3A_597 = arith.addf %mul3A_594, %add3A_596 : vector<16xf32>
    %sub3A_598 = arith.subf %add3A_597, %mul3A_593 : vector<16xf32>
    %add3A_599 = arith.constant 1.000000e-16 : f32
    %add3A_600 = vector.broadcast %add3A_599 : f32 to vector<16xf32>
    %add3A_601 = arith.addf %sub3A_598, %add3A_600 : vector<16xf32>
    %div3A_602 = arith.divf %mul3A_593, %add3A_601 : vector<16xf32>
    %ge3A_603 = arith.cmpf oge, %div3A_570, %div3A_586 : vector<16xf32>
    %ge3A_604 = arith.cmpf oge, %div3A_570, %div3A_602 : vector<16xf32>
    %and3A_605 = arith.andi %ge3A_603, %ge3A_604 : vector<16xi1>
    %ge3A_606 = arith.cmpf oge, %div3A_586, %div3A_602 : vector<16xf32>
    %jit3A_607 = arith.constant 1 : i32
    %jit3A_608 = arith.constant 2 : i32
    %broadcast_in_dim3A_609 = vector.broadcast %jit3A_607 : i32 to vector<16xi32>
    %broadcast_in_dim3A_610 = vector.broadcast %jit3A_608 : i32 to vector<16xi32>
    %select_n3A_611 = arith.select %ge3A_606, %broadcast_in_dim3A_609, %broadcast_in_dim3A_610 : vector<16xi1>, vector<16xi32>
    %jit3A_612 = arith.constant 0 : i32
    %broadcast_in_dim3A_613 = vector.broadcast %jit3A_612 : i32 to vector<16xi32>
    %select_n3A_614 = arith.select %and3A_605, %broadcast_in_dim3A_613, %select_n3A_611 : vector<16xi1>, vector<16xi32>
    %reduce_max3A_615 = arith.constant true
    %reduce_max3A_616 = vector.broadcast %reduce_max3A_615 : i1 to vector<16xi1>
    %reduce_max3A_617 = arith.constant -2147483648 : i32
    %reduce_max3A_618 = vector.broadcast %reduce_max3A_617 : i32 to vector<16xi32>
    %reduce_max3A_619 = arith.xori %convert_element_type3A_412, %reduce_max3A_618 : vector<16xi32>
    %reduce_max3A_620 = tpu.scan <max>, %reduce_max3A_619 masked %reduce_max3A_616 : vector<16xi32>, vector<16xi1> -> vector<16xi32>
    %reduce_max3A_621 = arith.xori %reduce_max3A_620, %reduce_max3A_618 : vector<16xi32>
    %reduce_max3A_622 = vector.extract %reduce_max3A_621[15] : i32 from vector<16xi32>
    %mul3A_623 = arith.constant 13 : i32
    %mul3A_624 = vector.broadcast %mul3A_623 : i32 to vector<16xi32>
    %mul3A_625 = arith.muli %select_n3A_614, %mul3A_624 : vector<16xi32>
    %reduce_max3A_626 = arith.constant true
    %reduce_max3A_627 = vector.broadcast %reduce_max3A_626 : i1 to vector<16xi1>
    %reduce_max3A_628 = arith.constant -2147483648 : i32
    %reduce_max3A_629 = vector.broadcast %reduce_max3A_628 : i32 to vector<16xi32>
    %reduce_max3A_630 = arith.xori %mul3A_625, %reduce_max3A_629 : vector<16xi32>
    %reduce_max3A_631 = tpu.scan <max>, %reduce_max3A_630 masked %reduce_max3A_627 : vector<16xi32>, vector<16xi1> -> vector<16xi32>
    %reduce_max3A_632 = arith.xori %reduce_max3A_631, %reduce_max3A_629 : vector<16xi32>
    %reduce_max3A_633 = vector.extract %reduce_max3A_632[15] : i32 from vector<16xi32>
    %reduce_max3A_634 = arith.constant true
    %reduce_max3A_635 = vector.broadcast %reduce_max3A_634 : i1 to vector<16xi1>
    %reduce_max3A_636 = arith.constant -2147483648 : i32
    %reduce_max3A_637 = vector.broadcast %reduce_max3A_636 : i32 to vector<16xi32>
    %reduce_max3A_638 = arith.xori %min3A_554, %reduce_max3A_637 : vector<16xi32>
    %reduce_max3A_639 = tpu.scan <max>, %reduce_max3A_638 masked %reduce_max3A_635 : vector<16xi32>, vector<16xi1> -> vector<16xi32>
    %reduce_max3A_640 = arith.xori %reduce_max3A_639, %reduce_max3A_637 : vector<16xi32>
    %reduce_max3A_641 = vector.extract %reduce_max3A_640[15] : i32 from vector<16xi32>
    %dma_start3A_642 = arith.constant 0 : i32
    %dma_start3A_643 = arith.constant 0 : i32
    %dma_start3A_644 = tpu.memref_slice %arg14[%dma_start3A_642, %dma_start3A_643] : memref<16x32xf32, #tpu.memory_space<vmem>> -> memref<13x32xf32, #tpu.memory_space<vmem>>
    %dma_start3A_645 = arith.constant 0 : i32
    %dma_start3A_646 = tpu.memref_slice %arg3[%reduce_max3A_622, %reduce_max3A_633, %reduce_max3A_641, %dma_start3A_645] : memref<16x39x32x32xf32, #tpu.memory_space<hbm>> -> memref<1x13x1x32xf32, #tpu.memory_space<hbm>>
    %dma_start3A_647 = tpu.memref_squeeze %dma_start3A_646 : memref<1x13x1x32xf32, #tpu.memory_space<hbm>> -> memref<13x32xf32, #tpu.memory_space<hbm>>
    %dma_start3A_648 = arith.constant 0 : i32
    %dma_start3A_649 = arith.constant 0 : i32
    %dma_start3A_650 = tpu.memref_slice %arg14[%dma_start3A_648, %dma_start3A_649] : memref<16x32xf32, #tpu.memory_space<vmem>> -> memref<13x32xf32, #tpu.memory_space<vmem>>
    %dma_start3A_651 = arith.constant 0 : i32
    %dma_start3A_652 = tpu.memref_slice %arg3[%reduce_max3A_622, %reduce_max3A_633, %reduce_max3A_641, %dma_start3A_651] : memref<16x39x32x32xf32, #tpu.memory_space<hbm>> -> memref<1x13x1x32xf32, #tpu.memory_space<hbm>>
    %dma_start3A_653 = tpu.memref_squeeze %dma_start3A_652 : memref<1x13x1x32xf32, #tpu.memory_space<hbm>> -> memref<13x32xf32, #tpu.memory_space<hbm>>
    tpu.enqueue_dma source(%dma_start3A_653 : memref<13x32xf32, #tpu.memory_space<hbm>>) target(%dma_start3A_650 : memref<13x32xf32, #tpu.memory_space<vmem>>) target_semaphore(%arg19 : memref<!tpu.dma_semaphore, #tpu.memory_space<semaphore_mem>>)
    %convert_element_type3A_654 = arith.sitofp %select_n3A_614 : vector<16xi32> to vector<16xf32>
    %mul3A_655 = arith.constant 1.600000e+01 : f32
    %mul3A_656 = vector.broadcast %mul3A_655 : f32 to vector<16xf32>
    %mul3A_657 = arith.mulf %gather3A_399, %mul3A_656 : vector<16xf32>
    %mul3A_658 = arith.constant 1.600000e+01 : f32
    %mul3A_659 = vector.broadcast %mul3A_658 : f32 to vector<16xf32>
    %mul3A_660 = arith.mulf %gather3A_403, %mul3A_659 : vector<16xf32>
    %convert_element_type3A_661 = arith.fptosi %mul3A_657 : vector<16xf32> to vector<16xi32>
    %max3A_662 = arith.constant 0 : i32
    %max3A_663 = vector.broadcast %max3A_662 : i32 to vector<16xi32>
    %max3A_664 = arith.maxsi %convert_element_type3A_661, %max3A_663 : vector<16xi32>
    %min3A_665 = arith.constant 15 : i32
    %min3A_666 = vector.broadcast %min3A_665 : i32 to vector<16xi32>
    %min3A_667 = arith.minsi %max3A_664, %min3A_666 : vector<16xi32>
    %convert_element_type3A_668 = arith.fptosi %mul3A_660 : vector<16xf32> to vector<16xi32>
    %max3A_669 = arith.constant 0 : i32
    %max3A_670 = vector.broadcast %max3A_669 : i32 to vector<16xi32>
    %max3A_671 = arith.maxsi %convert_element_type3A_668, %max3A_670 : vector<16xi32>
    %min3A_672 = arith.constant 15 : i32
    %min3A_673 = vector.broadcast %min3A_672 : i32 to vector<16xi32>
    %min3A_674 = arith.minsi %max3A_671, %min3A_673 : vector<16xi32>
    %min3A_675 = arith.constant 1.856000e+03 : f32
    %min3A_676 = vector.broadcast %min3A_675 : f32 to vector<16xf32>
    %min3A_677 = arith.minimumf %mul3A_413, %min3A_676 : vector<16xf32>
    %min3A_678 = arith.constant 1.440000e+03 : f32
    %min3A_679 = vector.broadcast %min3A_678 : f32 to vector<16xf32>
    %min3A_680 = arith.minimumf %mul3A_414, %min3A_679 : vector<16xf32>
    %mul3A_681 = arith.mulf %min3A_677, %min3A_680 : vector<16xf32>
    %mul3A_682 = arith.mulf %mul3A_413, %mul3A_414 : vector<16xf32>
    %add3A_683 = arith.constant 2.672640e+06 : f32
    %add3A_684 = vector.broadcast %add3A_683 : f32 to vector<16xf32>
    %add3A_685 = arith.addf %mul3A_682, %add3A_684 : vector<16xf32>
    %sub3A_686 = arith.subf %add3A_685, %mul3A_681 : vector<16xf32>
    %add3A_687 = arith.constant 1.000000e-16 : f32
    %add3A_688 = vector.broadcast %add3A_687 : f32 to vector<16xf32>
    %add3A_689 = arith.addf %sub3A_686, %add3A_688 : vector<16xf32>
    %div3A_690 = arith.divf %mul3A_681, %add3A_689 : vector<16xf32>
    %min3A_691 = arith.constant 2.496000e+03 : f32
    %min3A_692 = vector.broadcast %min3A_691 : f32 to vector<16xf32>
    %min3A_693 = arith.minimumf %mul3A_413, %min3A_692 : vector<16xf32>
    %min3A_694 = arith.constant 3.168000e+03 : f32
    %min3A_695 = vector.broadcast %min3A_694 : f32 to vector<16xf32>
    %min3A_696 = arith.minimumf %mul3A_414, %min3A_695 : vector<16xf32>
    %mul3A_697 = arith.mulf %min3A_693, %min3A_696 : vector<16xf32>
    %mul3A_698 = arith.mulf %mul3A_413, %mul3A_414 : vector<16xf32>
    %add3A_699 = arith.constant 0x4AF15000 : f32
    %add3A_700 = vector.broadcast %add3A_699 : f32 to vector<16xf32>
    %add3A_701 = arith.addf %mul3A_698, %add3A_700 : vector<16xf32>
    %sub3A_702 = arith.subf %add3A_701, %mul3A_697 : vector<16xf32>
    %add3A_703 = arith.constant 1.000000e-16 : f32
    %add3A_704 = vector.broadcast %add3A_703 : f32 to vector<16xf32>
    %add3A_705 = arith.addf %sub3A_702, %add3A_704 : vector<16xf32>
    %div3A_706 = arith.divf %mul3A_697, %add3A_705 : vector<16xf32>
    %min3A_707 = arith.constant 5.968000e+03 : f32
    %min3A_708 = vector.broadcast %min3A_707 : f32 to vector<16xf32>
    %min3A_709 = arith.minimumf %mul3A_413, %min3A_708 : vector<16xf32>
    %min3A_710 = arith.constant 5.216000e+03 : f32
    %min3A_711 = vector.broadcast %min3A_710 : f32 to vector<16xf32>
    %min3A_712 = arith.minimumf %mul3A_414, %min3A_711 : vector<16xf32>
    %mul3A_713 = arith.mulf %min3A_709, %min3A_712 : vector<16xf32>
    %mul3A_714 = arith.mulf %mul3A_413, %mul3A_414 : vector<16xf32>
    %add3A_715 = arith.constant 0x4BED7F00 : f32
    %add3A_716 = vector.broadcast %add3A_715 : f32 to vector<16xf32>
    %add3A_717 = arith.addf %mul3A_714, %add3A_716 : vector<16xf32>
    %sub3A_718 = arith.subf %add3A_717, %mul3A_713 : vector<16xf32>
    %add3A_719 = arith.constant 1.000000e-16 : f32
    %add3A_720 = vector.broadcast %add3A_719 : f32 to vector<16xf32>
    %add3A_721 = arith.addf %sub3A_718, %add3A_720 : vector<16xf32>
    %div3A_722 = arith.divf %mul3A_713, %add3A_721 : vector<16xf32>
    %ge3A_723 = arith.cmpf oge, %div3A_690, %div3A_706 : vector<16xf32>
    %ge3A_724 = arith.cmpf oge, %div3A_690, %div3A_722 : vector<16xf32>
    %and3A_725 = arith.andi %ge3A_723, %ge3A_724 : vector<16xi1>
    %ge3A_726 = arith.cmpf oge, %div3A_706, %div3A_722 : vector<16xf32>
    %jit3A_727 = arith.constant 1 : i32
    %jit3A_728 = arith.constant 2 : i32
    %broadcast_in_dim3A_729 = vector.broadcast %jit3A_727 : i32 to vector<16xi32>
    %broadcast_in_dim3A_730 = vector.broadcast %jit3A_728 : i32 to vector<16xi32>
    %select_n3A_731 = arith.select %ge3A_726, %broadcast_in_dim3A_729, %broadcast_in_dim3A_730 : vector<16xi1>, vector<16xi32>
    %jit3A_732 = arith.constant 0 : i32
    %broadcast_in_dim3A_733 = vector.broadcast %jit3A_732 : i32 to vector<16xi32>
    %select_n3A_734 = arith.select %and3A_725, %broadcast_in_dim3A_733, %select_n3A_731 : vector<16xi1>, vector<16xi32>
    %reduce_max3A_735 = arith.constant true
    %reduce_max3A_736 = vector.broadcast %reduce_max3A_735 : i1 to vector<16xi1>
    %reduce_max3A_737 = arith.constant -2147483648 : i32
    %reduce_max3A_738 = vector.broadcast %reduce_max3A_737 : i32 to vector<16xi32>
    %reduce_max3A_739 = arith.xori %convert_element_type3A_412, %reduce_max3A_738 : vector<16xi32>
    %reduce_max3A_740 = tpu.scan <max>, %reduce_max3A_739 masked %reduce_max3A_736 : vector<16xi32>, vector<16xi1> -> vector<16xi32>
    %reduce_max3A_741 = arith.xori %reduce_max3A_740, %reduce_max3A_738 : vector<16xi32>
    %reduce_max3A_742 = vector.extract %reduce_max3A_741[15] : i32 from vector<16xi32>
    %mul3A_743 = arith.constant 13 : i32
    %mul3A_744 = vector.broadcast %mul3A_743 : i32 to vector<16xi32>
    %mul3A_745 = arith.muli %select_n3A_734, %mul3A_744 : vector<16xi32>
    %reduce_max3A_746 = arith.constant true
    %reduce_max3A_747 = vector.broadcast %reduce_max3A_746 : i1 to vector<16xi1>
    %reduce_max3A_748 = arith.constant -2147483648 : i32
    %reduce_max3A_749 = vector.broadcast %reduce_max3A_748 : i32 to vector<16xi32>
    %reduce_max3A_750 = arith.xori %mul3A_745, %reduce_max3A_749 : vector<16xi32>
    %reduce_max3A_751 = tpu.scan <max>, %reduce_max3A_750 masked %reduce_max3A_747 : vector<16xi32>, vector<16xi1> -> vector<16xi32>
    %reduce_max3A_752 = arith.xori %reduce_max3A_751, %reduce_max3A_749 : vector<16xi32>
    %reduce_max3A_753 = vector.extract %reduce_max3A_752[15] : i32 from vector<16xi32>
    %reduce_max3A_754 = arith.constant true
    %reduce_max3A_755 = vector.broadcast %reduce_max3A_754 : i1 to vector<16xi1>
    %reduce_max3A_756 = arith.constant -2147483648 : i32
    %reduce_max3A_757 = vector.broadcast %reduce_max3A_756 : i32 to vector<16xi32>
    %reduce_max3A_758 = arith.xori %min3A_674, %reduce_max3A_757 : vector<16xi32>
    %reduce_max3A_759 = tpu.scan <max>, %reduce_max3A_758 masked %reduce_max3A_755 : vector<16xi32>, vector<16xi1> -> vector<16xi32>
    %reduce_max3A_760 = arith.xori %reduce_max3A_759, %reduce_max3A_757 : vector<16xi32>
    %reduce_max3A_761 = vector.extract %reduce_max3A_760[15] : i32 from vector<16xi32>
    %dma_start3A_762 = arith.constant 0 : i32
    %dma_start3A_763 = arith.constant 0 : i32
    %dma_start3A_764 = tpu.memref_slice %arg15[%dma_start3A_762, %dma_start3A_763] : memref<16x16xf32, #tpu.memory_space<vmem>> -> memref<13x16xf32, #tpu.memory_space<vmem>>
    %dma_start3A_765 = arith.constant 0 : i32
    %dma_start3A_766 = tpu.memref_slice %arg4[%reduce_max3A_742, %reduce_max3A_753, %reduce_max3A_761, %dma_start3A_765] : memref<16x39x16x16xf32, #tpu.memory_space<hbm>> -> memref<1x13x1x16xf32, #tpu.memory_space<hbm>>
    %dma_start3A_767 = tpu.memref_squeeze %dma_start3A_766 : memref<1x13x1x16xf32, #tpu.memory_space<hbm>> -> memref<13x16xf32, #tpu.memory_space<hbm>>
    %dma_start3A_768 = arith.constant 0 : i32
    %dma_start3A_769 = arith.constant 0 : i32
    %dma_start3A_770 = tpu.memref_slice %arg15[%dma_start3A_768, %dma_start3A_769] : memref<16x16xf32, #tpu.memory_space<vmem>> -> memref<13x16xf32, #tpu.memory_space<vmem>>
    %dma_start3A_771 = arith.constant 0 : i32
    %dma_start3A_772 = tpu.memref_slice %arg4[%reduce_max3A_742, %reduce_max3A_753, %reduce_max3A_761, %dma_start3A_771] : memref<16x39x16x16xf32, #tpu.memory_space<hbm>> -> memref<1x13x1x16xf32, #tpu.memory_space<hbm>>
    %dma_start3A_773 = tpu.memref_squeeze %dma_start3A_772 : memref<1x13x1x16xf32, #tpu.memory_space<hbm>> -> memref<13x16xf32, #tpu.memory_space<hbm>>
    tpu.enqueue_dma source(%dma_start3A_773 : memref<13x16xf32, #tpu.memory_space<hbm>>) target(%dma_start3A_770 : memref<13x16xf32, #tpu.memory_space<vmem>>) target_semaphore(%arg19 : memref<!tpu.dma_semaphore, #tpu.memory_space<semaphore_mem>>)
    %convert_element_type3A_774 = arith.sitofp %select_n3A_734 : vector<16xi32> to vector<16xf32>
    %dma_wait3A = arith.constant 0 : i32
    %dma_wait3A_775 = arith.constant 0 : i32
    %dma_wait3A_776 = tpu.memref_slice %arg10[%dma_wait3A, %dma_wait3A_775] : memref<16x64xf32, #tpu.memory_space<vmem>> -> memref<13x64xf32, #tpu.memory_space<vmem>>
    %dma_wait3A_777 = arith.constant 0 : i32
    %dma_wait3A_778 = tpu.memref_slice %arg2[%reduce_max3A_115, %reduce_max3A_126, %reduce_max3A_134, %dma_wait3A_777] : memref<16x39x64x64xf32, #tpu.memory_space<hbm>> -> memref<1x13x1x64xf32, #tpu.memory_space<hbm>>
    %dma_wait3A_779 = tpu.memref_squeeze %dma_wait3A_778 : memref<1x13x1x64xf32, #tpu.memory_space<hbm>> -> memref<13x64xf32, #tpu.memory_space<hbm>>
    %dma_wait3A_780 = arith.constant 0 : i32
    %dma_wait3A_781 = arith.constant 0 : i32
    %dma_wait3A_782 = tpu.memref_slice %arg10[%dma_wait3A_780, %dma_wait3A_781] : memref<16x64xf32, #tpu.memory_space<vmem>> -> memref<13x64xf32, #tpu.memory_space<vmem>>
    %dma_wait3A_783 = arith.constant 0 : i32
    %dma_wait3A_784 = tpu.memref_slice %arg2[%reduce_max3A_115, %reduce_max3A_126, %reduce_max3A_134, %dma_wait3A_783] : memref<16x39x64x64xf32, #tpu.memory_space<hbm>> -> memref<1x13x1x64xf32, #tpu.memory_space<hbm>>
    %dma_wait3A_785 = tpu.memref_squeeze %dma_wait3A_784 : memref<1x13x1x64xf32, #tpu.memory_space<hbm>> -> memref<13x64xf32, #tpu.memory_space<hbm>>
    tpu.wait_dma2 semaphore(%arg19 : memref<!tpu.dma_semaphore, #tpu.memory_space<semaphore_mem>>) src(%dma_wait3A_785 : memref<13x64xf32, #tpu.memory_space<hbm>>) dst(%dma_wait3A_782 : memref<13x64xf32, #tpu.memory_space<vmem>>)
    %dma_wait3A_786 = arith.constant 0 : i32
    %dma_wait3A_787 = arith.constant 0 : i32
    %dma_wait3A_788 = tpu.memref_slice %arg11[%dma_wait3A_786, %dma_wait3A_787] : memref<16x32xf32, #tpu.memory_space<vmem>> -> memref<13x32xf32, #tpu.memory_space<vmem>>
    %dma_wait3A_789 = arith.constant 0 : i32
    %dma_wait3A_790 = tpu.memref_slice %arg3[%reduce_max3A_234, %reduce_max3A_245, %reduce_max3A_253, %dma_wait3A_789] : memref<16x39x32x32xf32, #tpu.memory_space<hbm>> -> memref<1x13x1x32xf32, #tpu.memory_space<hbm>>
    %dma_wait3A_791 = tpu.memref_squeeze %dma_wait3A_790 : memref<1x13x1x32xf32, #tpu.memory_space<hbm>> -> memref<13x32xf32, #tpu.memory_space<hbm>>
    %dma_wait3A_792 = arith.constant 0 : i32
    %dma_wait3A_793 = arith.constant 0 : i32
    %dma_wait3A_794 = tpu.memref_slice %arg11[%dma_wait3A_792, %dma_wait3A_793] : memref<16x32xf32, #tpu.memory_space<vmem>> -> memref<13x32xf32, #tpu.memory_space<vmem>>
    %dma_wait3A_795 = arith.constant 0 : i32
    %dma_wait3A_796 = tpu.memref_slice %arg3[%reduce_max3A_234, %reduce_max3A_245, %reduce_max3A_253, %dma_wait3A_795] : memref<16x39x32x32xf32, #tpu.memory_space<hbm>> -> memref<1x13x1x32xf32, #tpu.memory_space<hbm>>
    %dma_wait3A_797 = tpu.memref_squeeze %dma_wait3A_796 : memref<1x13x1x32xf32, #tpu.memory_space<hbm>> -> memref<13x32xf32, #tpu.memory_space<hbm>>
    tpu.wait_dma2 semaphore(%arg19 : memref<!tpu.dma_semaphore, #tpu.memory_space<semaphore_mem>>) src(%dma_wait3A_797 : memref<13x32xf32, #tpu.memory_space<hbm>>) dst(%dma_wait3A_794 : memref<13x32xf32, #tpu.memory_space<vmem>>)
    %dma_wait3A_798 = arith.constant 0 : i32
    %dma_wait3A_799 = arith.constant 0 : i32
    %dma_wait3A_800 = tpu.memref_slice %arg12[%dma_wait3A_798, %dma_wait3A_799] : memref<16x16xf32, #tpu.memory_space<vmem>> -> memref<13x16xf32, #tpu.memory_space<vmem>>
    %dma_wait3A_801 = arith.constant 0 : i32
    %dma_wait3A_802 = tpu.memref_slice %arg4[%reduce_max3A_354, %reduce_max3A_365, %reduce_max3A_373, %dma_wait3A_801] : memref<16x39x16x16xf32, #tpu.memory_space<hbm>> -> memref<1x13x1x16xf32, #tpu.memory_space<hbm>>
    %dma_wait3A_803 = tpu.memref_squeeze %dma_wait3A_802 : memref<1x13x1x16xf32, #tpu.memory_space<hbm>> -> memref<13x16xf32, #tpu.memory_space<hbm>>
    %dma_wait3A_804 = arith.constant 0 : i32
    %dma_wait3A_805 = arith.constant 0 : i32
    %dma_wait3A_806 = tpu.memref_slice %arg12[%dma_wait3A_804, %dma_wait3A_805] : memref<16x16xf32, #tpu.memory_space<vmem>> -> memref<13x16xf32, #tpu.memory_space<vmem>>
    %dma_wait3A_807 = arith.constant 0 : i32
    %dma_wait3A_808 = tpu.memref_slice %arg4[%reduce_max3A_354, %reduce_max3A_365, %reduce_max3A_373, %dma_wait3A_807] : memref<16x39x16x16xf32, #tpu.memory_space<hbm>> -> memref<1x13x1x16xf32, #tpu.memory_space<hbm>>
    %dma_wait3A_809 = tpu.memref_squeeze %dma_wait3A_808 : memref<1x13x1x16xf32, #tpu.memory_space<hbm>> -> memref<13x16xf32, #tpu.memory_space<hbm>>
    tpu.wait_dma2 semaphore(%arg19 : memref<!tpu.dma_semaphore, #tpu.memory_space<semaphore_mem>>) src(%dma_wait3A_809 : memref<13x16xf32, #tpu.memory_space<hbm>>) dst(%dma_wait3A_806 : memref<13x16xf32, #tpu.memory_space<vmem>>)
    %dma_wait3A_810 = arith.constant 0 : i32
    %dma_wait3A_811 = arith.constant 0 : i32
    %dma_wait3A_812 = tpu.memref_slice %arg13[%dma_wait3A_810, %dma_wait3A_811] : memref<16x64xf32, #tpu.memory_space<vmem>> -> memref<13x64xf32, #tpu.memory_space<vmem>>
    %dma_wait3A_813 = arith.constant 0 : i32
    %dma_wait3A_814 = tpu.memref_slice %arg2[%reduce_max3A_502, %reduce_max3A_513, %reduce_max3A_521, %dma_wait3A_813] : memref<16x39x64x64xf32, #tpu.memory_space<hbm>> -> memref<1x13x1x64xf32, #tpu.memory_space<hbm>>
    %dma_wait3A_815 = tpu.memref_squeeze %dma_wait3A_814 : memref<1x13x1x64xf32, #tpu.memory_space<hbm>> -> memref<13x64xf32, #tpu.memory_space<hbm>>
    %dma_wait3A_816 = arith.constant 0 : i32
    %dma_wait3A_817 = arith.constant 0 : i32
    %dma_wait3A_818 = tpu.memref_slice %arg13[%dma_wait3A_816, %dma_wait3A_817] : memref<16x64xf32, #tpu.memory_space<vmem>> -> memref<13x64xf32, #tpu.memory_space<vmem>>
    %dma_wait3A_819 = arith.constant 0 : i32
    %dma_wait3A_820 = tpu.memref_slice %arg2[%reduce_max3A_502, %reduce_max3A_513, %reduce_max3A_521, %dma_wait3A_819] : memref<16x39x64x64xf32, #tpu.memory_space<hbm>> -> memref<1x13x1x64xf32, #tpu.memory_space<hbm>>
    %dma_wait3A_821 = tpu.memref_squeeze %dma_wait3A_820 : memref<1x13x1x64xf32, #tpu.memory_space<hbm>> -> memref<13x64xf32, #tpu.memory_space<hbm>>
    tpu.wait_dma2 semaphore(%arg19 : memref<!tpu.dma_semaphore, #tpu.memory_space<semaphore_mem>>) src(%dma_wait3A_821 : memref<13x64xf32, #tpu.memory_space<hbm>>) dst(%dma_wait3A_818 : memref<13x64xf32, #tpu.memory_space<vmem>>)
    %dma_wait3A_822 = arith.constant 0 : i32
    %dma_wait3A_823 = arith.constant 0 : i32
    %dma_wait3A_824 = tpu.memref_slice %arg14[%dma_wait3A_822, %dma_wait3A_823] : memref<16x32xf32, #tpu.memory_space<vmem>> -> memref<13x32xf32, #tpu.memory_space<vmem>>
    %dma_wait3A_825 = arith.constant 0 : i32
    %dma_wait3A_826 = tpu.memref_slice %arg3[%reduce_max3A_622, %reduce_max3A_633, %reduce_max3A_641, %dma_wait3A_825] : memref<16x39x32x32xf32, #tpu.memory_space<hbm>> -> memref<1x13x1x32xf32, #tpu.memory_space<hbm>>
    %dma_wait3A_827 = tpu.memref_squeeze %dma_wait3A_826 : memref<1x13x1x32xf32, #tpu.memory_space<hbm>> -> memref<13x32xf32, #tpu.memory_space<hbm>>
    %dma_wait3A_828 = arith.constant 0 : i32
    %dma_wait3A_829 = arith.constant 0 : i32
    %dma_wait3A_830 = tpu.memref_slice %arg14[%dma_wait3A_828, %dma_wait3A_829] : memref<16x32xf32, #tpu.memory_space<vmem>> -> memref<13x32xf32, #tpu.memory_space<vmem>>
    %dma_wait3A_831 = arith.constant 0 : i32
    %dma_wait3A_832 = tpu.memref_slice %arg3[%reduce_max3A_622, %reduce_max3A_633, %reduce_max3A_641, %dma_wait3A_831] : memref<16x39x32x32xf32, #tpu.memory_space<hbm>> -> memref<1x13x1x32xf32, #tpu.memory_space<hbm>>
    %dma_wait3A_833 = tpu.memref_squeeze %dma_wait3A_832 : memref<1x13x1x32xf32, #tpu.memory_space<hbm>> -> memref<13x32xf32, #tpu.memory_space<hbm>>
    tpu.wait_dma2 semaphore(%arg19 : memref<!tpu.dma_semaphore, #tpu.memory_space<semaphore_mem>>) src(%dma_wait3A_833 : memref<13x32xf32, #tpu.memory_space<hbm>>) dst(%dma_wait3A_830 : memref<13x32xf32, #tpu.memory_space<vmem>>)
    %dma_wait3A_834 = arith.constant 0 : i32
    %dma_wait3A_835 = arith.constant 0 : i32
    %dma_wait3A_836 = tpu.memref_slice %arg15[%dma_wait3A_834, %dma_wait3A_835] : memref<16x16xf32, #tpu.memory_space<vmem>> -> memref<13x16xf32, #tpu.memory_space<vmem>>
    %dma_wait3A_837 = arith.constant 0 : i32
    %dma_wait3A_838 = tpu.memref_slice %arg4[%reduce_max3A_742, %reduce_max3A_753, %reduce_max3A_761, %dma_wait3A_837] : memref<16x39x16x16xf32, #tpu.memory_space<hbm>> -> memref<1x13x1x16xf32, #tpu.memory_space<hbm>>
    %dma_wait3A_839 = tpu.memref_squeeze %dma_wait3A_838 : memref<1x13x1x16xf32, #tpu.memory_space<hbm>> -> memref<13x16xf32, #tpu.memory_space<hbm>>
    %dma_wait3A_840 = arith.constant 0 : i32
    %dma_wait3A_841 = arith.constant 0 : i32
    %dma_wait3A_842 = tpu.memref_slice %arg15[%dma_wait3A_840, %dma_wait3A_841] : memref<16x16xf32, #tpu.memory_space<vmem>> -> memref<13x16xf32, #tpu.memory_space<vmem>>
    %dma_wait3A_843 = arith.constant 0 : i32
    %dma_wait3A_844 = tpu.memref_slice %arg4[%reduce_max3A_742, %reduce_max3A_753, %reduce_max3A_761, %dma_wait3A_843] : memref<16x39x16x16xf32, #tpu.memory_space<hbm>> -> memref<1x13x1x16xf32, #tpu.memory_space<hbm>>
    %dma_wait3A_845 = tpu.memref_squeeze %dma_wait3A_844 : memref<1x13x1x16xf32, #tpu.memory_space<hbm>> -> memref<13x16xf32, #tpu.memory_space<hbm>>
    tpu.wait_dma2 semaphore(%arg19 : memref<!tpu.dma_semaphore, #tpu.memory_space<semaphore_mem>>) src(%dma_wait3A_845 : memref<13x16xf32, #tpu.memory_space<hbm>>) dst(%dma_wait3A_842 : memref<13x16xf32, #tpu.memory_space<vmem>>)
    %gather3A_846 = tpu.vector_load_idx %arg10[%min3A_5, %min3A_48] : memref<16x64xf32, #tpu.memory_space<vmem>>[vector<16xi32>, vector<16xi32>], vector<16xf32>,
    %eq3A = arith.constant 13 : i32
    %eq3A_847 = vector.broadcast %eq3A : i32 to vector<16xi32>
    %eq3A_848 = arith.cmpi eq, %iota3A, %eq3A_847 : vector<16xi32>
    %select_n3A_849 = arith.select %eq3A_848, %convert_element_type3A_146, %gather3A_846 : vector<16xi1>, vector<16xf32>
    %add3A_850 = arith.constant 0 : i32
    %add3A_851 = vector.broadcast %add3A_850 : i32 to vector<16xi32>
    %add3A_852 = arith.addi %iota3A, %add3A_851 : vector<16xi32>
    tpu.vector_store_idx %arg16[%add3A_852], %select_n3A_849 : memref<32xf32, #tpu.memory_space<vmem>>[vector<16xi32>], vector<16xf32>,
    %gather3A_853 = tpu.vector_load_idx %arg11[%min3A_5, %min3A_159] : memref<16x32xf32, #tpu.memory_space<vmem>>[vector<16xi32>, vector<16xi32>], vector<16xf32>,
    %eq3A_854 = arith.constant 13 : i32
    %eq3A_855 = vector.broadcast %eq3A_854 : i32 to vector<16xi32>
    %eq3A_856 = arith.cmpi eq, %iota3A, %eq3A_855 : vector<16xi32>
    %select_n3A_857 = arith.select %eq3A_856, %convert_element_type3A_266, %gather3A_853 : vector<16xi1>, vector<16xf32>
    %add3A_858 = arith.constant 0 : i32
    %add3A_859 = vector.broadcast %add3A_858 : i32 to vector<16xi32>
    %add3A_860 = arith.addi %iota3A, %add3A_859 : vector<16xi32>
    tpu.vector_store_idx %arg17[%add3A_860], %select_n3A_857 : memref<32xf32, #tpu.memory_space<vmem>>[vector<16xi32>], vector<16xf32>,
    %gather3A_861 = tpu.vector_load_idx %arg12[%min3A_5, %min3A_279] : memref<16x16xf32, #tpu.memory_space<vmem>>[vector<16xi32>, vector<16xi32>], vector<16xf32>,
    %eq3A_862 = arith.constant 13 : i32
    %eq3A_863 = vector.broadcast %eq3A_862 : i32 to vector<16xi32>
    %eq3A_864 = arith.cmpi eq, %iota3A, %eq3A_863 : vector<16xi32>
    %select_n3A_865 = arith.select %eq3A_864, %convert_element_type3A_386, %gather3A_861 : vector<16xi1>, vector<16xf32>
    %add3A_866 = arith.constant 0 : i32
    %add3A_867 = vector.broadcast %add3A_866 : i32 to vector<16xi32>
    %add3A_868 = arith.addi %iota3A, %add3A_867 : vector<16xi32>
    tpu.vector_store_idx %arg18[%add3A_868], %select_n3A_865 : memref<32xf32, #tpu.memory_space<vmem>>[vector<16xi32>], vector<16xf32>,
    %gather3A_869 = tpu.vector_load_idx %arg13[%min3A_5, %min3A_427] : memref<16x64xf32, #tpu.memory_space<vmem>>[vector<16xi32>, vector<16xi32>], vector<16xf32>,
    %eq3A_870 = arith.constant 13 : i32
    %eq3A_871 = vector.broadcast %eq3A_870 : i32 to vector<16xi32>
    %eq3A_872 = arith.cmpi eq, %iota3A, %eq3A_871 : vector<16xi32>
    %select_n3A_873 = arith.select %eq3A_872, %convert_element_type3A_534, %gather3A_869 : vector<16xi1>, vector<16xf32>
    %add3A_874 = arith.constant 16 : i32
    %add3A_875 = vector.broadcast %add3A_874 : i32 to vector<16xi32>
    %add3A_876 = arith.addi %iota3A, %add3A_875 : vector<16xi32>
    tpu.vector_store_idx %arg16[%add3A_876], %select_n3A_873 : memref<32xf32, #tpu.memory_space<vmem>>[vector<16xi32>], vector<16xf32>,
    %gather3A_877 = tpu.vector_load_idx %arg14[%min3A_5, %min3A_547] : memref<16x32xf32, #tpu.memory_space<vmem>>[vector<16xi32>, vector<16xi32>], vector<16xf32>,
    %eq3A_878 = arith.constant 13 : i32
    %eq3A_879 = vector.broadcast %eq3A_878 : i32 to vector<16xi32>
    %eq3A_880 = arith.cmpi eq, %iota3A, %eq3A_879 : vector<16xi32>
    %select_n3A_881 = arith.select %eq3A_880, %convert_element_type3A_654, %gather3A_877 : vector<16xi1>, vector<16xf32>
    %add3A_882 = arith.constant 16 : i32
    %add3A_883 = vector.broadcast %add3A_882 : i32 to vector<16xi32>
    %add3A_884 = arith.addi %iota3A, %add3A_883 : vector<16xi32>
    tpu.vector_store_idx %arg17[%add3A_884], %select_n3A_881 : memref<32xf32, #tpu.memory_space<vmem>>[vector<16xi32>], vector<16xf32>,
    %gather3A_885 = tpu.vector_load_idx %arg15[%min3A_5, %min3A_667] : memref<16x16xf32, #tpu.memory_space<vmem>>[vector<16xi32>, vector<16xi32>], vector<16xf32>,
    %eq3A_886 = arith.constant 13 : i32
    %eq3A_887 = vector.broadcast %eq3A_886 : i32 to vector<16xi32>
    %eq3A_888 = arith.cmpi eq, %iota3A, %eq3A_887 : vector<16xi32>
    %select_n3A_889 = arith.select %eq3A_888, %convert_element_type3A_774, %gather3A_885 : vector<16xi1>, vector<16xf32>
    %add3A_890 = arith.constant 16 : i32
    %add3A_891 = vector.broadcast %add3A_890 : i32 to vector<16xi32>
    %add3A_892 = arith.addi %iota3A, %add3A_891 : vector<16xi32>
    tpu.vector_store_idx %arg18[%add3A_892], %select_n3A_889 : memref<32xf32, #tpu.memory_space<vmem>>[vector<16xi32>], vector<16xf32>,
    %mul3A_893 = arith.constant 2 : i32
    %mul3A_894 = arith.muli %add3A, %mul3A_893 : i32
    %mul3A_895 = arith.constant 16 : i32
    %mul3A_896 = arith.muli %mul3A_894, %mul3A_895 : i32
    %add3A_897 = arith.constant 0 : i32
    %add3A_898 = arith.addi %add3A_897, %mul3A_896 : i32
    "tpu.region"() ({
      %run_scoped3A = tpu.sem_alloc : memref<!tpu.dma_semaphore, #tpu.memory_space<semaphore_mem>>
      %dma_start3A_911 = tpu.memref_slice %arg7[%add3A_898] : memref<3072xf32, #tpu.memory_space<hbm>> -> memref<32xf32, #tpu.memory_space<hbm>>
      %dma_start3A_912 = tpu.memref_slice %arg7[%add3A_898] : memref<3072xf32, #tpu.memory_space<hbm>> -> memref<32xf32, #tpu.memory_space<hbm>>
      tpu.enqueue_dma source(%arg16 : memref<32xf32, #tpu.memory_space<vmem>>) target(%dma_start3A_912 : memref<32xf32, #tpu.memory_space<hbm>>) target_semaphore(%run_scoped3A : memref<!tpu.dma_semaphore, #tpu.memory_space<semaphore_mem>>)
      %dma_wait3A_913 = tpu.memref_slice %arg7[%add3A_898] : memref<3072xf32, #tpu.memory_space<hbm>> -> memref<32xf32, #tpu.memory_space<hbm>>
      %dma_wait3A_914 = tpu.memref_slice %arg7[%add3A_898] : memref<3072xf32, #tpu.memory_space<hbm>> -> memref<32xf32, #tpu.memory_space<hbm>>
      tpu.wait_dma2 semaphore(%run_scoped3A : memref<!tpu.dma_semaphore, #tpu.memory_space<semaphore_mem>>) src(%arg16 : memref<32xf32, #tpu.memory_space<vmem>>) dst(%dma_wait3A_914 : memref<32xf32, #tpu.memory_space<hbm>>)
      tpu.yield
    }) : () -> ()
    %mul3A_899 = arith.constant 2 : i32
    %mul3A_900 = arith.muli %add3A, %mul3A_899 : i32
    %mul3A_901 = arith.constant 16 : i32
    %mul3A_902 = arith.muli %mul3A_900, %mul3A_901 : i32
    %add3A_903 = arith.constant 1024 : i32
    %add3A_904 = arith.addi %add3A_903, %mul3A_902 : i32
    "tpu.region"() ({
      %run_scoped3A = tpu.sem_alloc : memref<!tpu.dma_semaphore, #tpu.memory_space<semaphore_mem>>
      %dma_start3A_911 = tpu.memref_slice %arg7[%add3A_904] : memref<3072xf32, #tpu.memory_space<hbm>> -> memref<32xf32, #tpu.memory_space<hbm>>
      %dma_start3A_912 = tpu.memref_slice %arg7[%add3A_904] : memref<3072xf32, #tpu.memory_space<hbm>> -> memref<32xf32, #tpu.memory_space<hbm>>
      tpu.enqueue_dma source(%arg17 : memref<32xf32, #tpu.memory_space<vmem>>) target(%dma_start3A_912 : memref<32xf32, #tpu.memory_space<hbm>>) target_semaphore(%run_scoped3A : memref<!tpu.dma_semaphore, #tpu.memory_space<semaphore_mem>>)
      %dma_wait3A_913 = tpu.memref_slice %arg7[%add3A_904] : memref<3072xf32, #tpu.memory_space<hbm>> -> memref<32xf32, #tpu.memory_space<hbm>>
      %dma_wait3A_914 = tpu.memref_slice %arg7[%add3A_904] : memref<3072xf32, #tpu.memory_space<hbm>> -> memref<32xf32, #tpu.memory_space<hbm>>
      tpu.wait_dma2 semaphore(%run_scoped3A : memref<!tpu.dma_semaphore, #tpu.memory_space<semaphore_mem>>) src(%arg17 : memref<32xf32, #tpu.memory_space<vmem>>) dst(%dma_wait3A_914 : memref<32xf32, #tpu.memory_space<hbm>>)
      tpu.yield
    }) : () -> ()
    %mul3A_905 = arith.constant 2 : i32
    %mul3A_906 = arith.muli %add3A, %mul3A_905 : i32
    %mul3A_907 = arith.constant 16 : i32
    %mul3A_908 = arith.muli %mul3A_906, %mul3A_907 : i32
    %add3A_909 = arith.constant 2048 : i32
    %add3A_910 = arith.addi %add3A_909, %mul3A_908 : i32
    "tpu.region"() ({
      %run_scoped3A = tpu.sem_alloc : memref<!tpu.dma_semaphore, #tpu.memory_space<semaphore_mem>>
      %dma_start3A_911 = tpu.memref_slice %arg7[%add3A_910] : memref<3072xf32, #tpu.memory_space<hbm>> -> memref<32xf32, #tpu.memory_space<hbm>>
      %dma_start3A_912 = tpu.memref_slice %arg7[%add3A_910] : memref<3072xf32, #tpu.memory_space<hbm>> -> memref<32xf32, #tpu.memory_space<hbm>>
      tpu.enqueue_dma source(%arg18 : memref<32xf32, #tpu.memory_space<vmem>>) target(%dma_start3A_912 : memref<32xf32, #tpu.memory_space<hbm>>) target_semaphore(%run_scoped3A : memref<!tpu.dma_semaphore, #tpu.memory_space<semaphore_mem>>)
      %dma_wait3A_913 = tpu.memref_slice %arg7[%add3A_910] : memref<3072xf32, #tpu.memory_space<hbm>> -> memref<32xf32, #tpu.memory_space<hbm>>
      %dma_wait3A_914 = tpu.memref_slice %arg7[%add3A_910] : memref<3072xf32, #tpu.memory_space<hbm>> -> memref<32xf32, #tpu.memory_space<hbm>>
      tpu.wait_dma2 semaphore(%run_scoped3A : memref<!tpu.dma_semaphore, #tpu.memory_space<semaphore_mem>>) src(%arg18 : memref<32xf32, #tpu.memory_space<vmem>>) dst(%dma_wait3A_914 : memref<32xf32, #tpu.memory_space<hbm>>)
      tpu.yield
    }) : () -> ()
    return
  }
}

module attributes {stable_mosaic.version = 14 : i64} {
  func.func @_tc_body(%arg0: i32, %arg1: memref<2xf32, #tpu.memory_space<smem>>, %arg2: memref<16x1x64x64xf32, #tpu.memory_space<vmem>>, %arg3: memref<16x1x32x32xf32, #tpu.memory_space<vmem>>, %arg4: memref<16x1x16x16xf32, #tpu.memory_space<vmem>>, %arg5: memref<64x6xf32, #tpu.memory_space<vmem>>, %arg6: memref<3x64x16xf32, #tpu.memory_space<vmem>>, %arg7: memref<1x1xf32, #tpu.memory_space<vmem>>, %arg8: memref<3xf32, #tpu.memory_space<smem>>) attributes {dimension_semantics = [#tpu.dimension_semantics<arbitrary>], iteration_bounds = array<i64: 3>, scalar_prefetch = 0 : i64, scratch_operands = 1 : i64, tpu.core_type = #tpu.core_type<tc>, window_params = [{transform_indices = @transform_0, window_bounds = array<i64: 2>}, {transform_indices = @transform_1, window_bounds = array<i64: 16, 1, 64, 64>}, {transform_indices = @transform_2, window_bounds = array<i64: 16, 1, 32, 32>}, {transform_indices = @transform_3, window_bounds = array<i64: 16, 1, 16, 16>}, {pipeline_mode = #tpu.pipeline_mode<synchronous>, transform_indices = @transform_4, window_bounds = array<i64: 64, 6>}, {pipeline_mode = #tpu.pipeline_mode<synchronous>, transform_indices = @transform_5, window_bounds = array<i64: 3, 64, 16>}, {pipeline_mode = #tpu.pipeline_mode<synchronous>, transform_indices = @transform_6, window_bounds = array<i64: 1, 1>}]} {
    %eq3A = arith.constant 0 : i32
    %eq3A_0 = arith.cmpi eq, %arg0, %eq3A : i32
    %convert_element_type3A = arith.extui %eq3A_0 : i1 to i32
    %cond3A = arith.constant 0 : i32
    %cond3A_1 = arith.cmpi ne, %convert_element_type3A, %cond3A : i32
    scf.if %cond3A_1 {
      %swap3A_101 = arith.constant 0.000000e+00 : f32
      %swap3A_102 = arith.constant 0 : index
      %swap3A_103 = memref.load %arg8[%swap3A_102] : memref<3xf32, #tpu.memory_space<smem>>
      memref.store %swap3A_101, %arg8[%swap3A_102] : memref<3xf32, #tpu.memory_space<smem>>
      %swap3A_104 = arith.constant 0.000000e+00 : f32
      %swap3A_105 = arith.constant 1 : index
      %swap3A_106 = memref.load %arg8[%swap3A_105] : memref<3xf32, #tpu.memory_space<smem>>
      memref.store %swap3A_104, %arg8[%swap3A_105] : memref<3xf32, #tpu.memory_space<smem>>
      %swap3A_107 = arith.constant 0.000000e+00 : f32
      %swap3A_108 = arith.constant 2 : index
      %swap3A_109 = memref.load %arg8[%swap3A_108] : memref<3xf32, #tpu.memory_space<smem>>
      memref.store %swap3A_107, %arg8[%swap3A_108] : memref<3xf32, #tpu.memory_space<smem>>
    } else {
    }
    %get3A = arith.constant 0 : index
    %get3A_2 = arith.constant 0 : index
    %get3A_3 = arith.constant 0 : index
    %get3A_4 = arith.constant 0 : index
    %get3A_5 = vector.load %arg2[%get3A, %get3A_2, %get3A_3, %get3A_4] : memref<16x1x64x64xf32, #tpu.memory_space<vmem>>, vector<16x1x64x64xf32>
    %get3A_6 = vector.shape_cast %get3A_5 : vector<16x1x64x64xf32> to vector<16x64x64xf32>
    %logistic3A = arith.negf %get3A_6 : vector<16x64x64xf32>
    %logistic3A_7 = math.exp %logistic3A : vector<16x64x64xf32>
    %logistic3A_8 = arith.constant 1.000000e+00 : f32
    %logistic3A_9 = vector.broadcast %logistic3A_8 : f32 to vector<16x64x64xf32>
    %logistic3A_10 = arith.addf %logistic3A_9, %logistic3A_7 : vector<16x64x64xf32>
    %logistic3A_11 = arith.divf %logistic3A_9, %logistic3A_10 : vector<16x64x64xf32>
    %jit3A = arith.constant 1.000000e-07 : f32
    %jit3A_12 = arith.constant 0.99999988 : f32
    %max3A = vector.broadcast %jit3A : f32 to vector<16x64x64xf32>
    %max3A_13 = arith.maximumf %max3A, %logistic3A_11 : vector<16x64x64xf32>
    %min3A = vector.broadcast %jit3A_12 : f32 to vector<16x64x64xf32>
    %min3A_14 = arith.minimumf %min3A, %max3A_13 : vector<16x64x64xf32>
    %get3A_15 = arith.constant 0 : index
    %get3A_16 = memref.load %arg8[%get3A_15] : memref<3xf32, #tpu.memory_space<smem>>
    %sub3A = arith.constant 1.000000e+00 : f32
    %sub3A_17 = vector.broadcast %sub3A : f32 to vector<16x64x64xf32>
    %sub3A_18 = arith.subf %sub3A_17, %min3A_14 : vector<16x64x64xf32>
    %log3A = math.log %sub3A_18 : vector<16x64x64xf32>
    %neg3A = arith.constant 0.000000e+00 : f32
    %neg3A_19 = vector.broadcast %neg3A : f32 to vector<16x64x64xf32>
    %neg3A_20 = arith.subf %neg3A_19, %log3A : vector<16x64x64xf32>
    %reduce_sum3A = vector.shape_cast %neg3A_20 : vector<16x64x64xf32> to vector<1x16x64x64xf32>
    %reduce_sum3A_21 = arith.constant dense<0.000000e+00> : vector<1xf32>
    %reduce_sum3A_22 = vector.multi_reduction <add>, %reduce_sum3A, %reduce_sum3A_21 [1, 2, 3] : vector<1x16x64x64xf32> to vector<1xf32>
    %reduce_sum3A_23 = vector.shape_cast %reduce_sum3A_22 : vector<1xf32> to vector<1x1x1x1xf32>
    %reduce_sum3A_24 = vector.extract %reduce_sum3A_23[0, 0, 0, 0] : f32 from vector<1x1x1x1xf32>
    %add3A = arith.addf %get3A_16, %reduce_sum3A_24 : f32
    %swap3A = arith.constant 0 : index
    %swap3A_25 = memref.load %arg8[%swap3A] : memref<3xf32, #tpu.memory_space<smem>>
    memref.store %add3A, %arg8[%swap3A] : memref<3xf32, #tpu.memory_space<smem>>
    %get3A_26 = arith.constant 0 : index
    %get3A_27 = arith.constant 0 : index
    %get3A_28 = arith.constant 0 : index
    %get3A_29 = arith.constant 0 : index
    %get3A_30 = vector.load %arg3[%get3A_26, %get3A_27, %get3A_28, %get3A_29] : memref<16x1x32x32xf32, #tpu.memory_space<vmem>>, vector<16x1x32x32xf32>
    %get3A_31 = vector.shape_cast %get3A_30 : vector<16x1x32x32xf32> to vector<16x32x32xf32>
    %logistic3A_32 = arith.negf %get3A_31 : vector<16x32x32xf32>
    %logistic3A_33 = math.exp %logistic3A_32 : vector<16x32x32xf32>
    %logistic3A_34 = arith.constant 1.000000e+00 : f32
    %logistic3A_35 = vector.broadcast %logistic3A_34 : f32 to vector<16x32x32xf32>
    %logistic3A_36 = arith.addf %logistic3A_35, %logistic3A_33 : vector<16x32x32xf32>
    %logistic3A_37 = arith.divf %logistic3A_35, %logistic3A_36 : vector<16x32x32xf32>
    %jit3A_38 = arith.constant 1.000000e-07 : f32
    %jit3A_39 = arith.constant 0.99999988 : f32
    %max3A_40 = vector.broadcast %jit3A_38 : f32 to vector<16x32x32xf32>
    %max3A_41 = arith.maximumf %max3A_40, %logistic3A_37 : vector<16x32x32xf32>
    %min3A_42 = vector.broadcast %jit3A_39 : f32 to vector<16x32x32xf32>
    %min3A_43 = arith.minimumf %min3A_42, %max3A_41 : vector<16x32x32xf32>
    %get3A_44 = arith.constant 1 : index
    %get3A_45 = memref.load %arg8[%get3A_44] : memref<3xf32, #tpu.memory_space<smem>>
    %sub3A_46 = arith.constant 1.000000e+00 : f32
    %sub3A_47 = vector.broadcast %sub3A_46 : f32 to vector<16x32x32xf32>
    %sub3A_48 = arith.subf %sub3A_47, %min3A_43 : vector<16x32x32xf32>
    %log3A_49 = math.log %sub3A_48 : vector<16x32x32xf32>
    %neg3A_50 = arith.constant 0.000000e+00 : f32
    %neg3A_51 = vector.broadcast %neg3A_50 : f32 to vector<16x32x32xf32>
    %neg3A_52 = arith.subf %neg3A_51, %log3A_49 : vector<16x32x32xf32>
    %reduce_sum3A_53 = vector.shape_cast %neg3A_52 : vector<16x32x32xf32> to vector<1x16x32x32xf32>
    %reduce_sum3A_54 = arith.constant dense<0.000000e+00> : vector<1xf32>
    %reduce_sum3A_55 = vector.multi_reduction <add>, %reduce_sum3A_53, %reduce_sum3A_54 [1, 2, 3] : vector<1x16x32x32xf32> to vector<1xf32>
    %reduce_sum3A_56 = vector.shape_cast %reduce_sum3A_55 : vector<1xf32> to vector<1x1x1x1xf32>
    %reduce_sum3A_57 = vector.extract %reduce_sum3A_56[0, 0, 0, 0] : f32 from vector<1x1x1x1xf32>
    %add3A_58 = arith.addf %get3A_45, %reduce_sum3A_57 : f32
    %swap3A_59 = arith.constant 1 : index
    %swap3A_60 = memref.load %arg8[%swap3A_59] : memref<3xf32, #tpu.memory_space<smem>>
    memref.store %add3A_58, %arg8[%swap3A_59] : memref<3xf32, #tpu.memory_space<smem>>
    %get3A_61 = arith.constant 0 : index
    %get3A_62 = arith.constant 0 : index
    %get3A_63 = arith.constant 0 : index
    %get3A_64 = arith.constant 0 : index
    %get3A_65 = vector.load %arg4[%get3A_61, %get3A_62, %get3A_63, %get3A_64] : memref<16x1x16x16xf32, #tpu.memory_space<vmem>>, vector<16x1x16x16xf32>
    %get3A_66 = vector.shape_cast %get3A_65 : vector<16x1x16x16xf32> to vector<16x16x16xf32>
    %logistic3A_67 = arith.negf %get3A_66 : vector<16x16x16xf32>
    %logistic3A_68 = math.exp %logistic3A_67 : vector<16x16x16xf32>
    %logistic3A_69 = arith.constant 1.000000e+00 : f32
    %logistic3A_70 = vector.broadcast %logistic3A_69 : f32 to vector<16x16x16xf32>
    %logistic3A_71 = arith.addf %logistic3A_70, %logistic3A_68 : vector<16x16x16xf32>
    %logistic3A_72 = arith.divf %logistic3A_70, %logistic3A_71 : vector<16x16x16xf32>
    %jit3A_73 = arith.constant 1.000000e-07 : f32
    %jit3A_74 = arith.constant 0.99999988 : f32
    %max3A_75 = vector.broadcast %jit3A_73 : f32 to vector<16x16x16xf32>
    %max3A_76 = arith.maximumf %max3A_75, %logistic3A_72 : vector<16x16x16xf32>
    %min3A_77 = vector.broadcast %jit3A_74 : f32 to vector<16x16x16xf32>
    %min3A_78 = arith.minimumf %min3A_77, %max3A_76 : vector<16x16x16xf32>
    %get3A_79 = arith.constant 2 : index
    %get3A_80 = memref.load %arg8[%get3A_79] : memref<3xf32, #tpu.memory_space<smem>>
    %sub3A_81 = arith.constant 1.000000e+00 : f32
    %sub3A_82 = vector.broadcast %sub3A_81 : f32 to vector<16x16x16xf32>
    %sub3A_83 = arith.subf %sub3A_82, %min3A_78 : vector<16x16x16xf32>
    %log3A_84 = math.log %sub3A_83 : vector<16x16x16xf32>
    %neg3A_85 = arith.constant 0.000000e+00 : f32
    %neg3A_86 = vector.broadcast %neg3A_85 : f32 to vector<16x16x16xf32>
    %neg3A_87 = arith.subf %neg3A_86, %log3A_84 : vector<16x16x16xf32>
    %reduce_sum3A_88 = vector.shape_cast %neg3A_87 : vector<16x16x16xf32> to vector<1x16x16x16xf32>
    %reduce_sum3A_89 = arith.constant dense<0.000000e+00> : vector<1xf32>
    %reduce_sum3A_90 = vector.multi_reduction <add>, %reduce_sum3A_88, %reduce_sum3A_89 [1, 2, 3] : vector<1x16x16x16xf32> to vector<1xf32>
    %reduce_sum3A_91 = vector.shape_cast %reduce_sum3A_90 : vector<1xf32> to vector<1x1x1x1xf32>
    %reduce_sum3A_92 = vector.extract %reduce_sum3A_91[0, 0, 0, 0] : f32 from vector<1x1x1x1xf32>
    %add3A_93 = arith.addf %get3A_80, %reduce_sum3A_92 : f32
    %swap3A_94 = arith.constant 2 : index
    %swap3A_95 = memref.load %arg8[%swap3A_94] : memref<3xf32, #tpu.memory_space<smem>>
    memref.store %add3A_93, %arg8[%swap3A_94] : memref<3xf32, #tpu.memory_space<smem>>
    %eq3A_96 = arith.constant 2 : i32
    %eq3A_97 = arith.cmpi eq, %arg0, %eq3A_96 : i32
    %convert_element_type3A_98 = arith.extui %eq3A_97 : i1 to i32
    %cond3A_99 = arith.constant 0 : i32
    %cond3A_100 = arith.cmpi ne, %convert_element_type3A_98, %cond3A_99 : i32
    scf.if %cond3A_100 {
      %get3A_101 = arith.constant 0 : index
      %get3A_102 = arith.constant 0 : index
      %get3A_103 = vector.load %arg5[%get3A_101, %get3A_102] : memref<64x6xf32, #tpu.memory_space<vmem>>, vector<64x6xf32>
      %slice3A = vector.extract_strided_slice %get3A_103 {offsets = [0, 0], sizes = [64, 1], strides = [1, 1]} : vector<64x6xf32> to vector<64x1xf32>
      %slice3A_104 = vector.extract_strided_slice %get3A_103 {offsets = [0, 1], sizes = [64, 1], strides = [1, 1]} : vector<64x6xf32> to vector<64x1xf32>
      %slice3A_105 = vector.extract_strided_slice %get3A_103 {offsets = [0, 2], sizes = [64, 1], strides = [1, 1]} : vector<64x6xf32> to vector<64x1xf32>
      %slice3A_106 = vector.extract_strided_slice %get3A_103 {offsets = [0, 3], sizes = [64, 1], strides = [1, 1]} : vector<64x6xf32> to vector<64x1xf32>
      %slice3A_107 = vector.extract_strided_slice %get3A_103 {offsets = [0, 4], sizes = [64, 1], strides = [1, 1]} : vector<64x6xf32> to vector<64x1xf32>
      %slice3A_108 = vector.extract_strided_slice %get3A_103 {offsets = [0, 5], sizes = [64, 1], strides = [1, 1]} : vector<64x6xf32> to vector<64x1xf32>
      %get3A_109 = arith.constant 0 : index
      %get3A_110 = memref.load %arg1[%get3A_109] : memref<2xf32, #tpu.memory_space<smem>>
      %get3A_111 = arith.constant 1 : index
      %get3A_112 = memref.load %arg1[%get3A_111] : memref<2xf32, #tpu.memory_space<smem>>
      %mul3A = vector.broadcast %get3A_110 : f32 to vector<64x1xf32>
      %mul3A_113 = arith.mulf %slice3A_107, %mul3A : vector<64x1xf32>
      %mul3A_114 = vector.broadcast %get3A_112 : f32 to vector<64x1xf32>
      %mul3A_115 = arith.mulf %slice3A_108, %mul3A_114 : vector<64x1xf32>
      %iota3A = tpu.iota {dimensions = array<i32: 0>} : vector<64x64xi32>
      %iota3A_116 = tpu.iota {dimensions = array<i32: 1>} : vector<64x64xi32>
      %eq3A_117 = arith.cmpi eq, %iota3A, %iota3A_116 : vector<64x64xi32>
      %convert_element_type3A_118 = arith.extui %eq3A_117 : vector<64x64xi1> to vector<64x64xi32>
      %convert_element_type3A_119 = arith.sitofp %convert_element_type3A_118 : vector<64x64xi32> to vector<64x64xf32>
      %gt3A = arith.cmpi sgt, %iota3A_116, %iota3A : vector<64x64xi32>
      %convert_element_type3A_120 = arith.extui %gt3A : vector<64x64xi1> to vector<64x64xi32>
      %convert_element_type3A_121 = arith.sitofp %convert_element_type3A_120 : vector<64x64xi32> to vector<64x64xf32>
      %get3A_122 = arith.constant 0 : index
      %get3A_123 = arith.constant 0 : index
      %get3A_124 = arith.constant 0 : index
      %get3A_125 = vector.load %arg6[%get3A_122, %get3A_123, %get3A_124] : memref<3x64x16xf32, #tpu.memory_space<vmem>>, vector<1x64x16xf32>
      %get3A_126 = vector.shape_cast %get3A_125 : vector<1x64x16xf32> to vector<64x16xf32>
      %slice3A_127 = vector.extract_strided_slice %get3A_126 {offsets = [0, 13], sizes = [64, 1], strides = [1, 1]} : vector<64x16xf32> to vector<64x1xf32>
      %mul3A_128 = arith.constant 6.400000e+01 : f32
      %mul3A_129 = vector.broadcast %mul3A_128 : f32 to vector<64x1xf32>
      %mul3A_130 = arith.mulf %slice3A_105, %mul3A_129 : vector<64x1xf32>
      %mul3A_131 = arith.constant 6.400000e+01 : f32
      %mul3A_132 = vector.broadcast %mul3A_131 : f32 to vector<64x1xf32>
      %mul3A_133 = arith.mulf %slice3A_106, %mul3A_132 : vector<64x1xf32>
      %floor3A = math.floor %mul3A_130 : vector<64x1xf32>
      %jit3A_134 = arith.constant 0.000000e+00 : f32
      %jit3A_135 = arith.constant 6.300000e+01 : f32
      %max3A_136 = vector.broadcast %jit3A_134 : f32 to vector<64x1xf32>
      %max3A_137 = arith.maximumf %max3A_136, %floor3A : vector<64x1xf32>
      %min3A_138 = vector.broadcast %jit3A_135 : f32 to vector<64x1xf32>
      %min3A_139 = arith.minimumf %min3A_138, %max3A_137 : vector<64x1xf32>
      %floor3A_140 = math.floor %mul3A_133 : vector<64x1xf32>
      %jit3A_141 = arith.constant 0.000000e+00 : f32
      %jit3A_142 = arith.constant 6.300000e+01 : f32
      %max3A_143 = vector.broadcast %jit3A_141 : f32 to vector<64x1xf32>
      %max3A_144 = arith.maximumf %max3A_143, %floor3A_140 : vector<64x1xf32>
      %min3A_145 = vector.broadcast %jit3A_142 : f32 to vector<64x1xf32>
      %min3A_146 = arith.minimumf %min3A_145, %max3A_144 : vector<64x1xf32>
      %mul3A_147 = arith.constant 3.000000e+00 : f32
      %mul3A_148 = vector.broadcast %mul3A_147 : f32 to vector<64x1xf32>
      %mul3A_149 = arith.mulf %slice3A, %mul3A_148 : vector<64x1xf32>
      %add3A_150 = arith.addf %mul3A_149, %slice3A_127 : vector<64x1xf32>
      %mul3A_151 = arith.constant 6.400000e+01 : f32
      %mul3A_152 = vector.broadcast %mul3A_151 : f32 to vector<64x1xf32>
      %mul3A_153 = arith.mulf %add3A_150, %mul3A_152 : vector<64x1xf32>
      %add3A_154 = arith.addf %mul3A_153, %min3A_146 : vector<64x1xf32>
      %mul3A_155 = arith.constant 6.400000e+01 : f32
      %mul3A_156 = vector.broadcast %mul3A_155 : f32 to vector<64x1xf32>
      %mul3A_157 = arith.mulf %add3A_154, %mul3A_156 : vector<64x1xf32>
      %add3A_158 = arith.addf %mul3A_157, %min3A_139 : vector<64x1xf32>
      %mul3A_159 = arith.constant 8.000000e+00 : f32
      %mul3A_160 = vector.broadcast %mul3A_159 : f32 to vector<64x1xf32>
      %mul3A_161 = arith.mulf %add3A_158, %mul3A_160 : vector<64x1xf32>
      %add3A_162 = arith.addf %mul3A_161, %slice3A_104 : vector<64x1xf32>
      %broadcast_in_dim3A = vector.shape_cast %add3A_158 : vector<64x1xf32> to vector<64x1xf32>
      %broadcast_in_dim3A_163 = vector.broadcast %broadcast_in_dim3A : vector<64x1xf32> to vector<64x64xf32>
      %mul3A_164 = arith.mulf %convert_element_type3A_119, %broadcast_in_dim3A_163 : vector<64x64xf32>
      %reduce_sum3A_165 = arith.constant dense<0.000000e+00> : vector<64xf32>
      %reduce_sum3A_166 = vector.multi_reduction <add>, %mul3A_164, %reduce_sum3A_165 [0] : vector<64x64xf32> to vector<64xf32>
      %broadcast_in_dim3A_167 = vector.shape_cast %reduce_sum3A_166 : vector<64xf32> to vector<1x64xf32>
      %broadcast_in_dim3A_168 = vector.shape_cast %broadcast_in_dim3A_167 : vector<1x64xf32> to vector<1x64xf32>
      %broadcast_in_dim3A_169 = vector.broadcast %broadcast_in_dim3A_168 : vector<1x64xf32> to vector<64x64xf32>
      %eq3A_170 = arith.cmpf oeq, %broadcast_in_dim3A_163, %broadcast_in_dim3A_169 : vector<64x64xf32>
      %convert_element_type3A_171 = arith.extui %eq3A_170 : vector<64x64xi1> to vector<64x64xi32>
      %convert_element_type3A_172 = arith.sitofp %convert_element_type3A_171 : vector<64x64xi32> to vector<64x64xf32>
      %mul3A_173 = arith.mulf %convert_element_type3A_172, %convert_element_type3A_121 : vector<64x64xf32>
      %reduce_sum3A_174 = arith.constant dense<0.000000e+00> : vector<64xf32>
      %reduce_sum3A_175 = vector.multi_reduction <add>, %mul3A_173, %reduce_sum3A_174 [1] : vector<64x64xf32> to vector<64xf32>
      %broadcast_in_dim3A_176 = vector.shape_cast %reduce_sum3A_175 : vector<64xf32> to vector<64x1xf32>
      %eq3A_177 = arith.constant 0.000000e+00 : f32
      %eq3A_178 = vector.broadcast %eq3A_177 : f32 to vector<64x1xf32>
      %eq3A_179 = arith.cmpf oeq, %broadcast_in_dim3A_176, %eq3A_178 : vector<64x1xf32>
      %convert_element_type3A_180 = arith.extui %eq3A_179 : vector<64x1xi1> to vector<64x1xi32>
      %convert_element_type3A_181 = arith.sitofp %convert_element_type3A_180 : vector<64x1xi32> to vector<64x1xf32>
      %broadcast_in_dim3A_182 = vector.shape_cast %add3A_162 : vector<64x1xf32> to vector<64x1xf32>
      %broadcast_in_dim3A_183 = vector.broadcast %broadcast_in_dim3A_182 : vector<64x1xf32> to vector<64x64xf32>
      %mul3A_184 = arith.mulf %convert_element_type3A_119, %broadcast_in_dim3A_183 : vector<64x64xf32>
      %reduce_sum3A_185 = arith.constant dense<0.000000e+00> : vector<64xf32>
      %reduce_sum3A_186 = vector.multi_reduction <add>, %mul3A_184, %reduce_sum3A_185 [0] : vector<64x64xf32> to vector<64xf32>
      %broadcast_in_dim3A_187 = vector.shape_cast %reduce_sum3A_186 : vector<64xf32> to vector<1x64xf32>
      %broadcast_in_dim3A_188 = vector.shape_cast %broadcast_in_dim3A_187 : vector<1x64xf32> to vector<1x64xf32>
      %broadcast_in_dim3A_189 = vector.broadcast %broadcast_in_dim3A_188 : vector<1x64xf32> to vector<64x64xf32>
      %eq3A_190 = arith.cmpf oeq, %broadcast_in_dim3A_183, %broadcast_in_dim3A_189 : vector<64x64xf32>
      %convert_element_type3A_191 = arith.extui %eq3A_190 : vector<64x64xi1> to vector<64x64xi32>
      %convert_element_type3A_192 = arith.sitofp %convert_element_type3A_191 : vector<64x64xi32> to vector<64x64xf32>
      %mul3A_193 = arith.mulf %convert_element_type3A_192, %convert_element_type3A_121 : vector<64x64xf32>
      %reduce_sum3A_194 = arith.constant dense<0.000000e+00> : vector<64xf32>
      %reduce_sum3A_195 = vector.multi_reduction <add>, %mul3A_193, %reduce_sum3A_194 [1] : vector<64x64xf32> to vector<64xf32>
      %broadcast_in_dim3A_196 = vector.shape_cast %reduce_sum3A_195 : vector<64xf32> to vector<64x1xf32>
      %eq3A_197 = arith.constant 0.000000e+00 : f32
      %eq3A_198 = vector.broadcast %eq3A_197 : f32 to vector<64x1xf32>
      %eq3A_199 = arith.cmpf oeq, %broadcast_in_dim3A_196, %eq3A_198 : vector<64x1xf32>
      %convert_element_type3A_200 = arith.extui %eq3A_199 : vector<64x1xi1> to vector<64x1xi32>
      %convert_element_type3A_201 = arith.sitofp %convert_element_type3A_200 : vector<64x1xi32> to vector<64x1xf32>
      %reduce_sum3A_202 = vector.shape_cast %convert_element_type3A_181 : vector<64x1xf32> to vector<1x64x1xf32>
      %reduce_sum3A_203 = arith.constant dense<0.000000e+00> : vector<1xf32>
      %reduce_sum3A_204 = vector.multi_reduction <add>, %reduce_sum3A_202, %reduce_sum3A_203 [1, 2] : vector<1x64x1xf32> to vector<1xf32>
      %reduce_sum3A_205 = vector.shape_cast %reduce_sum3A_204 : vector<1xf32> to vector<1x1x1xf32>
      %reduce_sum3A_206 = vector.extract %reduce_sum3A_205[0, 0, 0] : f32 from vector<1x1x1xf32>
      %slice3A_207 = vector.extract_strided_slice %get3A_126 {offsets = [0, 0], sizes = [64, 1], strides = [1, 1]} : vector<64x16xf32> to vector<64x1xf32>
      %logistic3A_208 = arith.negf %slice3A_207 : vector<64x1xf32>
      %logistic3A_209 = math.exp %logistic3A_208 : vector<64x1xf32>
      %logistic3A_210 = arith.constant 1.000000e+00 : f32
      %logistic3A_211 = vector.broadcast %logistic3A_210 : f32 to vector<64x1xf32>
      %logistic3A_212 = arith.addf %logistic3A_211, %logistic3A_209 : vector<64x1xf32>
      %logistic3A_213 = arith.divf %logistic3A_211, %logistic3A_212 : vector<64x1xf32>
      %slice3A_214 = vector.extract_strided_slice %get3A_126 {offsets = [0, 1], sizes = [64, 1], strides = [1, 1]} : vector<64x16xf32> to vector<64x1xf32>
      %logistic3A_215 = arith.negf %slice3A_214 : vector<64x1xf32>
      %logistic3A_216 = math.exp %logistic3A_215 : vector<64x1xf32>
      %logistic3A_217 = arith.constant 1.000000e+00 : f32
      %logistic3A_218 = vector.broadcast %logistic3A_217 : f32 to vector<64x1xf32>
      %logistic3A_219 = arith.addf %logistic3A_218, %logistic3A_216 : vector<64x1xf32>
      %logistic3A_220 = arith.divf %logistic3A_218, %logistic3A_219 : vector<64x1xf32>
      %slice3A_221 = vector.extract_strided_slice %get3A_126 {offsets = [0, 2], sizes = [64, 1], strides = [1, 1]} : vector<64x16xf32> to vector<64x1xf32>
      %slice3A_222 = vector.extract_strided_slice %get3A_126 {offsets = [0, 3], sizes = [64, 1], strides = [1, 1]} : vector<64x16xf32> to vector<64x1xf32>
      %slice3A_223 = vector.extract_strided_slice %get3A_126 {offsets = [0, 4], sizes = [64, 1], strides = [1, 1]} : vector<64x16xf32> to vector<64x1xf32>
      %logistic3A_224 = arith.negf %slice3A_223 : vector<64x1xf32>
      %logistic3A_225 = math.exp %logistic3A_224 : vector<64x1xf32>
      %logistic3A_226 = arith.constant 1.000000e+00 : f32
      %logistic3A_227 = vector.broadcast %logistic3A_226 : f32 to vector<64x1xf32>
      %logistic3A_228 = arith.addf %logistic3A_227, %logistic3A_225 : vector<64x1xf32>
      %logistic3A_229 = arith.divf %logistic3A_227, %logistic3A_228 : vector<64x1xf32>
      %jit3A_230 = arith.constant 1.000000e-07 : f32
      %jit3A_231 = arith.constant 0.99999988 : f32
      %max3A_232 = vector.broadcast %jit3A_230 : f32 to vector<64x1xf32>
      %max3A_233 = arith.maximumf %max3A_232, %logistic3A_229 : vector<64x1xf32>
      %min3A_234 = vector.broadcast %jit3A_231 : f32 to vector<64x1xf32>
      %min3A_235 = arith.minimumf %min3A_234, %max3A_233 : vector<64x1xf32>
      %sub3A_236 = arith.subf %mul3A_130, %min3A_139 : vector<64x1xf32>
      %sub3A_237 = arith.subf %mul3A_133, %min3A_146 : vector<64x1xf32>
      %eq3A_238 = arith.constant 0.000000e+00 : f32
      %eq3A_239 = vector.broadcast %eq3A_238 : f32 to vector<64x1xf32>
      %eq3A_240 = arith.cmpf oeq, %slice3A_127, %eq3A_239 : vector<64x1xf32>
      %eq3A_241 = arith.constant 1.000000e+00 : f32
      %eq3A_242 = vector.broadcast %eq3A_241 : f32 to vector<64x1xf32>
      %eq3A_243 = arith.cmpf oeq, %slice3A_127, %eq3A_242 : vector<64x1xf32>
      %jit3A_244 = arith.constant 1.600000e+01 : f32
      %jit3A_245 = arith.constant 3.300000e+01 : f32
      %broadcast_in_dim3A_246 = vector.broadcast %jit3A_244 : f32 to vector<64x1xf32>
      %broadcast_in_dim3A_247 = vector.broadcast %jit3A_245 : f32 to vector<64x1xf32>
      %select_n3A = arith.select %eq3A_243, %broadcast_in_dim3A_246, %broadcast_in_dim3A_247 : vector<64x1xi1>, vector<64x1xf32>
      %jit3A_248 = arith.constant 1.000000e+01 : f32
      %broadcast_in_dim3A_249 = vector.broadcast %jit3A_248 : f32 to vector<64x1xf32>
      %select_n3A_250 = arith.select %eq3A_240, %broadcast_in_dim3A_249, %select_n3A : vector<64x1xi1>, vector<64x1xf32>
      %eq3A_251 = arith.constant 0.000000e+00 : f32
      %eq3A_252 = vector.broadcast %eq3A_251 : f32 to vector<64x1xf32>
      %eq3A_253 = arith.cmpf oeq, %slice3A_127, %eq3A_252 : vector<64x1xf32>
      %eq3A_254 = arith.constant 1.000000e+00 : f32
      %eq3A_255 = vector.broadcast %eq3A_254 : f32 to vector<64x1xf32>
      %eq3A_256 = arith.cmpf oeq, %slice3A_127, %eq3A_255 : vector<64x1xf32>
      %jit3A_257 = arith.constant 3.000000e+01 : f32
      %jit3A_258 = arith.constant 2.300000e+01 : f32
      %broadcast_in_dim3A_259 = vector.broadcast %jit3A_257 : f32 to vector<64x1xf32>
      %broadcast_in_dim3A_260 = vector.broadcast %jit3A_258 : f32 to vector<64x1xf32>
      %select_n3A_261 = arith.select %eq3A_256, %broadcast_in_dim3A_259, %broadcast_in_dim3A_260 : vector<64x1xi1>, vector<64x1xf32>
      %jit3A_262 = arith.constant 1.300000e+01 : f32
      %broadcast_in_dim3A_263 = vector.broadcast %jit3A_262 : f32 to vector<64x1xf32>
      %select_n3A_264 = arith.select %eq3A_253, %broadcast_in_dim3A_263, %select_n3A_261 : vector<64x1xi1>, vector<64x1xf32>
      %div3A = arith.divf %mul3A_113, %select_n3A_250 : vector<64x1xf32>
      %add3A_265 = arith.constant 1.000000e-16 : f32
      %add3A_266 = vector.broadcast %add3A_265 : f32 to vector<64x1xf32>
      %add3A_267 = arith.addf %div3A, %add3A_266 : vector<64x1xf32>
      %log3A_268 = math.log %add3A_267 : vector<64x1xf32>
      %div3A_269 = arith.divf %mul3A_115, %select_n3A_264 : vector<64x1xf32>
      %add3A_270 = arith.constant 1.000000e-16 : f32
      %add3A_271 = vector.broadcast %add3A_270 : f32 to vector<64x1xf32>
      %add3A_272 = arith.addf %div3A_269, %add3A_271 : vector<64x1xf32>
      %log3A_273 = math.log %add3A_272 : vector<64x1xf32>
      %sub3A_274 = arith.subf %logistic3A_213, %sub3A_236 : vector<64x1xf32>
      %integer_pow3A = arith.mulf %sub3A_274, %sub3A_274 : vector<64x1xf32>
      %mul3A_275 = arith.mulf %convert_element_type3A_181, %integer_pow3A : vector<64x1xf32>
      %reduce_sum3A_276 = vector.shape_cast %mul3A_275 : vector<64x1xf32> to vector<1x64x1xf32>
      %reduce_sum3A_277 = arith.constant dense<0.000000e+00> : vector<1xf32>
      %reduce_sum3A_278 = vector.multi_reduction <add>, %reduce_sum3A_276, %reduce_sum3A_277 [1, 2] : vector<1x64x1xf32> to vector<1xf32>
      %reduce_sum3A_279 = vector.shape_cast %reduce_sum3A_278 : vector<1xf32> to vector<1x1x1xf32>
      %reduce_sum3A_280 = vector.extract %reduce_sum3A_279[0, 0, 0] : f32 from vector<1x1x1xf32>
      %sub3A_281 = arith.subf %logistic3A_220, %sub3A_237 : vector<64x1xf32>
      %integer_pow3A_282 = arith.mulf %sub3A_281, %sub3A_281 : vector<64x1xf32>
      %mul3A_283 = arith.mulf %convert_element_type3A_181, %integer_pow3A_282 : vector<64x1xf32>
      %reduce_sum3A_284 = vector.shape_cast %mul3A_283 : vector<64x1xf32> to vector<1x64x1xf32>
      %reduce_sum3A_285 = arith.constant dense<0.000000e+00> : vector<1xf32>
      %reduce_sum3A_286 = vector.multi_reduction <add>, %reduce_sum3A_284, %reduce_sum3A_285 [1, 2] : vector<1x64x1xf32> to vector<1xf32>
      %reduce_sum3A_287 = vector.shape_cast %reduce_sum3A_286 : vector<1xf32> to vector<1x1x1xf32>
      %reduce_sum3A_288 = vector.extract %reduce_sum3A_287[0, 0, 0] : f32 from vector<1x1x1xf32>
      %sub3A_289 = arith.subf %slice3A_221, %log3A_268 : vector<64x1xf32>
      %integer_pow3A_290 = arith.mulf %sub3A_289, %sub3A_289 : vector<64x1xf32>
      %mul3A_291 = arith.mulf %convert_element_type3A_181, %integer_pow3A_290 : vector<64x1xf32>
      %reduce_sum3A_292 = vector.shape_cast %mul3A_291 : vector<64x1xf32> to vector<1x64x1xf32>
      %reduce_sum3A_293 = arith.constant dense<0.000000e+00> : vector<1xf32>
      %reduce_sum3A_294 = vector.multi_reduction <add>, %reduce_sum3A_292, %reduce_sum3A_293 [1, 2] : vector<1x64x1xf32> to vector<1xf32>
      %reduce_sum3A_295 = vector.shape_cast %reduce_sum3A_294 : vector<1xf32> to vector<1x1x1xf32>
      %reduce_sum3A_296 = vector.extract %reduce_sum3A_295[0, 0, 0] : f32 from vector<1x1x1xf32>
      %sub3A_297 = arith.subf %slice3A_222, %log3A_273 : vector<64x1xf32>
      %integer_pow3A_298 = arith.mulf %sub3A_297, %sub3A_297 : vector<64x1xf32>
      %mul3A_299 = arith.mulf %convert_element_type3A_181, %integer_pow3A_298 : vector<64x1xf32>
      %reduce_sum3A_300 = vector.shape_cast %mul3A_299 : vector<64x1xf32> to vector<1x64x1xf32>
      %reduce_sum3A_301 = arith.constant dense<0.000000e+00> : vector<1xf32>
      %reduce_sum3A_302 = vector.multi_reduction <add>, %reduce_sum3A_300, %reduce_sum3A_301 [1, 2] : vector<1x64x1xf32> to vector<1xf32>
      %reduce_sum3A_303 = vector.shape_cast %reduce_sum3A_302 : vector<1xf32> to vector<1x1x1xf32>
      %reduce_sum3A_304 = vector.extract %reduce_sum3A_303[0, 0, 0] : f32 from vector<1x1x1xf32>
      %log3A_305 = math.log %min3A_235 : vector<64x1xf32>
      %neg3A_306 = arith.constant 0.000000e+00 : f32
      %neg3A_307 = vector.broadcast %neg3A_306 : f32 to vector<64x1xf32>
      %neg3A_308 = arith.subf %neg3A_307, %log3A_305 : vector<64x1xf32>
      %mul3A_309 = arith.mulf %convert_element_type3A_181, %neg3A_308 : vector<64x1xf32>
      %reduce_sum3A_310 = vector.shape_cast %mul3A_309 : vector<64x1xf32> to vector<1x64x1xf32>
      %reduce_sum3A_311 = arith.constant dense<0.000000e+00> : vector<1xf32>
      %reduce_sum3A_312 = vector.multi_reduction <add>, %reduce_sum3A_310, %reduce_sum3A_311 [1, 2] : vector<1x64x1xf32> to vector<1xf32>
      %reduce_sum3A_313 = vector.shape_cast %reduce_sum3A_312 : vector<1xf32> to vector<1x1x1xf32>
      %reduce_sum3A_314 = vector.extract %reduce_sum3A_313[0, 0, 0] : f32 from vector<1x1x1xf32>
      %sub3A_315 = arith.constant 1.000000e+00 : f32
      %sub3A_316 = vector.broadcast %sub3A_315 : f32 to vector<64x1xf32>
      %sub3A_317 = arith.subf %sub3A_316, %min3A_235 : vector<64x1xf32>
      %log3A_318 = math.log %sub3A_317 : vector<64x1xf32>
      %neg3A_319 = arith.constant 0.000000e+00 : f32
      %neg3A_320 = vector.broadcast %neg3A_319 : f32 to vector<64x1xf32>
      %neg3A_321 = arith.subf %neg3A_320, %log3A_318 : vector<64x1xf32>
      %mul3A_322 = arith.mulf %convert_element_type3A_181, %neg3A_321 : vector<64x1xf32>
      %reduce_sum3A_323 = vector.shape_cast %mul3A_322 : vector<64x1xf32> to vector<1x64x1xf32>
      %reduce_sum3A_324 = arith.constant dense<0.000000e+00> : vector<1xf32>
      %reduce_sum3A_325 = vector.multi_reduction <add>, %reduce_sum3A_323, %reduce_sum3A_324 [1, 2] : vector<1x64x1xf32> to vector<1xf32>
      %reduce_sum3A_326 = vector.shape_cast %reduce_sum3A_325 : vector<1xf32> to vector<1x1x1xf32>
      %reduce_sum3A_327 = vector.extract %reduce_sum3A_326[0, 0, 0] : f32 from vector<1x1x1xf32>
      %slice3A_328 = vector.extract_strided_slice %get3A_126 {offsets = [0, 5], sizes = [64, 1], strides = [1, 1]} : vector<64x16xf32> to vector<64x1xf32>
      %logistic3A_329 = arith.negf %slice3A_328 : vector<64x1xf32>
      %logistic3A_330 = math.exp %logistic3A_329 : vector<64x1xf32>
      %logistic3A_331 = arith.constant 1.000000e+00 : f32
      %logistic3A_332 = vector.broadcast %logistic3A_331 : f32 to vector<64x1xf32>
      %logistic3A_333 = arith.addf %logistic3A_332, %logistic3A_330 : vector<64x1xf32>
      %logistic3A_334 = arith.divf %logistic3A_332, %logistic3A_333 : vector<64x1xf32>
      %jit3A_335 = arith.constant 1.000000e-07 : f32
      %jit3A_336 = arith.constant 0.99999988 : f32
      %max3A_337 = vector.broadcast %jit3A_335 : f32 to vector<64x1xf32>
      %max3A_338 = arith.maximumf %max3A_337, %logistic3A_334 : vector<64x1xf32>
      %min3A_339 = vector.broadcast %jit3A_336 : f32 to vector<64x1xf32>
      %min3A_340 = arith.minimumf %min3A_339, %max3A_338 : vector<64x1xf32>
      %sub3A_341 = arith.constant 1.000000e+00 : f32
      %sub3A_342 = vector.broadcast %sub3A_341 : f32 to vector<64x1xf32>
      %sub3A_343 = arith.subf %sub3A_342, %min3A_340 : vector<64x1xf32>
      %log3A_344 = math.log %sub3A_343 : vector<64x1xf32>
      %neg3A_345 = arith.constant 0.000000e+00 : f32
      %neg3A_346 = vector.broadcast %neg3A_345 : f32 to vector<64x1xf32>
      %neg3A_347 = arith.subf %neg3A_346, %log3A_344 : vector<64x1xf32>
      %mul3A_348 = arith.mulf %convert_element_type3A_181, %neg3A_347 : vector<64x1xf32>
      %reduce_sum3A_349 = vector.shape_cast %mul3A_348 : vector<64x1xf32> to vector<1x64x1xf32>
      %reduce_sum3A_350 = arith.constant dense<0.000000e+00> : vector<1xf32>
      %reduce_sum3A_351 = vector.multi_reduction <add>, %reduce_sum3A_349, %reduce_sum3A_350 [1, 2] : vector<1x64x1xf32> to vector<1xf32>
      %reduce_sum3A_352 = vector.shape_cast %reduce_sum3A_351 : vector<1xf32> to vector<1x1x1xf32>
      %reduce_sum3A_353 = vector.extract %reduce_sum3A_352[0, 0, 0] : f32 from vector<1x1x1xf32>
      %add3A_354 = arith.constant 0.000000e+00 : f32
      %add3A_355 = arith.addf %add3A_354, %reduce_sum3A_353 : f32
      %eq3A_356 = arith.constant 0.000000e+00 : f32
      %eq3A_357 = vector.broadcast %eq3A_356 : f32 to vector<64x1xf32>
      %eq3A_358 = arith.cmpf oeq, %slice3A_104, %eq3A_357 : vector<64x1xf32>
      %convert_element_type3A_359 = arith.extui %eq3A_358 : vector<64x1xi1> to vector<64x1xi32>
      %convert_element_type3A_360 = arith.sitofp %convert_element_type3A_359 : vector<64x1xi32> to vector<64x1xf32>
      %mul3A_361 = arith.mulf %convert_element_type3A_360, %min3A_340 : vector<64x1xf32>
      %add3A_362 = arith.constant 0.000000e+00 : f32
      %add3A_363 = vector.broadcast %add3A_362 : f32 to vector<64x1xf32>
      %add3A_364 = arith.addf %add3A_363, %mul3A_361 : vector<64x1xf32>
      %slice3A_365 = vector.extract_strided_slice %get3A_126 {offsets = [0, 6], sizes = [64, 1], strides = [1, 1]} : vector<64x16xf32> to vector<64x1xf32>
      %logistic3A_366 = arith.negf %slice3A_365 : vector<64x1xf32>
      %logistic3A_367 = math.exp %logistic3A_366 : vector<64x1xf32>
      %logistic3A_368 = arith.constant 1.000000e+00 : f32
      %logistic3A_369 = vector.broadcast %logistic3A_368 : f32 to vector<64x1xf32>
      %logistic3A_370 = arith.addf %logistic3A_369, %logistic3A_367 : vector<64x1xf32>
      %logistic3A_371 = arith.divf %logistic3A_369, %logistic3A_370 : vector<64x1xf32>
      %jit3A_372 = arith.constant 1.000000e-07 : f32
      %jit3A_373 = arith.constant 0.99999988 : f32
      %max3A_374 = vector.broadcast %jit3A_372 : f32 to vector<64x1xf32>
      %max3A_375 = arith.maximumf %max3A_374, %logistic3A_371 : vector<64x1xf32>
      %min3A_376 = vector.broadcast %jit3A_373 : f32 to vector<64x1xf32>
      %min3A_377 = arith.minimumf %min3A_376, %max3A_375 : vector<64x1xf32>
      %sub3A_378 = arith.constant 1.000000e+00 : f32
      %sub3A_379 = vector.broadcast %sub3A_378 : f32 to vector<64x1xf32>
      %sub3A_380 = arith.subf %sub3A_379, %min3A_377 : vector<64x1xf32>
      %log3A_381 = math.log %sub3A_380 : vector<64x1xf32>
      %neg3A_382 = arith.constant 0.000000e+00 : f32
      %neg3A_383 = vector.broadcast %neg3A_382 : f32 to vector<64x1xf32>
      %neg3A_384 = arith.subf %neg3A_383, %log3A_381 : vector<64x1xf32>
      %mul3A_385 = arith.mulf %convert_element_type3A_181, %neg3A_384 : vector<64x1xf32>
      %reduce_sum3A_386 = vector.shape_cast %mul3A_385 : vector<64x1xf32> to vector<1x64x1xf32>
      %reduce_sum3A_387 = arith.constant dense<0.000000e+00> : vector<1xf32>
      %reduce_sum3A_388 = vector.multi_reduction <add>, %reduce_sum3A_386, %reduce_sum3A_387 [1, 2] : vector<1x64x1xf32> to vector<1xf32>
      %reduce_sum3A_389 = vector.shape_cast %reduce_sum3A_388 : vector<1xf32> to vector<1x1x1xf32>
      %reduce_sum3A_390 = vector.extract %reduce_sum3A_389[0, 0, 0] : f32 from vector<1x1x1xf32>
      %add3A_391 = arith.addf %add3A_355, %reduce_sum3A_390 : f32
      %eq3A_392 = arith.constant 1.000000e+00 : f32
      %eq3A_393 = vector.broadcast %eq3A_392 : f32 to vector<64x1xf32>
      %eq3A_394 = arith.cmpf oeq, %slice3A_104, %eq3A_393 : vector<64x1xf32>
      %convert_element_type3A_395 = arith.extui %eq3A_394 : vector<64x1xi1> to vector<64x1xi32>
      %convert_element_type3A_396 = arith.sitofp %convert_element_type3A_395 : vector<64x1xi32> to vector<64x1xf32>
      %mul3A_397 = arith.mulf %convert_element_type3A_396, %min3A_377 : vector<64x1xf32>
      %add3A_398 = arith.addf %add3A_364, %mul3A_397 : vector<64x1xf32>
      %slice3A_399 = vector.extract_strided_slice %get3A_126 {offsets = [0, 7], sizes = [64, 1], strides = [1, 1]} : vector<64x16xf32> to vector<64x1xf32>
      %logistic3A_400 = arith.negf %slice3A_399 : vector<64x1xf32>
      %logistic3A_401 = math.exp %logistic3A_400 : vector<64x1xf32>
      %logistic3A_402 = arith.constant 1.000000e+00 : f32
      %logistic3A_403 = vector.broadcast %logistic3A_402 : f32 to vector<64x1xf32>
      %logistic3A_404 = arith.addf %logistic3A_403, %logistic3A_401 : vector<64x1xf32>
      %logistic3A_405 = arith.divf %logistic3A_403, %logistic3A_404 : vector<64x1xf32>
      %jit3A_406 = arith.constant 1.000000e-07 : f32
      %jit3A_407 = arith.constant 0.99999988 : f32
      %max3A_408 = vector.broadcast %jit3A_406 : f32 to vector<64x1xf32>
      %max3A_409 = arith.maximumf %max3A_408, %logistic3A_405 : vector<64x1xf32>
      %min3A_410 = vector.broadcast %jit3A_407 : f32 to vector<64x1xf32>
      %min3A_411 = arith.minimumf %min3A_410, %max3A_409 : vector<64x1xf32>
      %sub3A_412 = arith.constant 1.000000e+00 : f32
      %sub3A_413 = vector.broadcast %sub3A_412 : f32 to vector<64x1xf32>
      %sub3A_414 = arith.subf %sub3A_413, %min3A_411 : vector<64x1xf32>
      %log3A_415 = math.log %sub3A_414 : vector<64x1xf32>
      %neg3A_416 = arith.constant 0.000000e+00 : f32
      %neg3A_417 = vector.broadcast %neg3A_416 : f32 to vector<64x1xf32>
      %neg3A_418 = arith.subf %neg3A_417, %log3A_415 : vector<64x1xf32>
      %mul3A_419 = arith.mulf %convert_element_type3A_181, %neg3A_418 : vector<64x1xf32>
      %reduce_sum3A_420 = vector.shape_cast %mul3A_419 : vector<64x1xf32> to vector<1x64x1xf32>
      %reduce_sum3A_421 = arith.constant dense<0.000000e+00> : vector<1xf32>
      %reduce_sum3A_422 = vector.multi_reduction <add>, %reduce_sum3A_420, %reduce_sum3A_421 [1, 2] : vector<1x64x1xf32> to vector<1xf32>
      %reduce_sum3A_423 = vector.shape_cast %reduce_sum3A_422 : vector<1xf32> to vector<1x1x1xf32>
      %reduce_sum3A_424 = vector.extract %reduce_sum3A_423[0, 0, 0] : f32 from vector<1x1x1xf32>
      %add3A_425 = arith.addf %add3A_391, %reduce_sum3A_424 : f32
      %eq3A_426 = arith.constant 2.000000e+00 : f32
      %eq3A_427 = vector.broadcast %eq3A_426 : f32 to vector<64x1xf32>
      %eq3A_428 = arith.cmpf oeq, %slice3A_104, %eq3A_427 : vector<64x1xf32>
      %convert_element_type3A_429 = arith.extui %eq3A_428 : vector<64x1xi1> to vector<64x1xi32>
      %convert_element_type3A_430 = arith.sitofp %convert_element_type3A_429 : vector<64x1xi32> to vector<64x1xf32>
      %mul3A_431 = arith.mulf %convert_element_type3A_430, %min3A_411 : vector<64x1xf32>
      %add3A_432 = arith.addf %add3A_398, %mul3A_431 : vector<64x1xf32>
      %slice3A_433 = vector.extract_strided_slice %get3A_126 {offsets = [0, 8], sizes = [64, 1], strides = [1, 1]} : vector<64x16xf32> to vector<64x1xf32>
      %logistic3A_434 = arith.negf %slice3A_433 : vector<64x1xf32>
      %logistic3A_435 = math.exp %logistic3A_434 : vector<64x1xf32>
      %logistic3A_436 = arith.constant 1.000000e+00 : f32
      %logistic3A_437 = vector.broadcast %logistic3A_436 : f32 to vector<64x1xf32>
      %logistic3A_438 = arith.addf %logistic3A_437, %logistic3A_435 : vector<64x1xf32>
      %logistic3A_439 = arith.divf %logistic3A_437, %logistic3A_438 : vector<64x1xf32>
      %jit3A_440 = arith.constant 1.000000e-07 : f32
      %jit3A_441 = arith.constant 0.99999988 : f32
      %max3A_442 = vector.broadcast %jit3A_440 : f32 to vector<64x1xf32>
      %max3A_443 = arith.maximumf %max3A_442, %logistic3A_439 : vector<64x1xf32>
      %min3A_444 = vector.broadcast %jit3A_441 : f32 to vector<64x1xf32>
      %min3A_445 = arith.minimumf %min3A_444, %max3A_443 : vector<64x1xf32>
      %sub3A_446 = arith.constant 1.000000e+00 : f32
      %sub3A_447 = vector.broadcast %sub3A_446 : f32 to vector<64x1xf32>
      %sub3A_448 = arith.subf %sub3A_447, %min3A_445 : vector<64x1xf32>
      %log3A_449 = math.log %sub3A_448 : vector<64x1xf32>
      %neg3A_450 = arith.constant 0.000000e+00 : f32
      %neg3A_451 = vector.broadcast %neg3A_450 : f32 to vector<64x1xf32>
      %neg3A_452 = arith.subf %neg3A_451, %log3A_449 : vector<64x1xf32>
      %mul3A_453 = arith.mulf %convert_element_type3A_181, %neg3A_452 : vector<64x1xf32>
      %reduce_sum3A_454 = vector.shape_cast %mul3A_453 : vector<64x1xf32> to vector<1x64x1xf32>
      %reduce_sum3A_455 = arith.constant dense<0.000000e+00> : vector<1xf32>
      %reduce_sum3A_456 = vector.multi_reduction <add>, %reduce_sum3A_454, %reduce_sum3A_455 [1, 2] : vector<1x64x1xf32> to vector<1xf32>
      %reduce_sum3A_457 = vector.shape_cast %reduce_sum3A_456 : vector<1xf32> to vector<1x1x1xf32>
      %reduce_sum3A_458 = vector.extract %reduce_sum3A_457[0, 0, 0] : f32 from vector<1x1x1xf32>
      %add3A_459 = arith.addf %add3A_425, %reduce_sum3A_458 : f32
      %eq3A_460 = arith.constant 3.000000e+00 : f32
      %eq3A_461 = vector.broadcast %eq3A_460 : f32 to vector<64x1xf32>
      %eq3A_462 = arith.cmpf oeq, %slice3A_104, %eq3A_461 : vector<64x1xf32>
      %convert_element_type3A_463 = arith.extui %eq3A_462 : vector<64x1xi1> to vector<64x1xi32>
      %convert_element_type3A_464 = arith.sitofp %convert_element_type3A_463 : vector<64x1xi32> to vector<64x1xf32>
      %mul3A_465 = arith.mulf %convert_element_type3A_464, %min3A_445 : vector<64x1xf32>
      %add3A_466 = arith.addf %add3A_432, %mul3A_465 : vector<64x1xf32>
      %slice3A_467 = vector.extract_strided_slice %get3A_126 {offsets = [0, 9], sizes = [64, 1], strides = [1, 1]} : vector<64x16xf32> to vector<64x1xf32>
      %logistic3A_468 = arith.negf %slice3A_467 : vector<64x1xf32>
      %logistic3A_469 = math.exp %logistic3A_468 : vector<64x1xf32>
      %logistic3A_470 = arith.constant 1.000000e+00 : f32
      %logistic3A_471 = vector.broadcast %logistic3A_470 : f32 to vector<64x1xf32>
      %logistic3A_472 = arith.addf %logistic3A_471, %logistic3A_469 : vector<64x1xf32>
      %logistic3A_473 = arith.divf %logistic3A_471, %logistic3A_472 : vector<64x1xf32>
      %jit3A_474 = arith.constant 1.000000e-07 : f32
      %jit3A_475 = arith.constant 0.99999988 : f32
      %max3A_476 = vector.broadcast %jit3A_474 : f32 to vector<64x1xf32>
      %max3A_477 = arith.maximumf %max3A_476, %logistic3A_473 : vector<64x1xf32>
      %min3A_478 = vector.broadcast %jit3A_475 : f32 to vector<64x1xf32>
      %min3A_479 = arith.minimumf %min3A_478, %max3A_477 : vector<64x1xf32>
      %sub3A_480 = arith.constant 1.000000e+00 : f32
      %sub3A_481 = vector.broadcast %sub3A_480 : f32 to vector<64x1xf32>
      %sub3A_482 = arith.subf %sub3A_481, %min3A_479 : vector<64x1xf32>
      %log3A_483 = math.log %sub3A_482 : vector<64x1xf32>
      %neg3A_484 = arith.constant 0.000000e+00 : f32
      %neg3A_485 = vector.broadcast %neg3A_484 : f32 to vector<64x1xf32>
      %neg3A_486 = arith.subf %neg3A_485, %log3A_483 : vector<64x1xf32>
      %mul3A_487 = arith.mulf %convert_element_type3A_181, %neg3A_486 : vector<64x1xf32>
      %reduce_sum3A_488 = vector.shape_cast %mul3A_487 : vector<64x1xf32> to vector<1x64x1xf32>
      %reduce_sum3A_489 = arith.constant dense<0.000000e+00> : vector<1xf32>
      %reduce_sum3A_490 = vector.multi_reduction <add>, %reduce_sum3A_488, %reduce_sum3A_489 [1, 2] : vector<1x64x1xf32> to vector<1xf32>
      %reduce_sum3A_491 = vector.shape_cast %reduce_sum3A_490 : vector<1xf32> to vector<1x1x1xf32>
      %reduce_sum3A_492 = vector.extract %reduce_sum3A_491[0, 0, 0] : f32 from vector<1x1x1xf32>
      %add3A_493 = arith.addf %add3A_459, %reduce_sum3A_492 : f32
      %eq3A_494 = arith.constant 4.000000e+00 : f32
      %eq3A_495 = vector.broadcast %eq3A_494 : f32 to vector<64x1xf32>
      %eq3A_496 = arith.cmpf oeq, %slice3A_104, %eq3A_495 : vector<64x1xf32>
      %convert_element_type3A_497 = arith.extui %eq3A_496 : vector<64x1xi1> to vector<64x1xi32>
      %convert_element_type3A_498 = arith.sitofp %convert_element_type3A_497 : vector<64x1xi32> to vector<64x1xf32>
      %mul3A_499 = arith.mulf %convert_element_type3A_498, %min3A_479 : vector<64x1xf32>
      %add3A_500 = arith.addf %add3A_466, %mul3A_499 : vector<64x1xf32>
      %slice3A_501 = vector.extract_strided_slice %get3A_126 {offsets = [0, 10], sizes = [64, 1], strides = [1, 1]} : vector<64x16xf32> to vector<64x1xf32>
      %logistic3A_502 = arith.negf %slice3A_501 : vector<64x1xf32>
      %logistic3A_503 = math.exp %logistic3A_502 : vector<64x1xf32>
      %logistic3A_504 = arith.constant 1.000000e+00 : f32
      %logistic3A_505 = vector.broadcast %logistic3A_504 : f32 to vector<64x1xf32>
      %logistic3A_506 = arith.addf %logistic3A_505, %logistic3A_503 : vector<64x1xf32>
      %logistic3A_507 = arith.divf %logistic3A_505, %logistic3A_506 : vector<64x1xf32>
      %jit3A_508 = arith.constant 1.000000e-07 : f32
      %jit3A_509 = arith.constant 0.99999988 : f32
      %max3A_510 = vector.broadcast %jit3A_508 : f32 to vector<64x1xf32>
      %max3A_511 = arith.maximumf %max3A_510, %logistic3A_507 : vector<64x1xf32>
      %min3A_512 = vector.broadcast %jit3A_509 : f32 to vector<64x1xf32>
      %min3A_513 = arith.minimumf %min3A_512, %max3A_511 : vector<64x1xf32>
      %sub3A_514 = arith.constant 1.000000e+00 : f32
      %sub3A_515 = vector.broadcast %sub3A_514 : f32 to vector<64x1xf32>
      %sub3A_516 = arith.subf %sub3A_515, %min3A_513 : vector<64x1xf32>
      %log3A_517 = math.log %sub3A_516 : vector<64x1xf32>
      %neg3A_518 = arith.constant 0.000000e+00 : f32
      %neg3A_519 = vector.broadcast %neg3A_518 : f32 to vector<64x1xf32>
      %neg3A_520 = arith.subf %neg3A_519, %log3A_517 : vector<64x1xf32>
      %mul3A_521 = arith.mulf %convert_element_type3A_181, %neg3A_520 : vector<64x1xf32>
      %reduce_sum3A_522 = vector.shape_cast %mul3A_521 : vector<64x1xf32> to vector<1x64x1xf32>
      %reduce_sum3A_523 = arith.constant dense<0.000000e+00> : vector<1xf32>
      %reduce_sum3A_524 = vector.multi_reduction <add>, %reduce_sum3A_522, %reduce_sum3A_523 [1, 2] : vector<1x64x1xf32> to vector<1xf32>
      %reduce_sum3A_525 = vector.shape_cast %reduce_sum3A_524 : vector<1xf32> to vector<1x1x1xf32>
      %reduce_sum3A_526 = vector.extract %reduce_sum3A_525[0, 0, 0] : f32 from vector<1x1x1xf32>
      %add3A_527 = arith.addf %add3A_493, %reduce_sum3A_526 : f32
      %eq3A_528 = arith.constant 5.000000e+00 : f32
      %eq3A_529 = vector.broadcast %eq3A_528 : f32 to vector<64x1xf32>
      %eq3A_530 = arith.cmpf oeq, %slice3A_104, %eq3A_529 : vector<64x1xf32>
      %convert_element_type3A_531 = arith.extui %eq3A_530 : vector<64x1xi1> to vector<64x1xi32>
      %convert_element_type3A_532 = arith.sitofp %convert_element_type3A_531 : vector<64x1xi32> to vector<64x1xf32>
      %mul3A_533 = arith.mulf %convert_element_type3A_532, %min3A_513 : vector<64x1xf32>
      %add3A_534 = arith.addf %add3A_500, %mul3A_533 : vector<64x1xf32>
      %slice3A_535 = vector.extract_strided_slice %get3A_126 {offsets = [0, 11], sizes = [64, 1], strides = [1, 1]} : vector<64x16xf32> to vector<64x1xf32>
      %logistic3A_536 = arith.negf %slice3A_535 : vector<64x1xf32>
      %logistic3A_537 = math.exp %logistic3A_536 : vector<64x1xf32>
      %logistic3A_538 = arith.constant 1.000000e+00 : f32
      %logistic3A_539 = vector.broadcast %logistic3A_538 : f32 to vector<64x1xf32>
      %logistic3A_540 = arith.addf %logistic3A_539, %logistic3A_537 : vector<64x1xf32>
      %logistic3A_541 = arith.divf %logistic3A_539, %logistic3A_540 : vector<64x1xf32>
      %jit3A_542 = arith.constant 1.000000e-07 : f32
      %jit3A_543 = arith.constant 0.99999988 : f32
      %max3A_544 = vector.broadcast %jit3A_542 : f32 to vector<64x1xf32>
      %max3A_545 = arith.maximumf %max3A_544, %logistic3A_541 : vector<64x1xf32>
      %min3A_546 = vector.broadcast %jit3A_543 : f32 to vector<64x1xf32>
      %min3A_547 = arith.minimumf %min3A_546, %max3A_545 : vector<64x1xf32>
      %sub3A_548 = arith.constant 1.000000e+00 : f32
      %sub3A_549 = vector.broadcast %sub3A_548 : f32 to vector<64x1xf32>
      %sub3A_550 = arith.subf %sub3A_549, %min3A_547 : vector<64x1xf32>
      %log3A_551 = math.log %sub3A_550 : vector<64x1xf32>
      %neg3A_552 = arith.constant 0.000000e+00 : f32
      %neg3A_553 = vector.broadcast %neg3A_552 : f32 to vector<64x1xf32>
      %neg3A_554 = arith.subf %neg3A_553, %log3A_551 : vector<64x1xf32>
      %mul3A_555 = arith.mulf %convert_element_type3A_181, %neg3A_554 : vector<64x1xf32>
      %reduce_sum3A_556 = vector.shape_cast %mul3A_555 : vector<64x1xf32> to vector<1x64x1xf32>
      %reduce_sum3A_557 = arith.constant dense<0.000000e+00> : vector<1xf32>
      %reduce_sum3A_558 = vector.multi_reduction <add>, %reduce_sum3A_556, %reduce_sum3A_557 [1, 2] : vector<1x64x1xf32> to vector<1xf32>
      %reduce_sum3A_559 = vector.shape_cast %reduce_sum3A_558 : vector<1xf32> to vector<1x1x1xf32>
      %reduce_sum3A_560 = vector.extract %reduce_sum3A_559[0, 0, 0] : f32 from vector<1x1x1xf32>
      %add3A_561 = arith.addf %add3A_527, %reduce_sum3A_560 : f32
      %eq3A_562 = arith.constant 6.000000e+00 : f32
      %eq3A_563 = vector.broadcast %eq3A_562 : f32 to vector<64x1xf32>
      %eq3A_564 = arith.cmpf oeq, %slice3A_104, %eq3A_563 : vector<64x1xf32>
      %convert_element_type3A_565 = arith.extui %eq3A_564 : vector<64x1xi1> to vector<64x1xi32>
      %convert_element_type3A_566 = arith.sitofp %convert_element_type3A_565 : vector<64x1xi32> to vector<64x1xf32>
      %mul3A_567 = arith.mulf %convert_element_type3A_566, %min3A_547 : vector<64x1xf32>
      %add3A_568 = arith.addf %add3A_534, %mul3A_567 : vector<64x1xf32>
      %slice3A_569 = vector.extract_strided_slice %get3A_126 {offsets = [0, 12], sizes = [64, 1], strides = [1, 1]} : vector<64x16xf32> to vector<64x1xf32>
      %logistic3A_570 = arith.negf %slice3A_569 : vector<64x1xf32>
      %logistic3A_571 = math.exp %logistic3A_570 : vector<64x1xf32>
      %logistic3A_572 = arith.constant 1.000000e+00 : f32
      %logistic3A_573 = vector.broadcast %logistic3A_572 : f32 to vector<64x1xf32>
      %logistic3A_574 = arith.addf %logistic3A_573, %logistic3A_571 : vector<64x1xf32>
      %logistic3A_575 = arith.divf %logistic3A_573, %logistic3A_574 : vector<64x1xf32>
      %jit3A_576 = arith.constant 1.000000e-07 : f32
      %jit3A_577 = arith.constant 0.99999988 : f32
      %max3A_578 = vector.broadcast %jit3A_576 : f32 to vector<64x1xf32>
      %max3A_579 = arith.maximumf %max3A_578, %logistic3A_575 : vector<64x1xf32>
      %min3A_580 = vector.broadcast %jit3A_577 : f32 to vector<64x1xf32>
      %min3A_581 = arith.minimumf %min3A_580, %max3A_579 : vector<64x1xf32>
      %sub3A_582 = arith.constant 1.000000e+00 : f32
      %sub3A_583 = vector.broadcast %sub3A_582 : f32 to vector<64x1xf32>
      %sub3A_584 = arith.subf %sub3A_583, %min3A_581 : vector<64x1xf32>
      %log3A_585 = math.log %sub3A_584 : vector<64x1xf32>
      %neg3A_586 = arith.constant 0.000000e+00 : f32
      %neg3A_587 = vector.broadcast %neg3A_586 : f32 to vector<64x1xf32>
      %neg3A_588 = arith.subf %neg3A_587, %log3A_585 : vector<64x1xf32>
      %mul3A_589 = arith.mulf %convert_element_type3A_181, %neg3A_588 : vector<64x1xf32>
      %reduce_sum3A_590 = vector.shape_cast %mul3A_589 : vector<64x1xf32> to vector<1x64x1xf32>
      %reduce_sum3A_591 = arith.constant dense<0.000000e+00> : vector<1xf32>
      %reduce_sum3A_592 = vector.multi_reduction <add>, %reduce_sum3A_590, %reduce_sum3A_591 [1, 2] : vector<1x64x1xf32> to vector<1xf32>
      %reduce_sum3A_593 = vector.shape_cast %reduce_sum3A_592 : vector<1xf32> to vector<1x1x1xf32>
      %reduce_sum3A_594 = vector.extract %reduce_sum3A_593[0, 0, 0] : f32 from vector<1x1x1xf32>
      %add3A_595 = arith.addf %add3A_561, %reduce_sum3A_594 : f32
      %eq3A_596 = arith.constant 7.000000e+00 : f32
      %eq3A_597 = vector.broadcast %eq3A_596 : f32 to vector<64x1xf32>
      %eq3A_598 = arith.cmpf oeq, %slice3A_104, %eq3A_597 : vector<64x1xf32>
      %convert_element_type3A_599 = arith.extui %eq3A_598 : vector<64x1xi1> to vector<64x1xi32>
      %convert_element_type3A_600 = arith.sitofp %convert_element_type3A_599 : vector<64x1xi32> to vector<64x1xf32>
      %mul3A_601 = arith.mulf %convert_element_type3A_600, %min3A_581 : vector<64x1xf32>
      %add3A_602 = arith.addf %add3A_568, %mul3A_601 : vector<64x1xf32>
      %log3A_603 = math.log %add3A_602 : vector<64x1xf32>
      %neg3A_604 = arith.constant 0.000000e+00 : f32
      %neg3A_605 = vector.broadcast %neg3A_604 : f32 to vector<64x1xf32>
      %neg3A_606 = arith.subf %neg3A_605, %log3A_603 : vector<64x1xf32>
      %sub3A_607 = arith.constant 1.000000e+00 : f32
      %sub3A_608 = vector.broadcast %sub3A_607 : f32 to vector<64x1xf32>
      %sub3A_609 = arith.subf %sub3A_608, %add3A_602 : vector<64x1xf32>
      %log3A_610 = math.log %sub3A_609 : vector<64x1xf32>
      %add3A_611 = arith.addf %neg3A_606, %log3A_610 : vector<64x1xf32>
      %mul3A_612 = arith.mulf %convert_element_type3A_201, %add3A_611 : vector<64x1xf32>
      %reduce_sum3A_613 = vector.shape_cast %mul3A_612 : vector<64x1xf32> to vector<1x64x1xf32>
      %reduce_sum3A_614 = arith.constant dense<0.000000e+00> : vector<1xf32>
      %reduce_sum3A_615 = vector.multi_reduction <add>, %reduce_sum3A_613, %reduce_sum3A_614 [1, 2] : vector<1x64x1xf32> to vector<1xf32>
      %reduce_sum3A_616 = vector.shape_cast %reduce_sum3A_615 : vector<1xf32> to vector<1x1x1xf32>
      %reduce_sum3A_617 = vector.extract %reduce_sum3A_616[0, 0, 0] : f32 from vector<1x1x1xf32>
      %add3A_618 = arith.addf %add3A_595, %reduce_sum3A_617 : f32
      %max3A_619 = arith.constant 1.000000e+00 : f32
      %max3A_620 = arith.maximumf %reduce_sum3A_206, %max3A_619 : f32
      %add3A_621 = arith.addf %reduce_sum3A_280, %reduce_sum3A_288 : f32
      %add3A_622 = arith.addf %add3A_621, %reduce_sum3A_296 : f32
      %add3A_623 = arith.addf %add3A_622, %reduce_sum3A_304 : f32
      %add3A_624 = arith.addf %add3A_623, %reduce_sum3A_314 : f32
      %div3A_625 = arith.divf %add3A_624, %max3A_620 : f32
      %add3A_626 = arith.constant 0.000000e+00 : f32
      %add3A_627 = arith.addf %add3A_626, %div3A_625 : f32
      %get3A_628 = arith.constant 0 : index
      %get3A_629 = memref.load %arg8[%get3A_628] : memref<3xf32, #tpu.memory_space<smem>>
      %sub3A_630 = arith.subf %get3A_629, %reduce_sum3A_327 : f32
      %mul3A_631 = arith.constant 5.000000e-01 : f32
      %mul3A_632 = arith.mulf %mul3A_631, %sub3A_630 : f32
      %sub3A_633 = arith.constant 1.966080e+05 : f32
      %sub3A_634 = arith.subf %sub3A_633, %reduce_sum3A_206 : f32
      %max3A_635 = arith.constant 1.000000e+00 : f32
      %max3A_636 = arith.maximumf %sub3A_634, %max3A_635 : f32
      %div3A_637 = arith.divf %mul3A_632, %max3A_636 : f32
      %add3A_638 = arith.addf %add3A_627, %div3A_637 : f32
      %mul3A_639 = arith.constant 8.000000e+00 : f32
      %mul3A_640 = arith.mulf %reduce_sum3A_206, %mul3A_639 : f32
      %max3A_641 = arith.constant 1.000000e+00 : f32
      %max3A_642 = arith.maximumf %mul3A_640, %max3A_641 : f32
      %div3A_643 = arith.divf %add3A_618, %max3A_642 : f32
      %add3A_644 = arith.addf %add3A_638, %div3A_643 : f32
      %get3A_645 = arith.constant 1 : index
      %get3A_646 = arith.constant 0 : index
      %get3A_647 = arith.constant 0 : index
      %get3A_648 = vector.load %arg6[%get3A_645, %get3A_646, %get3A_647] : memref<3x64x16xf32, #tpu.memory_space<vmem>>, vector<1x64x16xf32>
      %get3A_649 = vector.shape_cast %get3A_648 : vector<1x64x16xf32> to vector<64x16xf32>
      %slice3A_650 = vector.extract_strided_slice %get3A_649 {offsets = [0, 13], sizes = [64, 1], strides = [1, 1]} : vector<64x16xf32> to vector<64x1xf32>
      %mul3A_651 = arith.constant 3.200000e+01 : f32
      %mul3A_652 = vector.broadcast %mul3A_651 : f32 to vector<64x1xf32>
      %mul3A_653 = arith.mulf %slice3A_105, %mul3A_652 : vector<64x1xf32>
      %mul3A_654 = arith.constant 3.200000e+01 : f32
      %mul3A_655 = vector.broadcast %mul3A_654 : f32 to vector<64x1xf32>
      %mul3A_656 = arith.mulf %slice3A_106, %mul3A_655 : vector<64x1xf32>
      %floor3A_657 = math.floor %mul3A_653 : vector<64x1xf32>
      %jit3A_658 = arith.constant 0.000000e+00 : f32
      %jit3A_659 = arith.constant 3.100000e+01 : f32
      %max3A_660 = vector.broadcast %jit3A_658 : f32 to vector<64x1xf32>
      %max3A_661 = arith.maximumf %max3A_660, %floor3A_657 : vector<64x1xf32>
      %min3A_662 = vector.broadcast %jit3A_659 : f32 to vector<64x1xf32>
      %min3A_663 = arith.minimumf %min3A_662, %max3A_661 : vector<64x1xf32>
      %floor3A_664 = math.floor %mul3A_656 : vector<64x1xf32>
      %jit3A_665 = arith.constant 0.000000e+00 : f32
      %jit3A_666 = arith.constant 3.100000e+01 : f32
      %max3A_667 = vector.broadcast %jit3A_665 : f32 to vector<64x1xf32>
      %max3A_668 = arith.maximumf %max3A_667, %floor3A_664 : vector<64x1xf32>
      %min3A_669 = vector.broadcast %jit3A_666 : f32 to vector<64x1xf32>
      %min3A_670 = arith.minimumf %min3A_669, %max3A_668 : vector<64x1xf32>
      %mul3A_671 = arith.constant 3.000000e+00 : f32
      %mul3A_672 = vector.broadcast %mul3A_671 : f32 to vector<64x1xf32>
      %mul3A_673 = arith.mulf %slice3A, %mul3A_672 : vector<64x1xf32>
      %add3A_674 = arith.addf %mul3A_673, %slice3A_650 : vector<64x1xf32>
      %mul3A_675 = arith.constant 3.200000e+01 : f32
      %mul3A_676 = vector.broadcast %mul3A_675 : f32 to vector<64x1xf32>
      %mul3A_677 = arith.mulf %add3A_674, %mul3A_676 : vector<64x1xf32>
      %add3A_678 = arith.addf %mul3A_677, %min3A_670 : vector<64x1xf32>
      %mul3A_679 = arith.constant 3.200000e+01 : f32
      %mul3A_680 = vector.broadcast %mul3A_679 : f32 to vector<64x1xf32>
      %mul3A_681 = arith.mulf %add3A_678, %mul3A_680 : vector<64x1xf32>
      %add3A_682 = arith.addf %mul3A_681, %min3A_663 : vector<64x1xf32>
      %mul3A_683 = arith.constant 8.000000e+00 : f32
      %mul3A_684 = vector.broadcast %mul3A_683 : f32 to vector<64x1xf32>
      %mul3A_685 = arith.mulf %add3A_682, %mul3A_684 : vector<64x1xf32>
      %add3A_686 = arith.addf %mul3A_685, %slice3A_104 : vector<64x1xf32>
      %broadcast_in_dim3A_687 = vector.shape_cast %add3A_682 : vector<64x1xf32> to vector<64x1xf32>
      %broadcast_in_dim3A_688 = vector.broadcast %broadcast_in_dim3A_687 : vector<64x1xf32> to vector<64x64xf32>
      %mul3A_689 = arith.mulf %convert_element_type3A_119, %broadcast_in_dim3A_688 : vector<64x64xf32>
      %reduce_sum3A_690 = arith.constant dense<0.000000e+00> : vector<64xf32>
      %reduce_sum3A_691 = vector.multi_reduction <add>, %mul3A_689, %reduce_sum3A_690 [0] : vector<64x64xf32> to vector<64xf32>
      %broadcast_in_dim3A_692 = vector.shape_cast %reduce_sum3A_691 : vector<64xf32> to vector<1x64xf32>
      %broadcast_in_dim3A_693 = vector.shape_cast %broadcast_in_dim3A_692 : vector<1x64xf32> to vector<1x64xf32>
      %broadcast_in_dim3A_694 = vector.broadcast %broadcast_in_dim3A_693 : vector<1x64xf32> to vector<64x64xf32>
      %eq3A_695 = arith.cmpf oeq, %broadcast_in_dim3A_688, %broadcast_in_dim3A_694 : vector<64x64xf32>
      %convert_element_type3A_696 = arith.extui %eq3A_695 : vector<64x64xi1> to vector<64x64xi32>
      %convert_element_type3A_697 = arith.sitofp %convert_element_type3A_696 : vector<64x64xi32> to vector<64x64xf32>
      %mul3A_698 = arith.mulf %convert_element_type3A_697, %convert_element_type3A_121 : vector<64x64xf32>
      %reduce_sum3A_699 = arith.constant dense<0.000000e+00> : vector<64xf32>
      %reduce_sum3A_700 = vector.multi_reduction <add>, %mul3A_698, %reduce_sum3A_699 [1] : vector<64x64xf32> to vector<64xf32>
      %broadcast_in_dim3A_701 = vector.shape_cast %reduce_sum3A_700 : vector<64xf32> to vector<64x1xf32>
      %eq3A_702 = arith.constant 0.000000e+00 : f32
      %eq3A_703 = vector.broadcast %eq3A_702 : f32 to vector<64x1xf32>
      %eq3A_704 = arith.cmpf oeq, %broadcast_in_dim3A_701, %eq3A_703 : vector<64x1xf32>
      %convert_element_type3A_705 = arith.extui %eq3A_704 : vector<64x1xi1> to vector<64x1xi32>
      %convert_element_type3A_706 = arith.sitofp %convert_element_type3A_705 : vector<64x1xi32> to vector<64x1xf32>
      %broadcast_in_dim3A_707 = vector.shape_cast %add3A_686 : vector<64x1xf32> to vector<64x1xf32>
      %broadcast_in_dim3A_708 = vector.broadcast %broadcast_in_dim3A_707 : vector<64x1xf32> to vector<64x64xf32>
      %mul3A_709 = arith.mulf %convert_element_type3A_119, %broadcast_in_dim3A_708 : vector<64x64xf32>
      %reduce_sum3A_710 = arith.constant dense<0.000000e+00> : vector<64xf32>
      %reduce_sum3A_711 = vector.multi_reduction <add>, %mul3A_709, %reduce_sum3A_710 [0] : vector<64x64xf32> to vector<64xf32>
      %broadcast_in_dim3A_712 = vector.shape_cast %reduce_sum3A_711 : vector<64xf32> to vector<1x64xf32>
      %broadcast_in_dim3A_713 = vector.shape_cast %broadcast_in_dim3A_712 : vector<1x64xf32> to vector<1x64xf32>
      %broadcast_in_dim3A_714 = vector.broadcast %broadcast_in_dim3A_713 : vector<1x64xf32> to vector<64x64xf32>
      %eq3A_715 = arith.cmpf oeq, %broadcast_in_dim3A_708, %broadcast_in_dim3A_714 : vector<64x64xf32>
      %convert_element_type3A_716 = arith.extui %eq3A_715 : vector<64x64xi1> to vector<64x64xi32>
      %convert_element_type3A_717 = arith.sitofp %convert_element_type3A_716 : vector<64x64xi32> to vector<64x64xf32>
      %mul3A_718 = arith.mulf %convert_element_type3A_717, %convert_element_type3A_121 : vector<64x64xf32>
      %reduce_sum3A_719 = arith.constant dense<0.000000e+00> : vector<64xf32>
      %reduce_sum3A_720 = vector.multi_reduction <add>, %mul3A_718, %reduce_sum3A_719 [1] : vector<64x64xf32> to vector<64xf32>
      %broadcast_in_dim3A_721 = vector.shape_cast %reduce_sum3A_720 : vector<64xf32> to vector<64x1xf32>
      %eq3A_722 = arith.constant 0.000000e+00 : f32
      %eq3A_723 = vector.broadcast %eq3A_722 : f32 to vector<64x1xf32>
      %eq3A_724 = arith.cmpf oeq, %broadcast_in_dim3A_721, %eq3A_723 : vector<64x1xf32>
      %convert_element_type3A_725 = arith.extui %eq3A_724 : vector<64x1xi1> to vector<64x1xi32>
      %convert_element_type3A_726 = arith.sitofp %convert_element_type3A_725 : vector<64x1xi32> to vector<64x1xf32>
      %reduce_sum3A_727 = vector.shape_cast %convert_element_type3A_706 : vector<64x1xf32> to vector<1x64x1xf32>
      %reduce_sum3A_728 = arith.constant dense<0.000000e+00> : vector<1xf32>
      %reduce_sum3A_729 = vector.multi_reduction <add>, %reduce_sum3A_727, %reduce_sum3A_728 [1, 2] : vector<1x64x1xf32> to vector<1xf32>
      %reduce_sum3A_730 = vector.shape_cast %reduce_sum3A_729 : vector<1xf32> to vector<1x1x1xf32>
      %reduce_sum3A_731 = vector.extract %reduce_sum3A_730[0, 0, 0] : f32 from vector<1x1x1xf32>
      %slice3A_732 = vector.extract_strided_slice %get3A_649 {offsets = [0, 0], sizes = [64, 1], strides = [1, 1]} : vector<64x16xf32> to vector<64x1xf32>
      %logistic3A_733 = arith.negf %slice3A_732 : vector<64x1xf32>
      %logistic3A_734 = math.exp %logistic3A_733 : vector<64x1xf32>
      %logistic3A_735 = arith.constant 1.000000e+00 : f32
      %logistic3A_736 = vector.broadcast %logistic3A_735 : f32 to vector<64x1xf32>
      %logistic3A_737 = arith.addf %logistic3A_736, %logistic3A_734 : vector<64x1xf32>
      %logistic3A_738 = arith.divf %logistic3A_736, %logistic3A_737 : vector<64x1xf32>
      %slice3A_739 = vector.extract_strided_slice %get3A_649 {offsets = [0, 1], sizes = [64, 1], strides = [1, 1]} : vector<64x16xf32> to vector<64x1xf32>
      %logistic3A_740 = arith.negf %slice3A_739 : vector<64x1xf32>
      %logistic3A_741 = math.exp %logistic3A_740 : vector<64x1xf32>
      %logistic3A_742 = arith.constant 1.000000e+00 : f32
      %logistic3A_743 = vector.broadcast %logistic3A_742 : f32 to vector<64x1xf32>
      %logistic3A_744 = arith.addf %logistic3A_743, %logistic3A_741 : vector<64x1xf32>
      %logistic3A_745 = arith.divf %logistic3A_743, %logistic3A_744 : vector<64x1xf32>
      %slice3A_746 = vector.extract_strided_slice %get3A_649 {offsets = [0, 2], sizes = [64, 1], strides = [1, 1]} : vector<64x16xf32> to vector<64x1xf32>
      %slice3A_747 = vector.extract_strided_slice %get3A_649 {offsets = [0, 3], sizes = [64, 1], strides = [1, 1]} : vector<64x16xf32> to vector<64x1xf32>
      %slice3A_748 = vector.extract_strided_slice %get3A_649 {offsets = [0, 4], sizes = [64, 1], strides = [1, 1]} : vector<64x16xf32> to vector<64x1xf32>
      %logistic3A_749 = arith.negf %slice3A_748 : vector<64x1xf32>
      %logistic3A_750 = math.exp %logistic3A_749 : vector<64x1xf32>
      %logistic3A_751 = arith.constant 1.000000e+00 : f32
      %logistic3A_752 = vector.broadcast %logistic3A_751 : f32 to vector<64x1xf32>
      %logistic3A_753 = arith.addf %logistic3A_752, %logistic3A_750 : vector<64x1xf32>
      %logistic3A_754 = arith.divf %logistic3A_752, %logistic3A_753 : vector<64x1xf32>
      %jit3A_755 = arith.constant 1.000000e-07 : f32
      %jit3A_756 = arith.constant 0.99999988 : f32
      %max3A_757 = vector.broadcast %jit3A_755 : f32 to vector<64x1xf32>
      %max3A_758 = arith.maximumf %max3A_757, %logistic3A_754 : vector<64x1xf32>
      %min3A_759 = vector.broadcast %jit3A_756 : f32 to vector<64x1xf32>
      %min3A_760 = arith.minimumf %min3A_759, %max3A_758 : vector<64x1xf32>
      %sub3A_761 = arith.subf %mul3A_653, %min3A_663 : vector<64x1xf32>
      %sub3A_762 = arith.subf %mul3A_656, %min3A_670 : vector<64x1xf32>
      %eq3A_763 = arith.constant 0.000000e+00 : f32
      %eq3A_764 = vector.broadcast %eq3A_763 : f32 to vector<64x1xf32>
      %eq3A_765 = arith.cmpf oeq, %slice3A_650, %eq3A_764 : vector<64x1xf32>
      %eq3A_766 = arith.constant 1.000000e+00 : f32
      %eq3A_767 = vector.broadcast %eq3A_766 : f32 to vector<64x1xf32>
      %eq3A_768 = arith.cmpf oeq, %slice3A_650, %eq3A_767 : vector<64x1xf32>
      %jit3A_769 = arith.constant 6.200000e+01 : f32
      %jit3A_770 = arith.constant 5.900000e+01 : f32
      %broadcast_in_dim3A_771 = vector.broadcast %jit3A_769 : f32 to vector<64x1xf32>
      %broadcast_in_dim3A_772 = vector.broadcast %jit3A_770 : f32 to vector<64x1xf32>
      %select_n3A_773 = arith.select %eq3A_768, %broadcast_in_dim3A_771, %broadcast_in_dim3A_772 : vector<64x1xi1>, vector<64x1xf32>
      %jit3A_774 = arith.constant 3.000000e+01 : f32
      %broadcast_in_dim3A_775 = vector.broadcast %jit3A_774 : f32 to vector<64x1xf32>
      %select_n3A_776 = arith.select %eq3A_765, %broadcast_in_dim3A_775, %select_n3A_773 : vector<64x1xi1>, vector<64x1xf32>
      %eq3A_777 = arith.constant 0.000000e+00 : f32
      %eq3A_778 = vector.broadcast %eq3A_777 : f32 to vector<64x1xf32>
      %eq3A_779 = arith.cmpf oeq, %slice3A_650, %eq3A_778 : vector<64x1xf32>
      %eq3A_780 = arith.constant 1.000000e+00 : f32
      %eq3A_781 = vector.broadcast %eq3A_780 : f32 to vector<64x1xf32>
      %eq3A_782 = arith.cmpf oeq, %slice3A_650, %eq3A_781 : vector<64x1xf32>
      %jit3A_783 = arith.constant 4.500000e+01 : f32
      %jit3A_784 = arith.constant 1.190000e+02 : f32
      %broadcast_in_dim3A_785 = vector.broadcast %jit3A_783 : f32 to vector<64x1xf32>
      %broadcast_in_dim3A_786 = vector.broadcast %jit3A_784 : f32 to vector<64x1xf32>
      %select_n3A_787 = arith.select %eq3A_782, %broadcast_in_dim3A_785, %broadcast_in_dim3A_786 : vector<64x1xi1>, vector<64x1xf32>
      %jit3A_788 = arith.constant 6.100000e+01 : f32
      %broadcast_in_dim3A_789 = vector.broadcast %jit3A_788 : f32 to vector<64x1xf32>
      %select_n3A_790 = arith.select %eq3A_779, %broadcast_in_dim3A_789, %select_n3A_787 : vector<64x1xi1>, vector<64x1xf32>
      %div3A_791 = arith.divf %mul3A_113, %select_n3A_776 : vector<64x1xf32>
      %add3A_792 = arith.constant 1.000000e-16 : f32
      %add3A_793 = vector.broadcast %add3A_792 : f32 to vector<64x1xf32>
      %add3A_794 = arith.addf %div3A_791, %add3A_793 : vector<64x1xf32>
      %log3A_795 = math.log %add3A_794 : vector<64x1xf32>
      %div3A_796 = arith.divf %mul3A_115, %select_n3A_790 : vector<64x1xf32>
      %add3A_797 = arith.constant 1.000000e-16 : f32
      %add3A_798 = vector.broadcast %add3A_797 : f32 to vector<64x1xf32>
      %add3A_799 = arith.addf %div3A_796, %add3A_798 : vector<64x1xf32>
      %log3A_800 = math.log %add3A_799 : vector<64x1xf32>
      %sub3A_801 = arith.subf %logistic3A_738, %sub3A_761 : vector<64x1xf32>
      %integer_pow3A_802 = arith.mulf %sub3A_801, %sub3A_801 : vector<64x1xf32>
      %mul3A_803 = arith.mulf %convert_element_type3A_706, %integer_pow3A_802 : vector<64x1xf32>
      %reduce_sum3A_804 = vector.shape_cast %mul3A_803 : vector<64x1xf32> to vector<1x64x1xf32>
      %reduce_sum3A_805 = arith.constant dense<0.000000e+00> : vector<1xf32>
      %reduce_sum3A_806 = vector.multi_reduction <add>, %reduce_sum3A_804, %reduce_sum3A_805 [1, 2] : vector<1x64x1xf32> to vector<1xf32>
      %reduce_sum3A_807 = vector.shape_cast %reduce_sum3A_806 : vector<1xf32> to vector<1x1x1xf32>
      %reduce_sum3A_808 = vector.extract %reduce_sum3A_807[0, 0, 0] : f32 from vector<1x1x1xf32>
      %sub3A_809 = arith.subf %logistic3A_745, %sub3A_762 : vector<64x1xf32>
      %integer_pow3A_810 = arith.mulf %sub3A_809, %sub3A_809 : vector<64x1xf32>
      %mul3A_811 = arith.mulf %convert_element_type3A_706, %integer_pow3A_810 : vector<64x1xf32>
      %reduce_sum3A_812 = vector.shape_cast %mul3A_811 : vector<64x1xf32> to vector<1x64x1xf32>
      %reduce_sum3A_813 = arith.constant dense<0.000000e+00> : vector<1xf32>
      %reduce_sum3A_814 = vector.multi_reduction <add>, %reduce_sum3A_812, %reduce_sum3A_813 [1, 2] : vector<1x64x1xf32> to vector<1xf32>
      %reduce_sum3A_815 = vector.shape_cast %reduce_sum3A_814 : vector<1xf32> to vector<1x1x1xf32>
      %reduce_sum3A_816 = vector.extract %reduce_sum3A_815[0, 0, 0] : f32 from vector<1x1x1xf32>
      %sub3A_817 = arith.subf %slice3A_746, %log3A_795 : vector<64x1xf32>
      %integer_pow3A_818 = arith.mulf %sub3A_817, %sub3A_817 : vector<64x1xf32>
      %mul3A_819 = arith.mulf %convert_element_type3A_706, %integer_pow3A_818 : vector<64x1xf32>
      %reduce_sum3A_820 = vector.shape_cast %mul3A_819 : vector<64x1xf32> to vector<1x64x1xf32>
      %reduce_sum3A_821 = arith.constant dense<0.000000e+00> : vector<1xf32>
      %reduce_sum3A_822 = vector.multi_reduction <add>, %reduce_sum3A_820, %reduce_sum3A_821 [1, 2] : vector<1x64x1xf32> to vector<1xf32>
      %reduce_sum3A_823 = vector.shape_cast %reduce_sum3A_822 : vector<1xf32> to vector<1x1x1xf32>
      %reduce_sum3A_824 = vector.extract %reduce_sum3A_823[0, 0, 0] : f32 from vector<1x1x1xf32>
      %sub3A_825 = arith.subf %slice3A_747, %log3A_800 : vector<64x1xf32>
      %integer_pow3A_826 = arith.mulf %sub3A_825, %sub3A_825 : vector<64x1xf32>
      %mul3A_827 = arith.mulf %convert_element_type3A_706, %integer_pow3A_826 : vector<64x1xf32>
      %reduce_sum3A_828 = vector.shape_cast %mul3A_827 : vector<64x1xf32> to vector<1x64x1xf32>
      %reduce_sum3A_829 = arith.constant dense<0.000000e+00> : vector<1xf32>
      %reduce_sum3A_830 = vector.multi_reduction <add>, %reduce_sum3A_828, %reduce_sum3A_829 [1, 2] : vector<1x64x1xf32> to vector<1xf32>
      %reduce_sum3A_831 = vector.shape_cast %reduce_sum3A_830 : vector<1xf32> to vector<1x1x1xf32>
      %reduce_sum3A_832 = vector.extract %reduce_sum3A_831[0, 0, 0] : f32 from vector<1x1x1xf32>
      %log3A_833 = math.log %min3A_760 : vector<64x1xf32>
      %neg3A_834 = arith.constant 0.000000e+00 : f32
      %neg3A_835 = vector.broadcast %neg3A_834 : f32 to vector<64x1xf32>
      %neg3A_836 = arith.subf %neg3A_835, %log3A_833 : vector<64x1xf32>
      %mul3A_837 = arith.mulf %convert_element_type3A_706, %neg3A_836 : vector<64x1xf32>
      %reduce_sum3A_838 = vector.shape_cast %mul3A_837 : vector<64x1xf32> to vector<1x64x1xf32>
      %reduce_sum3A_839 = arith.constant dense<0.000000e+00> : vector<1xf32>
      %reduce_sum3A_840 = vector.multi_reduction <add>, %reduce_sum3A_838, %reduce_sum3A_839 [1, 2] : vector<1x64x1xf32> to vector<1xf32>
      %reduce_sum3A_841 = vector.shape_cast %reduce_sum3A_840 : vector<1xf32> to vector<1x1x1xf32>
      %reduce_sum3A_842 = vector.extract %reduce_sum3A_841[0, 0, 0] : f32 from vector<1x1x1xf32>
      %sub3A_843 = arith.constant 1.000000e+00 : f32
      %sub3A_844 = vector.broadcast %sub3A_843 : f32 to vector<64x1xf32>
      %sub3A_845 = arith.subf %sub3A_844, %min3A_760 : vector<64x1xf32>
      %log3A_846 = math.log %sub3A_845 : vector<64x1xf32>
      %neg3A_847 = arith.constant 0.000000e+00 : f32
      %neg3A_848 = vector.broadcast %neg3A_847 : f32 to vector<64x1xf32>
      %neg3A_849 = arith.subf %neg3A_848, %log3A_846 : vector<64x1xf32>
      %mul3A_850 = arith.mulf %convert_element_type3A_706, %neg3A_849 : vector<64x1xf32>
      %reduce_sum3A_851 = vector.shape_cast %mul3A_850 : vector<64x1xf32> to vector<1x64x1xf32>
      %reduce_sum3A_852 = arith.constant dense<0.000000e+00> : vector<1xf32>
      %reduce_sum3A_853 = vector.multi_reduction <add>, %reduce_sum3A_851, %reduce_sum3A_852 [1, 2] : vector<1x64x1xf32> to vector<1xf32>
      %reduce_sum3A_854 = vector.shape_cast %reduce_sum3A_853 : vector<1xf32> to vector<1x1x1xf32>
      %reduce_sum3A_855 = vector.extract %reduce_sum3A_854[0, 0, 0] : f32 from vector<1x1x1xf32>
      %slice3A_856 = vector.extract_strided_slice %get3A_649 {offsets = [0, 5], sizes = [64, 1], strides = [1, 1]} : vector<64x16xf32> to vector<64x1xf32>
      %logistic3A_857 = arith.negf %slice3A_856 : vector<64x1xf32>
      %logistic3A_858 = math.exp %logistic3A_857 : vector<64x1xf32>
      %logistic3A_859 = arith.constant 1.000000e+00 : f32
      %logistic3A_860 = vector.broadcast %logistic3A_859 : f32 to vector<64x1xf32>
      %logistic3A_861 = arith.addf %logistic3A_860, %logistic3A_858 : vector<64x1xf32>
      %logistic3A_862 = arith.divf %logistic3A_860, %logistic3A_861 : vector<64x1xf32>
      %jit3A_863 = arith.constant 1.000000e-07 : f32
      %jit3A_864 = arith.constant 0.99999988 : f32
      %max3A_865 = vector.broadcast %jit3A_863 : f32 to vector<64x1xf32>
      %max3A_866 = arith.maximumf %max3A_865, %logistic3A_862 : vector<64x1xf32>
      %min3A_867 = vector.broadcast %jit3A_864 : f32 to vector<64x1xf32>
      %min3A_868 = arith.minimumf %min3A_867, %max3A_866 : vector<64x1xf32>
      %sub3A_869 = arith.constant 1.000000e+00 : f32
      %sub3A_870 = vector.broadcast %sub3A_869 : f32 to vector<64x1xf32>
      %sub3A_871 = arith.subf %sub3A_870, %min3A_868 : vector<64x1xf32>
      %log3A_872 = math.log %sub3A_871 : vector<64x1xf32>
      %neg3A_873 = arith.constant 0.000000e+00 : f32
      %neg3A_874 = vector.broadcast %neg3A_873 : f32 to vector<64x1xf32>
      %neg3A_875 = arith.subf %neg3A_874, %log3A_872 : vector<64x1xf32>
      %mul3A_876 = arith.mulf %convert_element_type3A_706, %neg3A_875 : vector<64x1xf32>
      %reduce_sum3A_877 = vector.shape_cast %mul3A_876 : vector<64x1xf32> to vector<1x64x1xf32>
      %reduce_sum3A_878 = arith.constant dense<0.000000e+00> : vector<1xf32>
      %reduce_sum3A_879 = vector.multi_reduction <add>, %reduce_sum3A_877, %reduce_sum3A_878 [1, 2] : vector<1x64x1xf32> to vector<1xf32>
      %reduce_sum3A_880 = vector.shape_cast %reduce_sum3A_879 : vector<1xf32> to vector<1x1x1xf32>
      %reduce_sum3A_881 = vector.extract %reduce_sum3A_880[0, 0, 0] : f32 from vector<1x1x1xf32>
      %add3A_882 = arith.constant 0.000000e+00 : f32
      %add3A_883 = arith.addf %add3A_882, %reduce_sum3A_881 : f32
      %eq3A_884 = arith.constant 0.000000e+00 : f32
      %eq3A_885 = vector.broadcast %eq3A_884 : f32 to vector<64x1xf32>
      %eq3A_886 = arith.cmpf oeq, %slice3A_104, %eq3A_885 : vector<64x1xf32>
      %convert_element_type3A_887 = arith.extui %eq3A_886 : vector<64x1xi1> to vector<64x1xi32>
      %convert_element_type3A_888 = arith.sitofp %convert_element_type3A_887 : vector<64x1xi32> to vector<64x1xf32>
      %mul3A_889 = arith.mulf %convert_element_type3A_888, %min3A_868 : vector<64x1xf32>
      %add3A_890 = arith.constant 0.000000e+00 : f32
      %add3A_891 = vector.broadcast %add3A_890 : f32 to vector<64x1xf32>
      %add3A_892 = arith.addf %add3A_891, %mul3A_889 : vector<64x1xf32>
      %slice3A_893 = vector.extract_strided_slice %get3A_649 {offsets = [0, 6], sizes = [64, 1], strides = [1, 1]} : vector<64x16xf32> to vector<64x1xf32>
      %logistic3A_894 = arith.negf %slice3A_893 : vector<64x1xf32>
      %logistic3A_895 = math.exp %logistic3A_894 : vector<64x1xf32>
      %logistic3A_896 = arith.constant 1.000000e+00 : f32
      %logistic3A_897 = vector.broadcast %logistic3A_896 : f32 to vector<64x1xf32>
      %logistic3A_898 = arith.addf %logistic3A_897, %logistic3A_895 : vector<64x1xf32>
      %logistic3A_899 = arith.divf %logistic3A_897, %logistic3A_898 : vector<64x1xf32>
      %jit3A_900 = arith.constant 1.000000e-07 : f32
      %jit3A_901 = arith.constant 0.99999988 : f32
      %max3A_902 = vector.broadcast %jit3A_900 : f32 to vector<64x1xf32>
      %max3A_903 = arith.maximumf %max3A_902, %logistic3A_899 : vector<64x1xf32>
      %min3A_904 = vector.broadcast %jit3A_901 : f32 to vector<64x1xf32>
      %min3A_905 = arith.minimumf %min3A_904, %max3A_903 : vector<64x1xf32>
      %sub3A_906 = arith.constant 1.000000e+00 : f32
      %sub3A_907 = vector.broadcast %sub3A_906 : f32 to vector<64x1xf32>
      %sub3A_908 = arith.subf %sub3A_907, %min3A_905 : vector<64x1xf32>
      %log3A_909 = math.log %sub3A_908 : vector<64x1xf32>
      %neg3A_910 = arith.constant 0.000000e+00 : f32
      %neg3A_911 = vector.broadcast %neg3A_910 : f32 to vector<64x1xf32>
      %neg3A_912 = arith.subf %neg3A_911, %log3A_909 : vector<64x1xf32>
      %mul3A_913 = arith.mulf %convert_element_type3A_706, %neg3A_912 : vector<64x1xf32>
      %reduce_sum3A_914 = vector.shape_cast %mul3A_913 : vector<64x1xf32> to vector<1x64x1xf32>
      %reduce_sum3A_915 = arith.constant dense<0.000000e+00> : vector<1xf32>
      %reduce_sum3A_916 = vector.multi_reduction <add>, %reduce_sum3A_914, %reduce_sum3A_915 [1, 2] : vector<1x64x1xf32> to vector<1xf32>
      %reduce_sum3A_917 = vector.shape_cast %reduce_sum3A_916 : vector<1xf32> to vector<1x1x1xf32>
      %reduce_sum3A_918 = vector.extract %reduce_sum3A_917[0, 0, 0] : f32 from vector<1x1x1xf32>
      %add3A_919 = arith.addf %add3A_883, %reduce_sum3A_918 : f32
      %eq3A_920 = arith.constant 1.000000e+00 : f32
      %eq3A_921 = vector.broadcast %eq3A_920 : f32 to vector<64x1xf32>
      %eq3A_922 = arith.cmpf oeq, %slice3A_104, %eq3A_921 : vector<64x1xf32>
      %convert_element_type3A_923 = arith.extui %eq3A_922 : vector<64x1xi1> to vector<64x1xi32>
      %convert_element_type3A_924 = arith.sitofp %convert_element_type3A_923 : vector<64x1xi32> to vector<64x1xf32>
      %mul3A_925 = arith.mulf %convert_element_type3A_924, %min3A_905 : vector<64x1xf32>
      %add3A_926 = arith.addf %add3A_892, %mul3A_925 : vector<64x1xf32>
      %slice3A_927 = vector.extract_strided_slice %get3A_649 {offsets = [0, 7], sizes = [64, 1], strides = [1, 1]} : vector<64x16xf32> to vector<64x1xf32>
      %logistic3A_928 = arith.negf %slice3A_927 : vector<64x1xf32>
      %logistic3A_929 = math.exp %logistic3A_928 : vector<64x1xf32>
      %logistic3A_930 = arith.constant 1.000000e+00 : f32
      %logistic3A_931 = vector.broadcast %logistic3A_930 : f32 to vector<64x1xf32>
      %logistic3A_932 = arith.addf %logistic3A_931, %logistic3A_929 : vector<64x1xf32>
      %logistic3A_933 = arith.divf %logistic3A_931, %logistic3A_932 : vector<64x1xf32>
      %jit3A_934 = arith.constant 1.000000e-07 : f32
      %jit3A_935 = arith.constant 0.99999988 : f32
      %max3A_936 = vector.broadcast %jit3A_934 : f32 to vector<64x1xf32>
      %max3A_937 = arith.maximumf %max3A_936, %logistic3A_933 : vector<64x1xf32>
      %min3A_938 = vector.broadcast %jit3A_935 : f32 to vector<64x1xf32>
      %min3A_939 = arith.minimumf %min3A_938, %max3A_937 : vector<64x1xf32>
      %sub3A_940 = arith.constant 1.000000e+00 : f32
      %sub3A_941 = vector.broadcast %sub3A_940 : f32 to vector<64x1xf32>
      %sub3A_942 = arith.subf %sub3A_941, %min3A_939 : vector<64x1xf32>
      %log3A_943 = math.log %sub3A_942 : vector<64x1xf32>
      %neg3A_944 = arith.constant 0.000000e+00 : f32
      %neg3A_945 = vector.broadcast %neg3A_944 : f32 to vector<64x1xf32>
      %neg3A_946 = arith.subf %neg3A_945, %log3A_943 : vector<64x1xf32>
      %mul3A_947 = arith.mulf %convert_element_type3A_706, %neg3A_946 : vector<64x1xf32>
      %reduce_sum3A_948 = vector.shape_cast %mul3A_947 : vector<64x1xf32> to vector<1x64x1xf32>
      %reduce_sum3A_949 = arith.constant dense<0.000000e+00> : vector<1xf32>
      %reduce_sum3A_950 = vector.multi_reduction <add>, %reduce_sum3A_948, %reduce_sum3A_949 [1, 2] : vector<1x64x1xf32> to vector<1xf32>
      %reduce_sum3A_951 = vector.shape_cast %reduce_sum3A_950 : vector<1xf32> to vector<1x1x1xf32>
      %reduce_sum3A_952 = vector.extract %reduce_sum3A_951[0, 0, 0] : f32 from vector<1x1x1xf32>
      %add3A_953 = arith.addf %add3A_919, %reduce_sum3A_952 : f32
      %eq3A_954 = arith.constant 2.000000e+00 : f32
      %eq3A_955 = vector.broadcast %eq3A_954 : f32 to vector<64x1xf32>
      %eq3A_956 = arith.cmpf oeq, %slice3A_104, %eq3A_955 : vector<64x1xf32>
      %convert_element_type3A_957 = arith.extui %eq3A_956 : vector<64x1xi1> to vector<64x1xi32>
      %convert_element_type3A_958 = arith.sitofp %convert_element_type3A_957 : vector<64x1xi32> to vector<64x1xf32>
      %mul3A_959 = arith.mulf %convert_element_type3A_958, %min3A_939 : vector<64x1xf32>
      %add3A_960 = arith.addf %add3A_926, %mul3A_959 : vector<64x1xf32>
      %slice3A_961 = vector.extract_strided_slice %get3A_649 {offsets = [0, 8], sizes = [64, 1], strides = [1, 1]} : vector<64x16xf32> to vector<64x1xf32>
      %logistic3A_962 = arith.negf %slice3A_961 : vector<64x1xf32>
      %logistic3A_963 = math.exp %logistic3A_962 : vector<64x1xf32>
      %logistic3A_964 = arith.constant 1.000000e+00 : f32
      %logistic3A_965 = vector.broadcast %logistic3A_964 : f32 to vector<64x1xf32>
      %logistic3A_966 = arith.addf %logistic3A_965, %logistic3A_963 : vector<64x1xf32>
      %logistic3A_967 = arith.divf %logistic3A_965, %logistic3A_966 : vector<64x1xf32>
      %jit3A_968 = arith.constant 1.000000e-07 : f32
      %jit3A_969 = arith.constant 0.99999988 : f32
      %max3A_970 = vector.broadcast %jit3A_968 : f32 to vector<64x1xf32>
      %max3A_971 = arith.maximumf %max3A_970, %logistic3A_967 : vector<64x1xf32>
      %min3A_972 = vector.broadcast %jit3A_969 : f32 to vector<64x1xf32>
      %min3A_973 = arith.minimumf %min3A_972, %max3A_971 : vector<64x1xf32>
      %sub3A_974 = arith.constant 1.000000e+00 : f32
      %sub3A_975 = vector.broadcast %sub3A_974 : f32 to vector<64x1xf32>
      %sub3A_976 = arith.subf %sub3A_975, %min3A_973 : vector<64x1xf32>
      %log3A_977 = math.log %sub3A_976 : vector<64x1xf32>
      %neg3A_978 = arith.constant 0.000000e+00 : f32
      %neg3A_979 = vector.broadcast %neg3A_978 : f32 to vector<64x1xf32>
      %neg3A_980 = arith.subf %neg3A_979, %log3A_977 : vector<64x1xf32>
      %mul3A_981 = arith.mulf %convert_element_type3A_706, %neg3A_980 : vector<64x1xf32>
      %reduce_sum3A_982 = vector.shape_cast %mul3A_981 : vector<64x1xf32> to vector<1x64x1xf32>
      %reduce_sum3A_983 = arith.constant dense<0.000000e+00> : vector<1xf32>
      %reduce_sum3A_984 = vector.multi_reduction <add>, %reduce_sum3A_982, %reduce_sum3A_983 [1, 2] : vector<1x64x1xf32> to vector<1xf32>
      %reduce_sum3A_985 = vector.shape_cast %reduce_sum3A_984 : vector<1xf32> to vector<1x1x1xf32>
      %reduce_sum3A_986 = vector.extract %reduce_sum3A_985[0, 0, 0] : f32 from vector<1x1x1xf32>
      %add3A_987 = arith.addf %add3A_953, %reduce_sum3A_986 : f32
      %eq3A_988 = arith.constant 3.000000e+00 : f32
      %eq3A_989 = vector.broadcast %eq3A_988 : f32 to vector<64x1xf32>
      %eq3A_990 = arith.cmpf oeq, %slice3A_104, %eq3A_989 : vector<64x1xf32>
      %convert_element_type3A_991 = arith.extui %eq3A_990 : vector<64x1xi1> to vector<64x1xi32>
      %convert_element_type3A_992 = arith.sitofp %convert_element_type3A_991 : vector<64x1xi32> to vector<64x1xf32>
      %mul3A_993 = arith.mulf %convert_element_type3A_992, %min3A_973 : vector<64x1xf32>
      %add3A_994 = arith.addf %add3A_960, %mul3A_993 : vector<64x1xf32>
      %slice3A_995 = vector.extract_strided_slice %get3A_649 {offsets = [0, 9], sizes = [64, 1], strides = [1, 1]} : vector<64x16xf32> to vector<64x1xf32>
      %logistic3A_996 = arith.negf %slice3A_995 : vector<64x1xf32>
      %logistic3A_997 = math.exp %logistic3A_996 : vector<64x1xf32>
      %logistic3A_998 = arith.constant 1.000000e+00 : f32
      %logistic3A_999 = vector.broadcast %logistic3A_998 : f32 to vector<64x1xf32>
      %logistic3A_1000 = arith.addf %logistic3A_999, %logistic3A_997 : vector<64x1xf32>
      %logistic3A_1001 = arith.divf %logistic3A_999, %logistic3A_1000 : vector<64x1xf32>
      %jit3A_1002 = arith.constant 1.000000e-07 : f32
      %jit3A_1003 = arith.constant 0.99999988 : f32
      %max3A_1004 = vector.broadcast %jit3A_1002 : f32 to vector<64x1xf32>
      %max3A_1005 = arith.maximumf %max3A_1004, %logistic3A_1001 : vector<64x1xf32>
      %min3A_1006 = vector.broadcast %jit3A_1003 : f32 to vector<64x1xf32>
      %min3A_1007 = arith.minimumf %min3A_1006, %max3A_1005 : vector<64x1xf32>
      %sub3A_1008 = arith.constant 1.000000e+00 : f32
      %sub3A_1009 = vector.broadcast %sub3A_1008 : f32 to vector<64x1xf32>
      %sub3A_1010 = arith.subf %sub3A_1009, %min3A_1007 : vector<64x1xf32>
      %log3A_1011 = math.log %sub3A_1010 : vector<64x1xf32>
      %neg3A_1012 = arith.constant 0.000000e+00 : f32
      %neg3A_1013 = vector.broadcast %neg3A_1012 : f32 to vector<64x1xf32>
      %neg3A_1014 = arith.subf %neg3A_1013, %log3A_1011 : vector<64x1xf32>
      %mul3A_1015 = arith.mulf %convert_element_type3A_706, %neg3A_1014 : vector<64x1xf32>
      %reduce_sum3A_1016 = vector.shape_cast %mul3A_1015 : vector<64x1xf32> to vector<1x64x1xf32>
      %reduce_sum3A_1017 = arith.constant dense<0.000000e+00> : vector<1xf32>
      %reduce_sum3A_1018 = vector.multi_reduction <add>, %reduce_sum3A_1016, %reduce_sum3A_1017 [1, 2] : vector<1x64x1xf32> to vector<1xf32>
      %reduce_sum3A_1019 = vector.shape_cast %reduce_sum3A_1018 : vector<1xf32> to vector<1x1x1xf32>
      %reduce_sum3A_1020 = vector.extract %reduce_sum3A_1019[0, 0, 0] : f32 from vector<1x1x1xf32>
      %add3A_1021 = arith.addf %add3A_987, %reduce_sum3A_1020 : f32
      %eq3A_1022 = arith.constant 4.000000e+00 : f32
      %eq3A_1023 = vector.broadcast %eq3A_1022 : f32 to vector<64x1xf32>
      %eq3A_1024 = arith.cmpf oeq, %slice3A_104, %eq3A_1023 : vector<64x1xf32>
      %convert_element_type3A_1025 = arith.extui %eq3A_1024 : vector<64x1xi1> to vector<64x1xi32>
      %convert_element_type3A_1026 = arith.sitofp %convert_element_type3A_1025 : vector<64x1xi32> to vector<64x1xf32>
      %mul3A_1027 = arith.mulf %convert_element_type3A_1026, %min3A_1007 : vector<64x1xf32>
      %add3A_1028 = arith.addf %add3A_994, %mul3A_1027 : vector<64x1xf32>
      %slice3A_1029 = vector.extract_strided_slice %get3A_649 {offsets = [0, 10], sizes = [64, 1], strides = [1, 1]} : vector<64x16xf32> to vector<64x1xf32>
      %logistic3A_1030 = arith.negf %slice3A_1029 : vector<64x1xf32>
      %logistic3A_1031 = math.exp %logistic3A_1030 : vector<64x1xf32>
      %logistic3A_1032 = arith.constant 1.000000e+00 : f32
      %logistic3A_1033 = vector.broadcast %logistic3A_1032 : f32 to vector<64x1xf32>
      %logistic3A_1034 = arith.addf %logistic3A_1033, %logistic3A_1031 : vector<64x1xf32>
      %logistic3A_1035 = arith.divf %logistic3A_1033, %logistic3A_1034 : vector<64x1xf32>
      %jit3A_1036 = arith.constant 1.000000e-07 : f32
      %jit3A_1037 = arith.constant 0.99999988 : f32
      %max3A_1038 = vector.broadcast %jit3A_1036 : f32 to vector<64x1xf32>
      %max3A_1039 = arith.maximumf %max3A_1038, %logistic3A_1035 : vector<64x1xf32>
      %min3A_1040 = vector.broadcast %jit3A_1037 : f32 to vector<64x1xf32>
      %min3A_1041 = arith.minimumf %min3A_1040, %max3A_1039 : vector<64x1xf32>
      %sub3A_1042 = arith.constant 1.000000e+00 : f32
      %sub3A_1043 = vector.broadcast %sub3A_1042 : f32 to vector<64x1xf32>
      %sub3A_1044 = arith.subf %sub3A_1043, %min3A_1041 : vector<64x1xf32>
      %log3A_1045 = math.log %sub3A_1044 : vector<64x1xf32>
      %neg3A_1046 = arith.constant 0.000000e+00 : f32
      %neg3A_1047 = vector.broadcast %neg3A_1046 : f32 to vector<64x1xf32>
      %neg3A_1048 = arith.subf %neg3A_1047, %log3A_1045 : vector<64x1xf32>
      %mul3A_1049 = arith.mulf %convert_element_type3A_706, %neg3A_1048 : vector<64x1xf32>
      %reduce_sum3A_1050 = vector.shape_cast %mul3A_1049 : vector<64x1xf32> to vector<1x64x1xf32>
      %reduce_sum3A_1051 = arith.constant dense<0.000000e+00> : vector<1xf32>
      %reduce_sum3A_1052 = vector.multi_reduction <add>, %reduce_sum3A_1050, %reduce_sum3A_1051 [1, 2] : vector<1x64x1xf32> to vector<1xf32>
      %reduce_sum3A_1053 = vector.shape_cast %reduce_sum3A_1052 : vector<1xf32> to vector<1x1x1xf32>
      %reduce_sum3A_1054 = vector.extract %reduce_sum3A_1053[0, 0, 0] : f32 from vector<1x1x1xf32>
      %add3A_1055 = arith.addf %add3A_1021, %reduce_sum3A_1054 : f32
      %eq3A_1056 = arith.constant 5.000000e+00 : f32
      %eq3A_1057 = vector.broadcast %eq3A_1056 : f32 to vector<64x1xf32>
      %eq3A_1058 = arith.cmpf oeq, %slice3A_104, %eq3A_1057 : vector<64x1xf32>
      %convert_element_type3A_1059 = arith.extui %eq3A_1058 : vector<64x1xi1> to vector<64x1xi32>
      %convert_element_type3A_1060 = arith.sitofp %convert_element_type3A_1059 : vector<64x1xi32> to vector<64x1xf32>
      %mul3A_1061 = arith.mulf %convert_element_type3A_1060, %min3A_1041 : vector<64x1xf32>
      %add3A_1062 = arith.addf %add3A_1028, %mul3A_1061 : vector<64x1xf32>
      %slice3A_1063 = vector.extract_strided_slice %get3A_649 {offsets = [0, 11], sizes = [64, 1], strides = [1, 1]} : vector<64x16xf32> to vector<64x1xf32>
      %logistic3A_1064 = arith.negf %slice3A_1063 : vector<64x1xf32>
      %logistic3A_1065 = math.exp %logistic3A_1064 : vector<64x1xf32>
      %logistic3A_1066 = arith.constant 1.000000e+00 : f32
      %logistic3A_1067 = vector.broadcast %logistic3A_1066 : f32 to vector<64x1xf32>
      %logistic3A_1068 = arith.addf %logistic3A_1067, %logistic3A_1065 : vector<64x1xf32>
      %logistic3A_1069 = arith.divf %logistic3A_1067, %logistic3A_1068 : vector<64x1xf32>
      %jit3A_1070 = arith.constant 1.000000e-07 : f32
      %jit3A_1071 = arith.constant 0.99999988 : f32
      %max3A_1072 = vector.broadcast %jit3A_1070 : f32 to vector<64x1xf32>
      %max3A_1073 = arith.maximumf %max3A_1072, %logistic3A_1069 : vector<64x1xf32>
      %min3A_1074 = vector.broadcast %jit3A_1071 : f32 to vector<64x1xf32>
      %min3A_1075 = arith.minimumf %min3A_1074, %max3A_1073 : vector<64x1xf32>
      %sub3A_1076 = arith.constant 1.000000e+00 : f32
      %sub3A_1077 = vector.broadcast %sub3A_1076 : f32 to vector<64x1xf32>
      %sub3A_1078 = arith.subf %sub3A_1077, %min3A_1075 : vector<64x1xf32>
      %log3A_1079 = math.log %sub3A_1078 : vector<64x1xf32>
      %neg3A_1080 = arith.constant 0.000000e+00 : f32
      %neg3A_1081 = vector.broadcast %neg3A_1080 : f32 to vector<64x1xf32>
      %neg3A_1082 = arith.subf %neg3A_1081, %log3A_1079 : vector<64x1xf32>
      %mul3A_1083 = arith.mulf %convert_element_type3A_706, %neg3A_1082 : vector<64x1xf32>
      %reduce_sum3A_1084 = vector.shape_cast %mul3A_1083 : vector<64x1xf32> to vector<1x64x1xf32>
      %reduce_sum3A_1085 = arith.constant dense<0.000000e+00> : vector<1xf32>
      %reduce_sum3A_1086 = vector.multi_reduction <add>, %reduce_sum3A_1084, %reduce_sum3A_1085 [1, 2] : vector<1x64x1xf32> to vector<1xf32>
      %reduce_sum3A_1087 = vector.shape_cast %reduce_sum3A_1086 : vector<1xf32> to vector<1x1x1xf32>
      %reduce_sum3A_1088 = vector.extract %reduce_sum3A_1087[0, 0, 0] : f32 from vector<1x1x1xf32>
      %add3A_1089 = arith.addf %add3A_1055, %reduce_sum3A_1088 : f32
      %eq3A_1090 = arith.constant 6.000000e+00 : f32
      %eq3A_1091 = vector.broadcast %eq3A_1090 : f32 to vector<64x1xf32>
      %eq3A_1092 = arith.cmpf oeq, %slice3A_104, %eq3A_1091 : vector<64x1xf32>
      %convert_element_type3A_1093 = arith.extui %eq3A_1092 : vector<64x1xi1> to vector<64x1xi32>
      %convert_element_type3A_1094 = arith.sitofp %convert_element_type3A_1093 : vector<64x1xi32> to vector<64x1xf32>
      %mul3A_1095 = arith.mulf %convert_element_type3A_1094, %min3A_1075 : vector<64x1xf32>
      %add3A_1096 = arith.addf %add3A_1062, %mul3A_1095 : vector<64x1xf32>
      %slice3A_1097 = vector.extract_strided_slice %get3A_649 {offsets = [0, 12], sizes = [64, 1], strides = [1, 1]} : vector<64x16xf32> to vector<64x1xf32>
      %logistic3A_1098 = arith.negf %slice3A_1097 : vector<64x1xf32>
      %logistic3A_1099 = math.exp %logistic3A_1098 : vector<64x1xf32>
      %logistic3A_1100 = arith.constant 1.000000e+00 : f32
      %logistic3A_1101 = vector.broadcast %logistic3A_1100 : f32 to vector<64x1xf32>
      %logistic3A_1102 = arith.addf %logistic3A_1101, %logistic3A_1099 : vector<64x1xf32>
      %logistic3A_1103 = arith.divf %logistic3A_1101, %logistic3A_1102 : vector<64x1xf32>
      %jit3A_1104 = arith.constant 1.000000e-07 : f32
      %jit3A_1105 = arith.constant 0.99999988 : f32
      %max3A_1106 = vector.broadcast %jit3A_1104 : f32 to vector<64x1xf32>
      %max3A_1107 = arith.maximumf %max3A_1106, %logistic3A_1103 : vector<64x1xf32>
      %min3A_1108 = vector.broadcast %jit3A_1105 : f32 to vector<64x1xf32>
      %min3A_1109 = arith.minimumf %min3A_1108, %max3A_1107 : vector<64x1xf32>
      %sub3A_1110 = arith.constant 1.000000e+00 : f32
      %sub3A_1111 = vector.broadcast %sub3A_1110 : f32 to vector<64x1xf32>
      %sub3A_1112 = arith.subf %sub3A_1111, %min3A_1109 : vector<64x1xf32>
      %log3A_1113 = math.log %sub3A_1112 : vector<64x1xf32>
      %neg3A_1114 = arith.constant 0.000000e+00 : f32
      %neg3A_1115 = vector.broadcast %neg3A_1114 : f32 to vector<64x1xf32>
      %neg3A_1116 = arith.subf %neg3A_1115, %log3A_1113 : vector<64x1xf32>
      %mul3A_1117 = arith.mulf %convert_element_type3A_706, %neg3A_1116 : vector<64x1xf32>
      %reduce_sum3A_1118 = vector.shape_cast %mul3A_1117 : vector<64x1xf32> to vector<1x64x1xf32>
      %reduce_sum3A_1119 = arith.constant dense<0.000000e+00> : vector<1xf32>
      %reduce_sum3A_1120 = vector.multi_reduction <add>, %reduce_sum3A_1118, %reduce_sum3A_1119 [1, 2] : vector<1x64x1xf32> to vector<1xf32>
      %reduce_sum3A_1121 = vector.shape_cast %reduce_sum3A_1120 : vector<1xf32> to vector<1x1x1xf32>
      %reduce_sum3A_1122 = vector.extract %reduce_sum3A_1121[0, 0, 0] : f32 from vector<1x1x1xf32>
      %add3A_1123 = arith.addf %add3A_1089, %reduce_sum3A_1122 : f32
      %eq3A_1124 = arith.constant 7.000000e+00 : f32
      %eq3A_1125 = vector.broadcast %eq3A_1124 : f32 to vector<64x1xf32>
      %eq3A_1126 = arith.cmpf oeq, %slice3A_104, %eq3A_1125 : vector<64x1xf32>
      %convert_element_type3A_1127 = arith.extui %eq3A_1126 : vector<64x1xi1> to vector<64x1xi32>
      %convert_element_type3A_1128 = arith.sitofp %convert_element_type3A_1127 : vector<64x1xi32> to vector<64x1xf32>
      %mul3A_1129 = arith.mulf %convert_element_type3A_1128, %min3A_1109 : vector<64x1xf32>
      %add3A_1130 = arith.addf %add3A_1096, %mul3A_1129 : vector<64x1xf32>
      %log3A_1131 = math.log %add3A_1130 : vector<64x1xf32>
      %neg3A_1132 = arith.constant 0.000000e+00 : f32
      %neg3A_1133 = vector.broadcast %neg3A_1132 : f32 to vector<64x1xf32>
      %neg3A_1134 = arith.subf %neg3A_1133, %log3A_1131 : vector<64x1xf32>
      %sub3A_1135 = arith.constant 1.000000e+00 : f32
      %sub3A_1136 = vector.broadcast %sub3A_1135 : f32 to vector<64x1xf32>
      %sub3A_1137 = arith.subf %sub3A_1136, %add3A_1130 : vector<64x1xf32>
      %log3A_1138 = math.log %sub3A_1137 : vector<64x1xf32>
      %add3A_1139 = arith.addf %neg3A_1134, %log3A_1138 : vector<64x1xf32>
      %mul3A_1140 = arith.mulf %convert_element_type3A_726, %add3A_1139 : vector<64x1xf32>
      %reduce_sum3A_1141 = vector.shape_cast %mul3A_1140 : vector<64x1xf32> to vector<1x64x1xf32>
      %reduce_sum3A_1142 = arith.constant dense<0.000000e+00> : vector<1xf32>
      %reduce_sum3A_1143 = vector.multi_reduction <add>, %reduce_sum3A_1141, %reduce_sum3A_1142 [1, 2] : vector<1x64x1xf32> to vector<1xf32>
      %reduce_sum3A_1144 = vector.shape_cast %reduce_sum3A_1143 : vector<1xf32> to vector<1x1x1xf32>
      %reduce_sum3A_1145 = vector.extract %reduce_sum3A_1144[0, 0, 0] : f32 from vector<1x1x1xf32>
      %add3A_1146 = arith.addf %add3A_1123, %reduce_sum3A_1145 : f32
      %max3A_1147 = arith.constant 1.000000e+00 : f32
      %max3A_1148 = arith.maximumf %reduce_sum3A_731, %max3A_1147 : f32
      %add3A_1149 = arith.addf %reduce_sum3A_808, %reduce_sum3A_816 : f32
      %add3A_1150 = arith.addf %add3A_1149, %reduce_sum3A_824 : f32
      %add3A_1151 = arith.addf %add3A_1150, %reduce_sum3A_832 : f32
      %add3A_1152 = arith.addf %add3A_1151, %reduce_sum3A_842 : f32
      %div3A_1153 = arith.divf %add3A_1152, %max3A_1148 : f32
      %add3A_1154 = arith.addf %add3A_644, %div3A_1153 : f32
      %get3A_1155 = arith.constant 1 : index
      %get3A_1156 = memref.load %arg8[%get3A_1155] : memref<3xf32, #tpu.memory_space<smem>>
      %sub3A_1157 = arith.subf %get3A_1156, %reduce_sum3A_855 : f32
      %mul3A_1158 = arith.constant 5.000000e-01 : f32
      %mul3A_1159 = arith.mulf %mul3A_1158, %sub3A_1157 : f32
      %sub3A_1160 = arith.constant 4.915200e+04 : f32
      %sub3A_1161 = arith.subf %sub3A_1160, %reduce_sum3A_731 : f32
      %max3A_1162 = arith.constant 1.000000e+00 : f32
      %max3A_1163 = arith.maximumf %sub3A_1161, %max3A_1162 : f32
      %div3A_1164 = arith.divf %mul3A_1159, %max3A_1163 : f32
      %add3A_1165 = arith.addf %add3A_1154, %div3A_1164 : f32
      %mul3A_1166 = arith.constant 8.000000e+00 : f32
      %mul3A_1167 = arith.mulf %reduce_sum3A_731, %mul3A_1166 : f32
      %max3A_1168 = arith.constant 1.000000e+00 : f32
      %max3A_1169 = arith.maximumf %mul3A_1167, %max3A_1168 : f32
      %div3A_1170 = arith.divf %add3A_1146, %max3A_1169 : f32
      %add3A_1171 = arith.addf %add3A_1165, %div3A_1170 : f32
      %get3A_1172 = arith.constant 2 : index
      %get3A_1173 = arith.constant 0 : index
      %get3A_1174 = arith.constant 0 : index
      %get3A_1175 = vector.load %arg6[%get3A_1172, %get3A_1173, %get3A_1174] : memref<3x64x16xf32, #tpu.memory_space<vmem>>, vector<1x64x16xf32>
      %get3A_1176 = vector.shape_cast %get3A_1175 : vector<1x64x16xf32> to vector<64x16xf32>
      %slice3A_1177 = vector.extract_strided_slice %get3A_1176 {offsets = [0, 13], sizes = [64, 1], strides = [1, 1]} : vector<64x16xf32> to vector<64x1xf32>
      %mul3A_1178 = arith.constant 1.600000e+01 : f32
      %mul3A_1179 = vector.broadcast %mul3A_1178 : f32 to vector<64x1xf32>
      %mul3A_1180 = arith.mulf %slice3A_105, %mul3A_1179 : vector<64x1xf32>
      %mul3A_1181 = arith.constant 1.600000e+01 : f32
      %mul3A_1182 = vector.broadcast %mul3A_1181 : f32 to vector<64x1xf32>
      %mul3A_1183 = arith.mulf %slice3A_106, %mul3A_1182 : vector<64x1xf32>
      %floor3A_1184 = math.floor %mul3A_1180 : vector<64x1xf32>
      %jit3A_1185 = arith.constant 0.000000e+00 : f32
      %jit3A_1186 = arith.constant 1.500000e+01 : f32
      %max3A_1187 = vector.broadcast %jit3A_1185 : f32 to vector<64x1xf32>
      %max3A_1188 = arith.maximumf %max3A_1187, %floor3A_1184 : vector<64x1xf32>
      %min3A_1189 = vector.broadcast %jit3A_1186 : f32 to vector<64x1xf32>
      %min3A_1190 = arith.minimumf %min3A_1189, %max3A_1188 : vector<64x1xf32>
      %floor3A_1191 = math.floor %mul3A_1183 : vector<64x1xf32>
      %jit3A_1192 = arith.constant 0.000000e+00 : f32
      %jit3A_1193 = arith.constant 1.500000e+01 : f32
      %max3A_1194 = vector.broadcast %jit3A_1192 : f32 to vector<64x1xf32>
      %max3A_1195 = arith.maximumf %max3A_1194, %floor3A_1191 : vector<64x1xf32>
      %min3A_1196 = vector.broadcast %jit3A_1193 : f32 to vector<64x1xf32>
      %min3A_1197 = arith.minimumf %min3A_1196, %max3A_1195 : vector<64x1xf32>
      %mul3A_1198 = arith.constant 3.000000e+00 : f32
      %mul3A_1199 = vector.broadcast %mul3A_1198 : f32 to vector<64x1xf32>
      %mul3A_1200 = arith.mulf %slice3A, %mul3A_1199 : vector<64x1xf32>
      %add3A_1201 = arith.addf %mul3A_1200, %slice3A_1177 : vector<64x1xf32>
      %mul3A_1202 = arith.constant 1.600000e+01 : f32
      %mul3A_1203 = vector.broadcast %mul3A_1202 : f32 to vector<64x1xf32>
      %mul3A_1204 = arith.mulf %add3A_1201, %mul3A_1203 : vector<64x1xf32>
      %add3A_1205 = arith.addf %mul3A_1204, %min3A_1197 : vector<64x1xf32>
      %mul3A_1206 = arith.constant 1.600000e+01 : f32
      %mul3A_1207 = vector.broadcast %mul3A_1206 : f32 to vector<64x1xf32>
      %mul3A_1208 = arith.mulf %add3A_1205, %mul3A_1207 : vector<64x1xf32>
      %add3A_1209 = arith.addf %mul3A_1208, %min3A_1190 : vector<64x1xf32>
      %mul3A_1210 = arith.constant 8.000000e+00 : f32
      %mul3A_1211 = vector.broadcast %mul3A_1210 : f32 to vector<64x1xf32>
      %mul3A_1212 = arith.mulf %add3A_1209, %mul3A_1211 : vector<64x1xf32>
      %add3A_1213 = arith.addf %mul3A_1212, %slice3A_104 : vector<64x1xf32>
      %broadcast_in_dim3A_1214 = vector.shape_cast %add3A_1209 : vector<64x1xf32> to vector<64x1xf32>
      %broadcast_in_dim3A_1215 = vector.broadcast %broadcast_in_dim3A_1214 : vector<64x1xf32> to vector<64x64xf32>
      %mul3A_1216 = arith.mulf %convert_element_type3A_119, %broadcast_in_dim3A_1215 : vector<64x64xf32>
      %reduce_sum3A_1217 = arith.constant dense<0.000000e+00> : vector<64xf32>
      %reduce_sum3A_1218 = vector.multi_reduction <add>, %mul3A_1216, %reduce_sum3A_1217 [0] : vector<64x64xf32> to vector<64xf32>
      %broadcast_in_dim3A_1219 = vector.shape_cast %reduce_sum3A_1218 : vector<64xf32> to vector<1x64xf32>
      %broadcast_in_dim3A_1220 = vector.shape_cast %broadcast_in_dim3A_1219 : vector<1x64xf32> to vector<1x64xf32>
      %broadcast_in_dim3A_1221 = vector.broadcast %broadcast_in_dim3A_1220 : vector<1x64xf32> to vector<64x64xf32>
      %eq3A_1222 = arith.cmpf oeq, %broadcast_in_dim3A_1215, %broadcast_in_dim3A_1221 : vector<64x64xf32>
      %convert_element_type3A_1223 = arith.extui %eq3A_1222 : vector<64x64xi1> to vector<64x64xi32>
      %convert_element_type3A_1224 = arith.sitofp %convert_element_type3A_1223 : vector<64x64xi32> to vector<64x64xf32>
      %mul3A_1225 = arith.mulf %convert_element_type3A_1224, %convert_element_type3A_121 : vector<64x64xf32>
      %reduce_sum3A_1226 = arith.constant dense<0.000000e+00> : vector<64xf32>
      %reduce_sum3A_1227 = vector.multi_reduction <add>, %mul3A_1225, %reduce_sum3A_1226 [1] : vector<64x64xf32> to vector<64xf32>
      %broadcast_in_dim3A_1228 = vector.shape_cast %reduce_sum3A_1227 : vector<64xf32> to vector<64x1xf32>
      %eq3A_1229 = arith.constant 0.000000e+00 : f32
      %eq3A_1230 = vector.broadcast %eq3A_1229 : f32 to vector<64x1xf32>
      %eq3A_1231 = arith.cmpf oeq, %broadcast_in_dim3A_1228, %eq3A_1230 : vector<64x1xf32>
      %convert_element_type3A_1232 = arith.extui %eq3A_1231 : vector<64x1xi1> to vector<64x1xi32>
      %convert_element_type3A_1233 = arith.sitofp %convert_element_type3A_1232 : vector<64x1xi32> to vector<64x1xf32>
      %broadcast_in_dim3A_1234 = vector.shape_cast %add3A_1213 : vector<64x1xf32> to vector<64x1xf32>
      %broadcast_in_dim3A_1235 = vector.broadcast %broadcast_in_dim3A_1234 : vector<64x1xf32> to vector<64x64xf32>
      %mul3A_1236 = arith.mulf %convert_element_type3A_119, %broadcast_in_dim3A_1235 : vector<64x64xf32>
      %reduce_sum3A_1237 = arith.constant dense<0.000000e+00> : vector<64xf32>
      %reduce_sum3A_1238 = vector.multi_reduction <add>, %mul3A_1236, %reduce_sum3A_1237 [0] : vector<64x64xf32> to vector<64xf32>
      %broadcast_in_dim3A_1239 = vector.shape_cast %reduce_sum3A_1238 : vector<64xf32> to vector<1x64xf32>
      %broadcast_in_dim3A_1240 = vector.shape_cast %broadcast_in_dim3A_1239 : vector<1x64xf32> to vector<1x64xf32>
      %broadcast_in_dim3A_1241 = vector.broadcast %broadcast_in_dim3A_1240 : vector<1x64xf32> to vector<64x64xf32>
      %eq3A_1242 = arith.cmpf oeq, %broadcast_in_dim3A_1235, %broadcast_in_dim3A_1241 : vector<64x64xf32>
      %convert_element_type3A_1243 = arith.extui %eq3A_1242 : vector<64x64xi1> to vector<64x64xi32>
      %convert_element_type3A_1244 = arith.sitofp %convert_element_type3A_1243 : vector<64x64xi32> to vector<64x64xf32>
      %mul3A_1245 = arith.mulf %convert_element_type3A_1244, %convert_element_type3A_121 : vector<64x64xf32>
      %reduce_sum3A_1246 = arith.constant dense<0.000000e+00> : vector<64xf32>
      %reduce_sum3A_1247 = vector.multi_reduction <add>, %mul3A_1245, %reduce_sum3A_1246 [1] : vector<64x64xf32> to vector<64xf32>
      %broadcast_in_dim3A_1248 = vector.shape_cast %reduce_sum3A_1247 : vector<64xf32> to vector<64x1xf32>
      %eq3A_1249 = arith.constant 0.000000e+00 : f32
      %eq3A_1250 = vector.broadcast %eq3A_1249 : f32 to vector<64x1xf32>
      %eq3A_1251 = arith.cmpf oeq, %broadcast_in_dim3A_1248, %eq3A_1250 : vector<64x1xf32>
      %convert_element_type3A_1252 = arith.extui %eq3A_1251 : vector<64x1xi1> to vector<64x1xi32>
      %convert_element_type3A_1253 = arith.sitofp %convert_element_type3A_1252 : vector<64x1xi32> to vector<64x1xf32>
      %reduce_sum3A_1254 = vector.shape_cast %convert_element_type3A_1233 : vector<64x1xf32> to vector<1x64x1xf32>
      %reduce_sum3A_1255 = arith.constant dense<0.000000e+00> : vector<1xf32>
      %reduce_sum3A_1256 = vector.multi_reduction <add>, %reduce_sum3A_1254, %reduce_sum3A_1255 [1, 2] : vector<1x64x1xf32> to vector<1xf32>
      %reduce_sum3A_1257 = vector.shape_cast %reduce_sum3A_1256 : vector<1xf32> to vector<1x1x1xf32>
      %reduce_sum3A_1258 = vector.extract %reduce_sum3A_1257[0, 0, 0] : f32 from vector<1x1x1xf32>
      %slice3A_1259 = vector.extract_strided_slice %get3A_1176 {offsets = [0, 0], sizes = [64, 1], strides = [1, 1]} : vector<64x16xf32> to vector<64x1xf32>
      %logistic3A_1260 = arith.negf %slice3A_1259 : vector<64x1xf32>
      %logistic3A_1261 = math.exp %logistic3A_1260 : vector<64x1xf32>
      %logistic3A_1262 = arith.constant 1.000000e+00 : f32
      %logistic3A_1263 = vector.broadcast %logistic3A_1262 : f32 to vector<64x1xf32>
      %logistic3A_1264 = arith.addf %logistic3A_1263, %logistic3A_1261 : vector<64x1xf32>
      %logistic3A_1265 = arith.divf %logistic3A_1263, %logistic3A_1264 : vector<64x1xf32>
      %slice3A_1266 = vector.extract_strided_slice %get3A_1176 {offsets = [0, 1], sizes = [64, 1], strides = [1, 1]} : vector<64x16xf32> to vector<64x1xf32>
      %logistic3A_1267 = arith.negf %slice3A_1266 : vector<64x1xf32>
      %logistic3A_1268 = math.exp %logistic3A_1267 : vector<64x1xf32>
      %logistic3A_1269 = arith.constant 1.000000e+00 : f32
      %logistic3A_1270 = vector.broadcast %logistic3A_1269 : f32 to vector<64x1xf32>
      %logistic3A_1271 = arith.addf %logistic3A_1270, %logistic3A_1268 : vector<64x1xf32>
      %logistic3A_1272 = arith.divf %logistic3A_1270, %logistic3A_1271 : vector<64x1xf32>
      %slice3A_1273 = vector.extract_strided_slice %get3A_1176 {offsets = [0, 2], sizes = [64, 1], strides = [1, 1]} : vector<64x16xf32> to vector<64x1xf32>
      %slice3A_1274 = vector.extract_strided_slice %get3A_1176 {offsets = [0, 3], sizes = [64, 1], strides = [1, 1]} : vector<64x16xf32> to vector<64x1xf32>
      %slice3A_1275 = vector.extract_strided_slice %get3A_1176 {offsets = [0, 4], sizes = [64, 1], strides = [1, 1]} : vector<64x16xf32> to vector<64x1xf32>
      %logistic3A_1276 = arith.negf %slice3A_1275 : vector<64x1xf32>
      %logistic3A_1277 = math.exp %logistic3A_1276 : vector<64x1xf32>
      %logistic3A_1278 = arith.constant 1.000000e+00 : f32
      %logistic3A_1279 = vector.broadcast %logistic3A_1278 : f32 to vector<64x1xf32>
      %logistic3A_1280 = arith.addf %logistic3A_1279, %logistic3A_1277 : vector<64x1xf32>
      %logistic3A_1281 = arith.divf %logistic3A_1279, %logistic3A_1280 : vector<64x1xf32>
      %jit3A_1282 = arith.constant 1.000000e-07 : f32
      %jit3A_1283 = arith.constant 0.99999988 : f32
      %max3A_1284 = vector.broadcast %jit3A_1282 : f32 to vector<64x1xf32>
      %max3A_1285 = arith.maximumf %max3A_1284, %logistic3A_1281 : vector<64x1xf32>
      %min3A_1286 = vector.broadcast %jit3A_1283 : f32 to vector<64x1xf32>
      %min3A_1287 = arith.minimumf %min3A_1286, %max3A_1285 : vector<64x1xf32>
      %sub3A_1288 = arith.subf %mul3A_1180, %min3A_1190 : vector<64x1xf32>
      %sub3A_1289 = arith.subf %mul3A_1183, %min3A_1197 : vector<64x1xf32>
      %eq3A_1290 = arith.constant 0.000000e+00 : f32
      %eq3A_1291 = vector.broadcast %eq3A_1290 : f32 to vector<64x1xf32>
      %eq3A_1292 = arith.cmpf oeq, %slice3A_1177, %eq3A_1291 : vector<64x1xf32>
      %eq3A_1293 = arith.constant 1.000000e+00 : f32
      %eq3A_1294 = vector.broadcast %eq3A_1293 : f32 to vector<64x1xf32>
      %eq3A_1295 = arith.cmpf oeq, %slice3A_1177, %eq3A_1294 : vector<64x1xf32>
      %jit3A_1296 = arith.constant 1.560000e+02 : f32
      %jit3A_1297 = arith.constant 3.730000e+02 : f32
      %broadcast_in_dim3A_1298 = vector.broadcast %jit3A_1296 : f32 to vector<64x1xf32>
      %broadcast_in_dim3A_1299 = vector.broadcast %jit3A_1297 : f32 to vector<64x1xf32>
      %select_n3A_1300 = arith.select %eq3A_1295, %broadcast_in_dim3A_1298, %broadcast_in_dim3A_1299 : vector<64x1xi1>, vector<64x1xf32>
      %jit3A_1301 = arith.constant 1.160000e+02 : f32
      %broadcast_in_dim3A_1302 = vector.broadcast %jit3A_1301 : f32 to vector<64x1xf32>
      %select_n3A_1303 = arith.select %eq3A_1292, %broadcast_in_dim3A_1302, %select_n3A_1300 : vector<64x1xi1>, vector<64x1xf32>
      %eq3A_1304 = arith.constant 0.000000e+00 : f32
      %eq3A_1305 = vector.broadcast %eq3A_1304 : f32 to vector<64x1xf32>
      %eq3A_1306 = arith.cmpf oeq, %slice3A_1177, %eq3A_1305 : vector<64x1xf32>
      %eq3A_1307 = arith.constant 1.000000e+00 : f32
      %eq3A_1308 = vector.broadcast %eq3A_1307 : f32 to vector<64x1xf32>
      %eq3A_1309 = arith.cmpf oeq, %slice3A_1177, %eq3A_1308 : vector<64x1xf32>
      %jit3A_1310 = arith.constant 1.980000e+02 : f32
      %jit3A_1311 = arith.constant 3.260000e+02 : f32
      %broadcast_in_dim3A_1312 = vector.broadcast %jit3A_1310 : f32 to vector<64x1xf32>
      %broadcast_in_dim3A_1313 = vector.broadcast %jit3A_1311 : f32 to vector<64x1xf32>
      %select_n3A_1314 = arith.select %eq3A_1309, %broadcast_in_dim3A_1312, %broadcast_in_dim3A_1313 : vector<64x1xi1>, vector<64x1xf32>
      %jit3A_1315 = arith.constant 9.000000e+01 : f32
      %broadcast_in_dim3A_1316 = vector.broadcast %jit3A_1315 : f32 to vector<64x1xf32>
      %select_n3A_1317 = arith.select %eq3A_1306, %broadcast_in_dim3A_1316, %select_n3A_1314 : vector<64x1xi1>, vector<64x1xf32>
      %div3A_1318 = arith.divf %mul3A_113, %select_n3A_1303 : vector<64x1xf32>
      %add3A_1319 = arith.constant 1.000000e-16 : f32
      %add3A_1320 = vector.broadcast %add3A_1319 : f32 to vector<64x1xf32>
      %add3A_1321 = arith.addf %div3A_1318, %add3A_1320 : vector<64x1xf32>
      %log3A_1322 = math.log %add3A_1321 : vector<64x1xf32>
      %div3A_1323 = arith.divf %mul3A_115, %select_n3A_1317 : vector<64x1xf32>
      %add3A_1324 = arith.constant 1.000000e-16 : f32
      %add3A_1325 = vector.broadcast %add3A_1324 : f32 to vector<64x1xf32>
      %add3A_1326 = arith.addf %div3A_1323, %add3A_1325 : vector<64x1xf32>
      %log3A_1327 = math.log %add3A_1326 : vector<64x1xf32>
      %sub3A_1328 = arith.subf %logistic3A_1265, %sub3A_1288 : vector<64x1xf32>
      %integer_pow3A_1329 = arith.mulf %sub3A_1328, %sub3A_1328 : vector<64x1xf32>
      %mul3A_1330 = arith.mulf %convert_element_type3A_1233, %integer_pow3A_1329 : vector<64x1xf32>
      %reduce_sum3A_1331 = vector.shape_cast %mul3A_1330 : vector<64x1xf32> to vector<1x64x1xf32>
      %reduce_sum3A_1332 = arith.constant dense<0.000000e+00> : vector<1xf32>
      %reduce_sum3A_1333 = vector.multi_reduction <add>, %reduce_sum3A_1331, %reduce_sum3A_1332 [1, 2] : vector<1x64x1xf32> to vector<1xf32>
      %reduce_sum3A_1334 = vector.shape_cast %reduce_sum3A_1333 : vector<1xf32> to vector<1x1x1xf32>
      %reduce_sum3A_1335 = vector.extract %reduce_sum3A_1334[0, 0, 0] : f32 from vector<1x1x1xf32>
      %sub3A_1336 = arith.subf %logistic3A_1272, %sub3A_1289 : vector<64x1xf32>
      %integer_pow3A_1337 = arith.mulf %sub3A_1336, %sub3A_1336 : vector<64x1xf32>
      %mul3A_1338 = arith.mulf %convert_element_type3A_1233, %integer_pow3A_1337 : vector<64x1xf32>
      %reduce_sum3A_1339 = vector.shape_cast %mul3A_1338 : vector<64x1xf32> to vector<1x64x1xf32>
      %reduce_sum3A_1340 = arith.constant dense<0.000000e+00> : vector<1xf32>
      %reduce_sum3A_1341 = vector.multi_reduction <add>, %reduce_sum3A_1339, %reduce_sum3A_1340 [1, 2] : vector<1x64x1xf32> to vector<1xf32>
      %reduce_sum3A_1342 = vector.shape_cast %reduce_sum3A_1341 : vector<1xf32> to vector<1x1x1xf32>
      %reduce_sum3A_1343 = vector.extract %reduce_sum3A_1342[0, 0, 0] : f32 from vector<1x1x1xf32>
      %sub3A_1344 = arith.subf %slice3A_1273, %log3A_1322 : vector<64x1xf32>
      %integer_pow3A_1345 = arith.mulf %sub3A_1344, %sub3A_1344 : vector<64x1xf32>
      %mul3A_1346 = arith.mulf %convert_element_type3A_1233, %integer_pow3A_1345 : vector<64x1xf32>
      %reduce_sum3A_1347 = vector.shape_cast %mul3A_1346 : vector<64x1xf32> to vector<1x64x1xf32>
      %reduce_sum3A_1348 = arith.constant dense<0.000000e+00> : vector<1xf32>
      %reduce_sum3A_1349 = vector.multi_reduction <add>, %reduce_sum3A_1347, %reduce_sum3A_1348 [1, 2] : vector<1x64x1xf32> to vector<1xf32>
      %reduce_sum3A_1350 = vector.shape_cast %reduce_sum3A_1349 : vector<1xf32> to vector<1x1x1xf32>
      %reduce_sum3A_1351 = vector.extract %reduce_sum3A_1350[0, 0, 0] : f32 from vector<1x1x1xf32>
      %sub3A_1352 = arith.subf %slice3A_1274, %log3A_1327 : vector<64x1xf32>
      %integer_pow3A_1353 = arith.mulf %sub3A_1352, %sub3A_1352 : vector<64x1xf32>
      %mul3A_1354 = arith.mulf %convert_element_type3A_1233, %integer_pow3A_1353 : vector<64x1xf32>
      %reduce_sum3A_1355 = vector.shape_cast %mul3A_1354 : vector<64x1xf32> to vector<1x64x1xf32>
      %reduce_sum3A_1356 = arith.constant dense<0.000000e+00> : vector<1xf32>
      %reduce_sum3A_1357 = vector.multi_reduction <add>, %reduce_sum3A_1355, %reduce_sum3A_1356 [1, 2] : vector<1x64x1xf32> to vector<1xf32>
      %reduce_sum3A_1358 = vector.shape_cast %reduce_sum3A_1357 : vector<1xf32> to vector<1x1x1xf32>
      %reduce_sum3A_1359 = vector.extract %reduce_sum3A_1358[0, 0, 0] : f32 from vector<1x1x1xf32>
      %log3A_1360 = math.log %min3A_1287 : vector<64x1xf32>
      %neg3A_1361 = arith.constant 0.000000e+00 : f32
      %neg3A_1362 = vector.broadcast %neg3A_1361 : f32 to vector<64x1xf32>
      %neg3A_1363 = arith.subf %neg3A_1362, %log3A_1360 : vector<64x1xf32>
      %mul3A_1364 = arith.mulf %convert_element_type3A_1233, %neg3A_1363 : vector<64x1xf32>
      %reduce_sum3A_1365 = vector.shape_cast %mul3A_1364 : vector<64x1xf32> to vector<1x64x1xf32>
      %reduce_sum3A_1366 = arith.constant dense<0.000000e+00> : vector<1xf32>
      %reduce_sum3A_1367 = vector.multi_reduction <add>, %reduce_sum3A_1365, %reduce_sum3A_1366 [1, 2] : vector<1x64x1xf32> to vector<1xf32>
      %reduce_sum3A_1368 = vector.shape_cast %reduce_sum3A_1367 : vector<1xf32> to vector<1x1x1xf32>
      %reduce_sum3A_1369 = vector.extract %reduce_sum3A_1368[0, 0, 0] : f32 from vector<1x1x1xf32>
      %sub3A_1370 = arith.constant 1.000000e+00 : f32
      %sub3A_1371 = vector.broadcast %sub3A_1370 : f32 to vector<64x1xf32>
      %sub3A_1372 = arith.subf %sub3A_1371, %min3A_1287 : vector<64x1xf32>
      %log3A_1373 = math.log %sub3A_1372 : vector<64x1xf32>
      %neg3A_1374 = arith.constant 0.000000e+00 : f32
      %neg3A_1375 = vector.broadcast %neg3A_1374 : f32 to vector<64x1xf32>
      %neg3A_1376 = arith.subf %neg3A_1375, %log3A_1373 : vector<64x1xf32>
      %mul3A_1377 = arith.mulf %convert_element_type3A_1233, %neg3A_1376 : vector<64x1xf32>
      %reduce_sum3A_1378 = vector.shape_cast %mul3A_1377 : vector<64x1xf32> to vector<1x64x1xf32>
      %reduce_sum3A_1379 = arith.constant dense<0.000000e+00> : vector<1xf32>
      %reduce_sum3A_1380 = vector.multi_reduction <add>, %reduce_sum3A_1378, %reduce_sum3A_1379 [1, 2] : vector<1x64x1xf32> to vector<1xf32>
      %reduce_sum3A_1381 = vector.shape_cast %reduce_sum3A_1380 : vector<1xf32> to vector<1x1x1xf32>
      %reduce_sum3A_1382 = vector.extract %reduce_sum3A_1381[0, 0, 0] : f32 from vector<1x1x1xf32>
      %slice3A_1383 = vector.extract_strided_slice %get3A_1176 {offsets = [0, 5], sizes = [64, 1], strides = [1, 1]} : vector<64x16xf32> to vector<64x1xf32>
      %logistic3A_1384 = arith.negf %slice3A_1383 : vector<64x1xf32>
      %logistic3A_1385 = math.exp %logistic3A_1384 : vector<64x1xf32>
      %logistic3A_1386 = arith.constant 1.000000e+00 : f32
      %logistic3A_1387 = vector.broadcast %logistic3A_1386 : f32 to vector<64x1xf32>
      %logistic3A_1388 = arith.addf %logistic3A_1387, %logistic3A_1385 : vector<64x1xf32>
      %logistic3A_1389 = arith.divf %logistic3A_1387, %logistic3A_1388 : vector<64x1xf32>
      %jit3A_1390 = arith.constant 1.000000e-07 : f32
      %jit3A_1391 = arith.constant 0.99999988 : f32
      %max3A_1392 = vector.broadcast %jit3A_1390 : f32 to vector<64x1xf32>
      %max3A_1393 = arith.maximumf %max3A_1392, %logistic3A_1389 : vector<64x1xf32>
      %min3A_1394 = vector.broadcast %jit3A_1391 : f32 to vector<64x1xf32>
      %min3A_1395 = arith.minimumf %min3A_1394, %max3A_1393 : vector<64x1xf32>
      %sub3A_1396 = arith.constant 1.000000e+00 : f32
      %sub3A_1397 = vector.broadcast %sub3A_1396 : f32 to vector<64x1xf32>
      %sub3A_1398 = arith.subf %sub3A_1397, %min3A_1395 : vector<64x1xf32>
      %log3A_1399 = math.log %sub3A_1398 : vector<64x1xf32>
      %neg3A_1400 = arith.constant 0.000000e+00 : f32
      %neg3A_1401 = vector.broadcast %neg3A_1400 : f32 to vector<64x1xf32>
      %neg3A_1402 = arith.subf %neg3A_1401, %log3A_1399 : vector<64x1xf32>
      %mul3A_1403 = arith.mulf %convert_element_type3A_1233, %neg3A_1402 : vector<64x1xf32>
      %reduce_sum3A_1404 = vector.shape_cast %mul3A_1403 : vector<64x1xf32> to vector<1x64x1xf32>
      %reduce_sum3A_1405 = arith.constant dense<0.000000e+00> : vector<1xf32>
      %reduce_sum3A_1406 = vector.multi_reduction <add>, %reduce_sum3A_1404, %reduce_sum3A_1405 [1, 2] : vector<1x64x1xf32> to vector<1xf32>
      %reduce_sum3A_1407 = vector.shape_cast %reduce_sum3A_1406 : vector<1xf32> to vector<1x1x1xf32>
      %reduce_sum3A_1408 = vector.extract %reduce_sum3A_1407[0, 0, 0] : f32 from vector<1x1x1xf32>
      %add3A_1409 = arith.constant 0.000000e+00 : f32
      %add3A_1410 = arith.addf %add3A_1409, %reduce_sum3A_1408 : f32
      %eq3A_1411 = arith.constant 0.000000e+00 : f32
      %eq3A_1412 = vector.broadcast %eq3A_1411 : f32 to vector<64x1xf32>
      %eq3A_1413 = arith.cmpf oeq, %slice3A_104, %eq3A_1412 : vector<64x1xf32>
      %convert_element_type3A_1414 = arith.extui %eq3A_1413 : vector<64x1xi1> to vector<64x1xi32>
      %convert_element_type3A_1415 = arith.sitofp %convert_element_type3A_1414 : vector<64x1xi32> to vector<64x1xf32>
      %mul3A_1416 = arith.mulf %convert_element_type3A_1415, %min3A_1395 : vector<64x1xf32>
      %add3A_1417 = arith.constant 0.000000e+00 : f32
      %add3A_1418 = vector.broadcast %add3A_1417 : f32 to vector<64x1xf32>
      %add3A_1419 = arith.addf %add3A_1418, %mul3A_1416 : vector<64x1xf32>
      %slice3A_1420 = vector.extract_strided_slice %get3A_1176 {offsets = [0, 6], sizes = [64, 1], strides = [1, 1]} : vector<64x16xf32> to vector<64x1xf32>
      %logistic3A_1421 = arith.negf %slice3A_1420 : vector<64x1xf32>
      %logistic3A_1422 = math.exp %logistic3A_1421 : vector<64x1xf32>
      %logistic3A_1423 = arith.constant 1.000000e+00 : f32
      %logistic3A_1424 = vector.broadcast %logistic3A_1423 : f32 to vector<64x1xf32>
      %logistic3A_1425 = arith.addf %logistic3A_1424, %logistic3A_1422 : vector<64x1xf32>
      %logistic3A_1426 = arith.divf %logistic3A_1424, %logistic3A_1425 : vector<64x1xf32>
      %jit3A_1427 = arith.constant 1.000000e-07 : f32
      %jit3A_1428 = arith.constant 0.99999988 : f32
      %max3A_1429 = vector.broadcast %jit3A_1427 : f32 to vector<64x1xf32>
      %max3A_1430 = arith.maximumf %max3A_1429, %logistic3A_1426 : vector<64x1xf32>
      %min3A_1431 = vector.broadcast %jit3A_1428 : f32 to vector<64x1xf32>
      %min3A_1432 = arith.minimumf %min3A_1431, %max3A_1430 : vector<64x1xf32>
      %sub3A_1433 = arith.constant 1.000000e+00 : f32
      %sub3A_1434 = vector.broadcast %sub3A_1433 : f32 to vector<64x1xf32>
      %sub3A_1435 = arith.subf %sub3A_1434, %min3A_1432 : vector<64x1xf32>
      %log3A_1436 = math.log %sub3A_1435 : vector<64x1xf32>
      %neg3A_1437 = arith.constant 0.000000e+00 : f32
      %neg3A_1438 = vector.broadcast %neg3A_1437 : f32 to vector<64x1xf32>
      %neg3A_1439 = arith.subf %neg3A_1438, %log3A_1436 : vector<64x1xf32>
      %mul3A_1440 = arith.mulf %convert_element_type3A_1233, %neg3A_1439 : vector<64x1xf32>
      %reduce_sum3A_1441 = vector.shape_cast %mul3A_1440 : vector<64x1xf32> to vector<1x64x1xf32>
      %reduce_sum3A_1442 = arith.constant dense<0.000000e+00> : vector<1xf32>
      %reduce_sum3A_1443 = vector.multi_reduction <add>, %reduce_sum3A_1441, %reduce_sum3A_1442 [1, 2] : vector<1x64x1xf32> to vector<1xf32>
      %reduce_sum3A_1444 = vector.shape_cast %reduce_sum3A_1443 : vector<1xf32> to vector<1x1x1xf32>
      %reduce_sum3A_1445 = vector.extract %reduce_sum3A_1444[0, 0, 0] : f32 from vector<1x1x1xf32>
      %add3A_1446 = arith.addf %add3A_1410, %reduce_sum3A_1445 : f32
      %eq3A_1447 = arith.constant 1.000000e+00 : f32
      %eq3A_1448 = vector.broadcast %eq3A_1447 : f32 to vector<64x1xf32>
      %eq3A_1449 = arith.cmpf oeq, %slice3A_104, %eq3A_1448 : vector<64x1xf32>
      %convert_element_type3A_1450 = arith.extui %eq3A_1449 : vector<64x1xi1> to vector<64x1xi32>
      %convert_element_type3A_1451 = arith.sitofp %convert_element_type3A_1450 : vector<64x1xi32> to vector<64x1xf32>
      %mul3A_1452 = arith.mulf %convert_element_type3A_1451, %min3A_1432 : vector<64x1xf32>
      %add3A_1453 = arith.addf %add3A_1419, %mul3A_1452 : vector<64x1xf32>
      %slice3A_1454 = vector.extract_strided_slice %get3A_1176 {offsets = [0, 7], sizes = [64, 1], strides = [1, 1]} : vector<64x16xf32> to vector<64x1xf32>
      %logistic3A_1455 = arith.negf %slice3A_1454 : vector<64x1xf32>
      %logistic3A_1456 = math.exp %logistic3A_1455 : vector<64x1xf32>
      %logistic3A_1457 = arith.constant 1.000000e+00 : f32
      %logistic3A_1458 = vector.broadcast %logistic3A_1457 : f32 to vector<64x1xf32>
      %logistic3A_1459 = arith.addf %logistic3A_1458, %logistic3A_1456 : vector<64x1xf32>
      %logistic3A_1460 = arith.divf %logistic3A_1458, %logistic3A_1459 : vector<64x1xf32>
      %jit3A_1461 = arith.constant 1.000000e-07 : f32
      %jit3A_1462 = arith.constant 0.99999988 : f32
      %max3A_1463 = vector.broadcast %jit3A_1461 : f32 to vector<64x1xf32>
      %max3A_1464 = arith.maximumf %max3A_1463, %logistic3A_1460 : vector<64x1xf32>
      %min3A_1465 = vector.broadcast %jit3A_1462 : f32 to vector<64x1xf32>
      %min3A_1466 = arith.minimumf %min3A_1465, %max3A_1464 : vector<64x1xf32>
      %sub3A_1467 = arith.constant 1.000000e+00 : f32
      %sub3A_1468 = vector.broadcast %sub3A_1467 : f32 to vector<64x1xf32>
      %sub3A_1469 = arith.subf %sub3A_1468, %min3A_1466 : vector<64x1xf32>
      %log3A_1470 = math.log %sub3A_1469 : vector<64x1xf32>
      %neg3A_1471 = arith.constant 0.000000e+00 : f32
      %neg3A_1472 = vector.broadcast %neg3A_1471 : f32 to vector<64x1xf32>
      %neg3A_1473 = arith.subf %neg3A_1472, %log3A_1470 : vector<64x1xf32>
      %mul3A_1474 = arith.mulf %convert_element_type3A_1233, %neg3A_1473 : vector<64x1xf32>
      %reduce_sum3A_1475 = vector.shape_cast %mul3A_1474 : vector<64x1xf32> to vector<1x64x1xf32>
      %reduce_sum3A_1476 = arith.constant dense<0.000000e+00> : vector<1xf32>
      %reduce_sum3A_1477 = vector.multi_reduction <add>, %reduce_sum3A_1475, %reduce_sum3A_1476 [1, 2] : vector<1x64x1xf32> to vector<1xf32>
      %reduce_sum3A_1478 = vector.shape_cast %reduce_sum3A_1477 : vector<1xf32> to vector<1x1x1xf32>
      %reduce_sum3A_1479 = vector.extract %reduce_sum3A_1478[0, 0, 0] : f32 from vector<1x1x1xf32>
      %add3A_1480 = arith.addf %add3A_1446, %reduce_sum3A_1479 : f32
      %eq3A_1481 = arith.constant 2.000000e+00 : f32
      %eq3A_1482 = vector.broadcast %eq3A_1481 : f32 to vector<64x1xf32>
      %eq3A_1483 = arith.cmpf oeq, %slice3A_104, %eq3A_1482 : vector<64x1xf32>
      %convert_element_type3A_1484 = arith.extui %eq3A_1483 : vector<64x1xi1> to vector<64x1xi32>
      %convert_element_type3A_1485 = arith.sitofp %convert_element_type3A_1484 : vector<64x1xi32> to vector<64x1xf32>
      %mul3A_1486 = arith.mulf %convert_element_type3A_1485, %min3A_1466 : vector<64x1xf32>
      %add3A_1487 = arith.addf %add3A_1453, %mul3A_1486 : vector<64x1xf32>
      %slice3A_1488 = vector.extract_strided_slice %get3A_1176 {offsets = [0, 8], sizes = [64, 1], strides = [1, 1]} : vector<64x16xf32> to vector<64x1xf32>
      %logistic3A_1489 = arith.negf %slice3A_1488 : vector<64x1xf32>
      %logistic3A_1490 = math.exp %logistic3A_1489 : vector<64x1xf32>
      %logistic3A_1491 = arith.constant 1.000000e+00 : f32
      %logistic3A_1492 = vector.broadcast %logistic3A_1491 : f32 to vector<64x1xf32>
      %logistic3A_1493 = arith.addf %logistic3A_1492, %logistic3A_1490 : vector<64x1xf32>
      %logistic3A_1494 = arith.divf %logistic3A_1492, %logistic3A_1493 : vector<64x1xf32>
      %jit3A_1495 = arith.constant 1.000000e-07 : f32
      %jit3A_1496 = arith.constant 0.99999988 : f32
      %max3A_1497 = vector.broadcast %jit3A_1495 : f32 to vector<64x1xf32>
      %max3A_1498 = arith.maximumf %max3A_1497, %logistic3A_1494 : vector<64x1xf32>
      %min3A_1499 = vector.broadcast %jit3A_1496 : f32 to vector<64x1xf32>
      %min3A_1500 = arith.minimumf %min3A_1499, %max3A_1498 : vector<64x1xf32>
      %sub3A_1501 = arith.constant 1.000000e+00 : f32
      %sub3A_1502 = vector.broadcast %sub3A_1501 : f32 to vector<64x1xf32>
      %sub3A_1503 = arith.subf %sub3A_1502, %min3A_1500 : vector<64x1xf32>
      %log3A_1504 = math.log %sub3A_1503 : vector<64x1xf32>
      %neg3A_1505 = arith.constant 0.000000e+00 : f32
      %neg3A_1506 = vector.broadcast %neg3A_1505 : f32 to vector<64x1xf32>
      %neg3A_1507 = arith.subf %neg3A_1506, %log3A_1504 : vector<64x1xf32>
      %mul3A_1508 = arith.mulf %convert_element_type3A_1233, %neg3A_1507 : vector<64x1xf32>
      %reduce_sum3A_1509 = vector.shape_cast %mul3A_1508 : vector<64x1xf32> to vector<1x64x1xf32>
      %reduce_sum3A_1510 = arith.constant dense<0.000000e+00> : vector<1xf32>
      %reduce_sum3A_1511 = vector.multi_reduction <add>, %reduce_sum3A_1509, %reduce_sum3A_1510 [1, 2] : vector<1x64x1xf32> to vector<1xf32>
      %reduce_sum3A_1512 = vector.shape_cast %reduce_sum3A_1511 : vector<1xf32> to vector<1x1x1xf32>
      %reduce_sum3A_1513 = vector.extract %reduce_sum3A_1512[0, 0, 0] : f32 from vector<1x1x1xf32>
      %add3A_1514 = arith.addf %add3A_1480, %reduce_sum3A_1513 : f32
      %eq3A_1515 = arith.constant 3.000000e+00 : f32
      %eq3A_1516 = vector.broadcast %eq3A_1515 : f32 to vector<64x1xf32>
      %eq3A_1517 = arith.cmpf oeq, %slice3A_104, %eq3A_1516 : vector<64x1xf32>
      %convert_element_type3A_1518 = arith.extui %eq3A_1517 : vector<64x1xi1> to vector<64x1xi32>
      %convert_element_type3A_1519 = arith.sitofp %convert_element_type3A_1518 : vector<64x1xi32> to vector<64x1xf32>
      %mul3A_1520 = arith.mulf %convert_element_type3A_1519, %min3A_1500 : vector<64x1xf32>
      %add3A_1521 = arith.addf %add3A_1487, %mul3A_1520 : vector<64x1xf32>
      %slice3A_1522 = vector.extract_strided_slice %get3A_1176 {offsets = [0, 9], sizes = [64, 1], strides = [1, 1]} : vector<64x16xf32> to vector<64x1xf32>
      %logistic3A_1523 = arith.negf %slice3A_1522 : vector<64x1xf32>
      %logistic3A_1524 = math.exp %logistic3A_1523 : vector<64x1xf32>
      %logistic3A_1525 = arith.constant 1.000000e+00 : f32
      %logistic3A_1526 = vector.broadcast %logistic3A_1525 : f32 to vector<64x1xf32>
      %logistic3A_1527 = arith.addf %logistic3A_1526, %logistic3A_1524 : vector<64x1xf32>
      %logistic3A_1528 = arith.divf %logistic3A_1526, %logistic3A_1527 : vector<64x1xf32>
      %jit3A_1529 = arith.constant 1.000000e-07 : f32
      %jit3A_1530 = arith.constant 0.99999988 : f32
      %max3A_1531 = vector.broadcast %jit3A_1529 : f32 to vector<64x1xf32>
      %max3A_1532 = arith.maximumf %max3A_1531, %logistic3A_1528 : vector<64x1xf32>
      %min3A_1533 = vector.broadcast %jit3A_1530 : f32 to vector<64x1xf32>
      %min3A_1534 = arith.minimumf %min3A_1533, %max3A_1532 : vector<64x1xf32>
      %sub3A_1535 = arith.constant 1.000000e+00 : f32
      %sub3A_1536 = vector.broadcast %sub3A_1535 : f32 to vector<64x1xf32>
      %sub3A_1537 = arith.subf %sub3A_1536, %min3A_1534 : vector<64x1xf32>
      %log3A_1538 = math.log %sub3A_1537 : vector<64x1xf32>
      %neg3A_1539 = arith.constant 0.000000e+00 : f32
      %neg3A_1540 = vector.broadcast %neg3A_1539 : f32 to vector<64x1xf32>
      %neg3A_1541 = arith.subf %neg3A_1540, %log3A_1538 : vector<64x1xf32>
      %mul3A_1542 = arith.mulf %convert_element_type3A_1233, %neg3A_1541 : vector<64x1xf32>
      %reduce_sum3A_1543 = vector.shape_cast %mul3A_1542 : vector<64x1xf32> to vector<1x64x1xf32>
      %reduce_sum3A_1544 = arith.constant dense<0.000000e+00> : vector<1xf32>
      %reduce_sum3A_1545 = vector.multi_reduction <add>, %reduce_sum3A_1543, %reduce_sum3A_1544 [1, 2] : vector<1x64x1xf32> to vector<1xf32>
      %reduce_sum3A_1546 = vector.shape_cast %reduce_sum3A_1545 : vector<1xf32> to vector<1x1x1xf32>
      %reduce_sum3A_1547 = vector.extract %reduce_sum3A_1546[0, 0, 0] : f32 from vector<1x1x1xf32>
      %add3A_1548 = arith.addf %add3A_1514, %reduce_sum3A_1547 : f32
      %eq3A_1549 = arith.constant 4.000000e+00 : f32
      %eq3A_1550 = vector.broadcast %eq3A_1549 : f32 to vector<64x1xf32>
      %eq3A_1551 = arith.cmpf oeq, %slice3A_104, %eq3A_1550 : vector<64x1xf32>
      %convert_element_type3A_1552 = arith.extui %eq3A_1551 : vector<64x1xi1> to vector<64x1xi32>
      %convert_element_type3A_1553 = arith.sitofp %convert_element_type3A_1552 : vector<64x1xi32> to vector<64x1xf32>
      %mul3A_1554 = arith.mulf %convert_element_type3A_1553, %min3A_1534 : vector<64x1xf32>
      %add3A_1555 = arith.addf %add3A_1521, %mul3A_1554 : vector<64x1xf32>
      %slice3A_1556 = vector.extract_strided_slice %get3A_1176 {offsets = [0, 10], sizes = [64, 1], strides = [1, 1]} : vector<64x16xf32> to vector<64x1xf32>
      %logistic3A_1557 = arith.negf %slice3A_1556 : vector<64x1xf32>
      %logistic3A_1558 = math.exp %logistic3A_1557 : vector<64x1xf32>
      %logistic3A_1559 = arith.constant 1.000000e+00 : f32
      %logistic3A_1560 = vector.broadcast %logistic3A_1559 : f32 to vector<64x1xf32>
      %logistic3A_1561 = arith.addf %logistic3A_1560, %logistic3A_1558 : vector<64x1xf32>
      %logistic3A_1562 = arith.divf %logistic3A_1560, %logistic3A_1561 : vector<64x1xf32>
      %jit3A_1563 = arith.constant 1.000000e-07 : f32
      %jit3A_1564 = arith.constant 0.99999988 : f32
      %max3A_1565 = vector.broadcast %jit3A_1563 : f32 to vector<64x1xf32>
      %max3A_1566 = arith.maximumf %max3A_1565, %logistic3A_1562 : vector<64x1xf32>
      %min3A_1567 = vector.broadcast %jit3A_1564 : f32 to vector<64x1xf32>
      %min3A_1568 = arith.minimumf %min3A_1567, %max3A_1566 : vector<64x1xf32>
      %sub3A_1569 = arith.constant 1.000000e+00 : f32
      %sub3A_1570 = vector.broadcast %sub3A_1569 : f32 to vector<64x1xf32>
      %sub3A_1571 = arith.subf %sub3A_1570, %min3A_1568 : vector<64x1xf32>
      %log3A_1572 = math.log %sub3A_1571 : vector<64x1xf32>
      %neg3A_1573 = arith.constant 0.000000e+00 : f32
      %neg3A_1574 = vector.broadcast %neg3A_1573 : f32 to vector<64x1xf32>
      %neg3A_1575 = arith.subf %neg3A_1574, %log3A_1572 : vector<64x1xf32>
      %mul3A_1576 = arith.mulf %convert_element_type3A_1233, %neg3A_1575 : vector<64x1xf32>
      %reduce_sum3A_1577 = vector.shape_cast %mul3A_1576 : vector<64x1xf32> to vector<1x64x1xf32>
      %reduce_sum3A_1578 = arith.constant dense<0.000000e+00> : vector<1xf32>
      %reduce_sum3A_1579 = vector.multi_reduction <add>, %reduce_sum3A_1577, %reduce_sum3A_1578 [1, 2] : vector<1x64x1xf32> to vector<1xf32>
      %reduce_sum3A_1580 = vector.shape_cast %reduce_sum3A_1579 : vector<1xf32> to vector<1x1x1xf32>
      %reduce_sum3A_1581 = vector.extract %reduce_sum3A_1580[0, 0, 0] : f32 from vector<1x1x1xf32>
      %add3A_1582 = arith.addf %add3A_1548, %reduce_sum3A_1581 : f32
      %eq3A_1583 = arith.constant 5.000000e+00 : f32
      %eq3A_1584 = vector.broadcast %eq3A_1583 : f32 to vector<64x1xf32>
      %eq3A_1585 = arith.cmpf oeq, %slice3A_104, %eq3A_1584 : vector<64x1xf32>
      %convert_element_type3A_1586 = arith.extui %eq3A_1585 : vector<64x1xi1> to vector<64x1xi32>
      %convert_element_type3A_1587 = arith.sitofp %convert_element_type3A_1586 : vector<64x1xi32> to vector<64x1xf32>
      %mul3A_1588 = arith.mulf %convert_element_type3A_1587, %min3A_1568 : vector<64x1xf32>
      %add3A_1589 = arith.addf %add3A_1555, %mul3A_1588 : vector<64x1xf32>
      %slice3A_1590 = vector.extract_strided_slice %get3A_1176 {offsets = [0, 11], sizes = [64, 1], strides = [1, 1]} : vector<64x16xf32> to vector<64x1xf32>
      %logistic3A_1591 = arith.negf %slice3A_1590 : vector<64x1xf32>
      %logistic3A_1592 = math.exp %logistic3A_1591 : vector<64x1xf32>
      %logistic3A_1593 = arith.constant 1.000000e+00 : f32
      %logistic3A_1594 = vector.broadcast %logistic3A_1593 : f32 to vector<64x1xf32>
      %logistic3A_1595 = arith.addf %logistic3A_1594, %logistic3A_1592 : vector<64x1xf32>
      %logistic3A_1596 = arith.divf %logistic3A_1594, %logistic3A_1595 : vector<64x1xf32>
      %jit3A_1597 = arith.constant 1.000000e-07 : f32
      %jit3A_1598 = arith.constant 0.99999988 : f32
      %max3A_1599 = vector.broadcast %jit3A_1597 : f32 to vector<64x1xf32>
      %max3A_1600 = arith.maximumf %max3A_1599, %logistic3A_1596 : vector<64x1xf32>
      %min3A_1601 = vector.broadcast %jit3A_1598 : f32 to vector<64x1xf32>
      %min3A_1602 = arith.minimumf %min3A_1601, %max3A_1600 : vector<64x1xf32>
      %sub3A_1603 = arith.constant 1.000000e+00 : f32
      %sub3A_1604 = vector.broadcast %sub3A_1603 : f32 to vector<64x1xf32>
      %sub3A_1605 = arith.subf %sub3A_1604, %min3A_1602 : vector<64x1xf32>
      %log3A_1606 = math.log %sub3A_1605 : vector<64x1xf32>
      %neg3A_1607 = arith.constant 0.000000e+00 : f32
      %neg3A_1608 = vector.broadcast %neg3A_1607 : f32 to vector<64x1xf32>
      %neg3A_1609 = arith.subf %neg3A_1608, %log3A_1606 : vector<64x1xf32>
      %mul3A_1610 = arith.mulf %convert_element_type3A_1233, %neg3A_1609 : vector<64x1xf32>
      %reduce_sum3A_1611 = vector.shape_cast %mul3A_1610 : vector<64x1xf32> to vector<1x64x1xf32>
      %reduce_sum3A_1612 = arith.constant dense<0.000000e+00> : vector<1xf32>
      %reduce_sum3A_1613 = vector.multi_reduction <add>, %reduce_sum3A_1611, %reduce_sum3A_1612 [1, 2] : vector<1x64x1xf32> to vector<1xf32>
      %reduce_sum3A_1614 = vector.shape_cast %reduce_sum3A_1613 : vector<1xf32> to vector<1x1x1xf32>
      %reduce_sum3A_1615 = vector.extract %reduce_sum3A_1614[0, 0, 0] : f32 from vector<1x1x1xf32>
      %add3A_1616 = arith.addf %add3A_1582, %reduce_sum3A_1615 : f32
      %eq3A_1617 = arith.constant 6.000000e+00 : f32
      %eq3A_1618 = vector.broadcast %eq3A_1617 : f32 to vector<64x1xf32>
      %eq3A_1619 = arith.cmpf oeq, %slice3A_104, %eq3A_1618 : vector<64x1xf32>
      %convert_element_type3A_1620 = arith.extui %eq3A_1619 : vector<64x1xi1> to vector<64x1xi32>
      %convert_element_type3A_1621 = arith.sitofp %convert_element_type3A_1620 : vector<64x1xi32> to vector<64x1xf32>
      %mul3A_1622 = arith.mulf %convert_element_type3A_1621, %min3A_1602 : vector<64x1xf32>
      %add3A_1623 = arith.addf %add3A_1589, %mul3A_1622 : vector<64x1xf32>
      %slice3A_1624 = vector.extract_strided_slice %get3A_1176 {offsets = [0, 12], sizes = [64, 1], strides = [1, 1]} : vector<64x16xf32> to vector<64x1xf32>
      %logistic3A_1625 = arith.negf %slice3A_1624 : vector<64x1xf32>
      %logistic3A_1626 = math.exp %logistic3A_1625 : vector<64x1xf32>
      %logistic3A_1627 = arith.constant 1.000000e+00 : f32
      %logistic3A_1628 = vector.broadcast %logistic3A_1627 : f32 to vector<64x1xf32>
      %logistic3A_1629 = arith.addf %logistic3A_1628, %logistic3A_1626 : vector<64x1xf32>
      %logistic3A_1630 = arith.divf %logistic3A_1628, %logistic3A_1629 : vector<64x1xf32>
      %jit3A_1631 = arith.constant 1.000000e-07 : f32
      %jit3A_1632 = arith.constant 0.99999988 : f32
      %max3A_1633 = vector.broadcast %jit3A_1631 : f32 to vector<64x1xf32>
      %max3A_1634 = arith.maximumf %max3A_1633, %logistic3A_1630 : vector<64x1xf32>
      %min3A_1635 = vector.broadcast %jit3A_1632 : f32 to vector<64x1xf32>
      %min3A_1636 = arith.minimumf %min3A_1635, %max3A_1634 : vector<64x1xf32>
      %sub3A_1637 = arith.constant 1.000000e+00 : f32
      %sub3A_1638 = vector.broadcast %sub3A_1637 : f32 to vector<64x1xf32>
      %sub3A_1639 = arith.subf %sub3A_1638, %min3A_1636 : vector<64x1xf32>
      %log3A_1640 = math.log %sub3A_1639 : vector<64x1xf32>
      %neg3A_1641 = arith.constant 0.000000e+00 : f32
      %neg3A_1642 = vector.broadcast %neg3A_1641 : f32 to vector<64x1xf32>
      %neg3A_1643 = arith.subf %neg3A_1642, %log3A_1640 : vector<64x1xf32>
      %mul3A_1644 = arith.mulf %convert_element_type3A_1233, %neg3A_1643 : vector<64x1xf32>
      %reduce_sum3A_1645 = vector.shape_cast %mul3A_1644 : vector<64x1xf32> to vector<1x64x1xf32>
      %reduce_sum3A_1646 = arith.constant dense<0.000000e+00> : vector<1xf32>
      %reduce_sum3A_1647 = vector.multi_reduction <add>, %reduce_sum3A_1645, %reduce_sum3A_1646 [1, 2] : vector<1x64x1xf32> to vector<1xf32>
      %reduce_sum3A_1648 = vector.shape_cast %reduce_sum3A_1647 : vector<1xf32> to vector<1x1x1xf32>
      %reduce_sum3A_1649 = vector.extract %reduce_sum3A_1648[0, 0, 0] : f32 from vector<1x1x1xf32>
      %add3A_1650 = arith.addf %add3A_1616, %reduce_sum3A_1649 : f32
      %eq3A_1651 = arith.constant 7.000000e+00 : f32
      %eq3A_1652 = vector.broadcast %eq3A_1651 : f32 to vector<64x1xf32>
      %eq3A_1653 = arith.cmpf oeq, %slice3A_104, %eq3A_1652 : vector<64x1xf32>
      %convert_element_type3A_1654 = arith.extui %eq3A_1653 : vector<64x1xi1> to vector<64x1xi32>
      %convert_element_type3A_1655 = arith.sitofp %convert_element_type3A_1654 : vector<64x1xi32> to vector<64x1xf32>
      %mul3A_1656 = arith.mulf %convert_element_type3A_1655, %min3A_1636 : vector<64x1xf32>
      %add3A_1657 = arith.addf %add3A_1623, %mul3A_1656 : vector<64x1xf32>
      %log3A_1658 = math.log %add3A_1657 : vector<64x1xf32>
      %neg3A_1659 = arith.constant 0.000000e+00 : f32
      %neg3A_1660 = vector.broadcast %neg3A_1659 : f32 to vector<64x1xf32>
      %neg3A_1661 = arith.subf %neg3A_1660, %log3A_1658 : vector<64x1xf32>
      %sub3A_1662 = arith.constant 1.000000e+00 : f32
      %sub3A_1663 = vector.broadcast %sub3A_1662 : f32 to vector<64x1xf32>
      %sub3A_1664 = arith.subf %sub3A_1663, %add3A_1657 : vector<64x1xf32>
      %log3A_1665 = math.log %sub3A_1664 : vector<64x1xf32>
      %add3A_1666 = arith.addf %neg3A_1661, %log3A_1665 : vector<64x1xf32>
      %mul3A_1667 = arith.mulf %convert_element_type3A_1253, %add3A_1666 : vector<64x1xf32>
      %reduce_sum3A_1668 = vector.shape_cast %mul3A_1667 : vector<64x1xf32> to vector<1x64x1xf32>
      %reduce_sum3A_1669 = arith.constant dense<0.000000e+00> : vector<1xf32>
      %reduce_sum3A_1670 = vector.multi_reduction <add>, %reduce_sum3A_1668, %reduce_sum3A_1669 [1, 2] : vector<1x64x1xf32> to vector<1xf32>
      %reduce_sum3A_1671 = vector.shape_cast %reduce_sum3A_1670 : vector<1xf32> to vector<1x1x1xf32>
      %reduce_sum3A_1672 = vector.extract %reduce_sum3A_1671[0, 0, 0] : f32 from vector<1x1x1xf32>
      %add3A_1673 = arith.addf %add3A_1650, %reduce_sum3A_1672 : f32
      %max3A_1674 = arith.constant 1.000000e+00 : f32
      %max3A_1675 = arith.maximumf %reduce_sum3A_1258, %max3A_1674 : f32
      %add3A_1676 = arith.addf %reduce_sum3A_1335, %reduce_sum3A_1343 : f32
      %add3A_1677 = arith.addf %add3A_1676, %reduce_sum3A_1351 : f32
      %add3A_1678 = arith.addf %add3A_1677, %reduce_sum3A_1359 : f32
      %add3A_1679 = arith.addf %add3A_1678, %reduce_sum3A_1369 : f32
      %div3A_1680 = arith.divf %add3A_1679, %max3A_1675 : f32
      %add3A_1681 = arith.addf %add3A_1171, %div3A_1680 : f32
      %get3A_1682 = arith.constant 2 : index
      %get3A_1683 = memref.load %arg8[%get3A_1682] : memref<3xf32, #tpu.memory_space<smem>>
      %sub3A_1684 = arith.subf %get3A_1683, %reduce_sum3A_1382 : f32
      %mul3A_1685 = arith.constant 5.000000e-01 : f32
      %mul3A_1686 = arith.mulf %mul3A_1685, %sub3A_1684 : f32
      %sub3A_1687 = arith.constant 1.228800e+04 : f32
      %sub3A_1688 = arith.subf %sub3A_1687, %reduce_sum3A_1258 : f32
      %max3A_1689 = arith.constant 1.000000e+00 : f32
      %max3A_1690 = arith.maximumf %sub3A_1688, %max3A_1689 : f32
      %div3A_1691 = arith.divf %mul3A_1686, %max3A_1690 : f32
      %add3A_1692 = arith.addf %add3A_1681, %div3A_1691 : f32
      %mul3A_1693 = arith.constant 8.000000e+00 : f32
      %mul3A_1694 = arith.mulf %reduce_sum3A_1258, %mul3A_1693 : f32
      %max3A_1695 = arith.constant 1.000000e+00 : f32
      %max3A_1696 = arith.maximumf %mul3A_1694, %max3A_1695 : f32
      %div3A_1697 = arith.divf %add3A_1673, %max3A_1696 : f32
      %add3A_1698 = arith.addf %add3A_1692, %div3A_1697 : f32
      %broadcast_in_dim3A_1699 = vector.broadcast %add3A_1698 : f32 to vector<1x1xf32>
      %swap3A_1700 = arith.constant 0 : index
      %swap3A_1701 = arith.constant 0 : index
      %swap3A_1702 = vector.load %arg7[%swap3A_1700, %swap3A_1701] : memref<1x1xf32, #tpu.memory_space<vmem>>, vector<1x1xf32>
      tpu.vector_store %arg7[%swap3A_1700, %swap3A_1701], %broadcast_in_dim3A_1699 {strides = array<i32>} : memref<1x1xf32, #tpu.memory_space<vmem>>, vector<1x1xf32>,
    } else {
    }
    return
  }
  func.func @transform_0(%arg0: i32) -> i32 {
    %c0_i32 = arith.constant 0 : i32
    %c0_i32_0 = arith.constant 0 : i32
    return %c0_i32 : i32
  }
  func.func @transform_1(%arg0: i32) -> (i32, i32, i32, i32) {
    %mul3A = arith.constant 13 : i32
    %mul3A_0 = arith.muli %mul3A, %arg0 : i32
    %add3A = arith.constant 4 : i32
    %add3A_1 = arith.addi %add3A, %mul3A_0 : i32
    %c0_i32 = arith.constant 0 : i32
    %c0_i32_2 = arith.constant 0 : i32
    %c0_i32_3 = arith.constant 0 : i32
    %c0_i32_4 = arith.constant 0 : i32
    return %c0_i32, %add3A_1, %c0_i32_2, %c0_i32_3 : i32, i32, i32, i32
  }
  func.func @transform_2(%arg0: i32) -> (i32, i32, i32, i32) {
    %mul3A = arith.constant 13 : i32
    %mul3A_0 = arith.muli %mul3A, %arg0 : i32
    %add3A = arith.constant 4 : i32
    %add3A_1 = arith.addi %add3A, %mul3A_0 : i32
    %c0_i32 = arith.constant 0 : i32
    %c0_i32_2 = arith.constant 0 : i32
    %c0_i32_3 = arith.constant 0 : i32
    %c0_i32_4 = arith.constant 0 : i32
    return %c0_i32, %add3A_1, %c0_i32_2, %c0_i32_3 : i32, i32, i32, i32
  }
  func.func @transform_3(%arg0: i32) -> (i32, i32, i32, i32) {
    %mul3A = arith.constant 13 : i32
    %mul3A_0 = arith.muli %mul3A, %arg0 : i32
    %add3A = arith.constant 4 : i32
    %add3A_1 = arith.addi %add3A, %mul3A_0 : i32
    %c0_i32 = arith.constant 0 : i32
    %c0_i32_2 = arith.constant 0 : i32
    %c0_i32_3 = arith.constant 0 : i32
    %c0_i32_4 = arith.constant 0 : i32
    return %c0_i32, %add3A_1, %c0_i32_2, %c0_i32_3 : i32, i32, i32, i32
  }
  func.func @transform_4(%arg0: i32) -> (i32, i32) {
    %c0_i32 = arith.constant 0 : i32
    %c0_i32_0 = arith.constant 0 : i32
    %c0_i32_1 = arith.constant 0 : i32
    return %c0_i32, %c0_i32_0 : i32, i32
  }
  func.func @transform_5(%arg0: i32) -> (i32, i32, i32) {
    %c0_i32 = arith.constant 0 : i32
    %c0_i32_0 = arith.constant 0 : i32
    %c0_i32_1 = arith.constant 0 : i32
    %c0_i32_2 = arith.constant 0 : i32
    return %c0_i32, %c0_i32_0, %c0_i32_1 : i32, i32, i32
  }
  func.func @transform_6(%arg0: i32) -> (i32, i32) {
    %c0_i32 = arith.constant 0 : i32
    %c0_i32_0 = arith.constant 0 : i32
    %c0_i32_1 = arith.constant 0 : i32
    return %c0_i32, %c0_i32_0 : i32, i32
  }
}

</mosaic_0001>

<sc_bundles>
// kernel: kernel.4.cloned.1.call-start
scs
__scs_entry_jumppad:
0x0: {  	(pc) =	sbr.rel $0x88, $3  }
0x1: {  	(tag) =	ssettag $0x0;
	lr =	simm.s32 $0x1  }
0x2: {  	[smem:$0x3F9C] =	sst lr;
	_ =	strace $0xD0000000  }
0x3: {  	_ = 	snop  }
0x4: {  	_ = 	snop  }
0x5: {  	_ = 	snop  }
0x6: {  	_ = 	snop  }
0x7: {  	_ = 	snop  }
__scs_overlays_trampoline_lowered:
0x8: {  	[smem:$0x3FAB] =	sst s0  }
0x9: {  	[smem:$0x3FAC] =	sst s1  }
0xa: {  	[smem:$0x3FAD] =	sst s2  }
0xb: {  	[smem:$0x3FAE] =	sst s3  }
0xc: {  	[smem:$0x3FAF] =	sst s4  }
0xd: {  	[smem:$0x3FB0] =	sst s5  }
0xe: {  	[smem:$0x3FB1] =	sst s6  }
0xf: {  	[smem:$0x3FB2] =	sst s7  }
0x10: {  	[smem:$0x3FB3] =	sst s8  }
0x11: {  	[smem:$0x3FB4] =	sst s9;
	s0 =	simm.s32 @!p0 $0x0  }
0x12: {  	s1 =	sld [smem:$0x3F9A];
	s0 =	simm.s32 @p0 $0x1  }
0x13: {  	[smem:$0x3FB5] =	sst s0;
	s0 =	simm.s32 @!p1 $0x0  }
0x14: {  	s2 =	sld [smem:$0x3F99];
	s0 =	simm.s32 @p1 $0x1  }
0x15: {  	[smem:$0x3FB6] =	sst s0;
	s0 =	simm.s32 @!p2 $0x0  }
0x16: {  	s3 =	sld [smem:$0x3FDB];
	s0 =	simm.s32 @p2 $0x1  }
0x17: {  	s4 =	simm.s32 $0x1BF5;
	[smem:$0x3FB8] =	sst s0  }
0x18: {  	s0 =	sld [smem:$0x3F9B];
	_ =	swait.ge [sflag:s4], $0x0  }
0x19: {  	s7 =	sld [smem:$0x3F9C]  }
0x1a: {  	s8 =	sadd.s32 $0xFFFFE003, lr  }
0x1b: {  	s9 =	sadd.s32 $0xFFFFFEF7, lr;
	s5 =	simm.s32 $0xFFFFFFFF;
	p2 =	slt.u32 s8, $0xFFFFF086  }
0x1c: {  	p1 =	slt.u32 s9, $0xF7A;
	s5 =	simm.s32 @!p2 $0x0  }
0x1d: {  	s5 =	simm.s32 @p1 $0x1;
	p0 =	seq.s32 s7, s2  }
0x1e: {  	s7 =	smul.u32 @!p0 $0xF7A, s2;
	p2 =	seq.s32 @!p0 s5, $0x0  }
0x1f: {  	s9 =	smul.u32 $0xF7A, s1;
	s8 =	simm.s32 @!p0 $0x1BF5;
	p2 =	por !p2, p0  }
0x20: {  	[sflag:s8] =	ssyncset.s32 @!p0 $0xFFFFF086;
	s6 =	sadd.s32 @!p0 s3, s7;
	s7 =	simm.s32 @!p0 $0x108  }
0x21: {  	s3 =	sadd.s32 s3, s9;
	s6 =	sadd.s32 @!p0 $0x88, s6;
	s7 =	simm.s32 @p2 $0x1082  }
0x22: {  	[simem:s7], [sflag:s8] =	dma.local @!p0 [hbm:s6], $0xF7A  }
0x23: {  	s9 =	sor.u32 $0xD0000000, s2;
	s6 =	simm.s32 $0x108;
	_ =	swait.ge @!p0 [sflag:s8], $0x0  }
0x24: {  	s3 =	sadd.s32 $0x88, s3;
	s6 =	simm.s32 @!p1 $0x1082;
	[sflag:s4] =	ssyncset.s32 $0xFFFFF086  }
0x25: {  	[simem:s6], [sflag:s4] =	dma.local [hbm:s3], $0xF7A  }
0x26: {  	[smem:$0x3F9C] =	sst s1;
	(tag) =	ssettag s2;
	_ =	strace s9  }
0x27: {  	s1 =	sld [smem:$0x3FAC]  }
0x28: {  	s2 =	sld [smem:$0x3FAD]  }
0x29: {  	s4 =	sld [smem:$0x3FAF]  }
0x2a: {  	p0 =	seq.s32 s5, $0x0;
	s5 =	sld [smem:$0x3FB0]  }
0x2b: {  	s6 =	sld [smem:$0x3FB1]  }
0x2c: {  	s7 =	sld [smem:$0x3FB2]  }
0x2d: {  	s3 =	simm.s32 $0x108;
	s8 =	sld [smem:$0x3FB3]  }
0x2e: {  	s3 =	simm.s32 @!p0 $0x1082;
	s9 =	sld [smem:$0x3FB4]  }
0x2f: {  	lr =	sadd.s32 s0, s3;
	s0 =	sld [smem:$0x3FAB]  }
0x30: {  	s3 =	sld [smem:$0x3FAE]  }
0x31: {  	[smem:$0x3FB7] =	sst s10  }
0x32: {  	s10 =	sld [smem:$0x3FB5];
	_ =	sdelay $0x3  }
0x33: {  	p0 =	seq.s32 s10, $0x1;
	s10 =	sld [smem:$0x3FB7];
	_ =	sdelay $0x3  }
0x34: {  	[smem:$0x3FB7] =	sst s10  }
0x35: {  	s10 =	sld [smem:$0x3FB6];
	_ =	sdelay $0x3  }
0x36: {  	p1 =	seq.s32 s10, $0x1;
	s10 =	sld [smem:$0x3FB7];
	_ =	sdelay $0x3  }
0x37: {  	[smem:$0x3FB7] =	sst s10  }
0x38: {  	s10 =	sld [smem:$0x3FB8]  }
0x39: {  	_ = 	snop;
	(pc) =	sbr.ind lr, $3  }
0x3a: {  	_ = 	snop  }
0x3b: {  	_ = 	snop  }
0x3c: {  	p2 =	seq.s32 s10, $0x1;
	s10 =	sld [smem:$0x3FB7]  }
0x3d: {  	_ =	shalt  }
0x3e: {  	_ =	shalt  }
0x3f: {  	_ =	shalt  }
0x40: {  	_ =	shalt  }
0x41: {  	_ =	shalt  }
0x42: {  	_ =	shalt  }
0x43: {  	_ =	shalt  }
0x44: {  	_ =	shalt  }
0x45: {  	_ =	shalt  }
0x46: {  	_ =	shalt  }
0x47: {  	_ =	shalt  }
0x48: {  	_ =	shalt  }
0x49: {  	_ =	shalt  }
0x4a: {  	_ =	shalt  }
0x4b: {  	_ =	shalt  }
0x4c: {  	_ =	shalt  }
0x4d: {  	_ =	shalt  }
0x4e: {  	_ =	shalt  }
0x4f: {  	_ =	shalt  }
0x50: {  	_ =	shalt  }
0x51: {  	_ =	shalt  }
0x52: {  	_ =	shalt  }
0x53: {  	_ =	shalt  }
0x54: {  	_ =	shalt  }
0x55: {  	_ =	shalt  }
0x56: {  	_ =	shalt  }
0x57: {  	_ =	shalt  }
0x58: {  	_ =	shalt  }
0x59: {  	_ =	shalt  }
0x5a: {  	_ =	shalt  }
0x5b: {  	_ =	shalt  }
0x5c: {  	_ =	shalt  }
0x5d: {  	_ =	shalt  }
0x5e: {  	_ =	shalt  }
0x5f: {  	_ =	shalt  }
0x60: {  	_ =	shalt  }
0x61: {  	_ =	shalt  }
0x62: {  	_ =	shalt  }
0x63: {  	_ =	shalt  }
0x64: {  	_ =	shalt  }
0x65: {  	_ =	shalt  }
0x66: {  	_ =	shalt  }
0x67: {  	_ =	shalt  }
0x68: {  	_ =	shalt  }
0x69: {  	_ =	shalt  }
0x6a: {  	_ =	shalt  }
0x6b: {  	_ =	shalt  }
0x6c: {  	_ =	shalt  }
0x6d: {  	_ =	shalt  }
0x6e: {  	_ =	shalt  }
0x6f: {  	_ =	shalt  }
0x70: {  	_ =	shalt  }
0x71: {  	_ =	shalt  }
0x72: {  	_ =	shalt  }
0x73: {  	_ =	shalt  }
0x74: {  	_ =	shalt  }
0x75: {  	_ =	shalt  }
0x76: {  	_ =	shalt  }
0x77: {  	_ =	shalt  }
0x78: {  	_ =	shalt  }
0x79: {  	_ =	shalt  }
0x7a: {  	_ =	shalt  }
0x7b: {  	_ =	shalt  }
0x7c: {  	_ =	shalt  }
0x7d: {  	_ =	shalt  }
0x7e: {  	_ =	shalt  }
0x7f: {  	_ =	shalt  }
0x80: {  	_ =	shalt  }
0x81: {  	_ =	shalt  }
0x82: {  	_ =	shalt  }
0x83: {  	_ =	shalt  }
0x84: {  	_ =	shalt  }
0x85: {  	_ =	shalt  }
0x86: {  	_ =	shalt  }
0x87: {  	_ =	shalt  }
.Lfunc_end0:
.L_simem_size_0:
called_computation_lowered:
.L_overlay_start_0:
0x88: {  	s2 =	sld [smem:$0x3FD9]  }
0x89: {  	s3 =	sld [smem:$0x3FFE];
	_ =	sdelay $0x1  }
0x8a: {  	s1 =	srdreg.scid  }
0x8b: {  	s0 =	sand.u32 $0x1, s1  }
0x8c: {  	s17 =	sshll.u32 s0, $0xA;
	s2 =	sadd.s32 s3, s2  }
0x8d: {  	s2 =	sadd.s32 s2, s17  }
0x8e: {  	[smem:$0x3FC3] =	sst s2  }
0x8f: {  	_ = 	snop  }
0x90: {  	s2 =	sld [smem:$0x3FC9]  }
0x91: {  	s18 =	sld [smem:$0x3FD0];
	(tm) =	ssettm $0x1  }
0x92: {  	s4 =	sld [smem:$0x3FFB];
	_ =	sdelay $0x3  }
0x93: {  	_ =	strace s4  }
0x94: {  	s4 =	sld [smem:$0x3FFC];
	_ =	sdelay $0x3  }
0x95: {  	_ =	strace s4  }
0x96: {  	s4 =	sld [smem:$0x3FFD];
	_ =	sdelay $0x3  }
0x97: {  	_ =	strace s4  }
0x98: {  	_ =	strace $0x8FFFFFFF  }
0x99: {  	s19 =	sld [smem:$0x3FDB];
	_ =	sdelay $0x1  }
0x9a: {  	s5 =	simm.s32 $_scs_section_size  }
0x9b: {  	s6 =	simm.s32 $_size__tile_overlayer_lowered;
	s7 =	simm.s32 $_tile_overlayer_lowered  }
0x9c: {  	s22 =	simm.s32 $0x1BFF;
	s21 =	sshll.u32 s7, $0x1;
	s4 =	sadd.s32 s5, s19  }
0x9d: {  	s8 =	simm.s32 $0x0;
	s20 =	sshll.u32 s6, $0x1;
	s6 =	sadd.s32 s21, s4  }
0x9e: {  	[timem:s8], [sflag:s22] =	dma.local [hbm:s6], s20  }
0x9f: {  	_ =	swait.ge [sflag:s22], s20  }
0xa0: {  	s5 =	ssub.s32 $0x0, s20;
	[sflag:s22] =	ssyncset.done $0x0  }
0xa1: {  	[sflag:s22] =	ssyncadd.s32 s5;
	_ =	sdelay $0x1  }
0xa2: {  	s23 =	simm.s32 $0x1B8B  }
0xa3: {  	_ =	swait.ge [sflag:s23], $0x1  }
0xa4: {  	[sflag:s23] =	ssyncset.done $0x0  }
0xa5: {  	s25 =	simm.s32 $0x1B8E;
	s24 =	sld [smem:$0x3FFE];
	[sflag:s23] =	ssyncadd.s32 $0xFFFFFFFF  }
0xa6: {  	s26 =	simm.s32 $execute0_lowered;
	[smem:$0x3FD2] =	sst s25  }
0xa7: {  	s6 =	sshll.u32 s26, $0x1;
	_ =	strace $0x80000046;
	[dreg:$0x1] =	wrdreg $0xFFFFFFFF  }
0xa8: {  	s28 =	simm.s32 $_size_execute0_lowered;
	s4 =	sadd.s32 s4, s6;
	[dreg:$0x0] =	wrdreg $0x0  }
0xa9: {  	s6 =	sshll.u32 s28, $0x1;
	[dreg:$0x2] =	wrdreg s4  }
0xaa: {  	[dreg:$0x3] =	wrdreg s6  }
0xab: {  	[dreg:$0x4] =	wrdreg $0xC0  }
0xac: {  	_ =	task [dreg:s8], $0x5FFFF  }
0xad: {  	[dreg:$0x1] =	wrdreg $0xFFFFFFFF  }
0xae: {  	[dreg:$0x0] =	wrdreg $0x60  }
0xaf: {  	[dreg:$0x2] =	wrdreg s2  }
0xb0: {  	[dreg:$0x3] =	wrdreg s24  }
0xb1: {  	[dreg:$0x4] =	wrdreg s18  }
0xb2: {  	[dreg:$0x5] =	wrdreg $0x9  }
0xb3: {  	_ =	task.clear_ibuf [dreg:s8], $0x6FFFF;
	_ =	strace $0x90000046  }
0xb4: {  	s29 =	simm.s32 $0x9;
	_ =	strace $0x80000048  }
0xb5: {  	_ =	swait.ge [sflag:s29], $0x1  }
0xb6: {  	[sflag:s29] =	ssyncadd.s32 $0xFFFFFFFF  }
0xb7: {  	_ =	strace $0x90000048  }
0xb8: {  	_ =	sfence  }
0xb9: {  	s30 =	sld [smem:$0x0];
	_ =	sdelay $0x2  }
0xba: {  	s31 =	sshll.u32 s1, $0xD;
	s1 =	sshrl.u32 s1, $0x2  }
0xbb: {  	s3 =	sand.u32 $0x4000, s31;
	s1 =	sadd.s32 s1, s30  }
0xbc: {  	s0 =	sor.u32 s3, s0;
	s1 =	sshll.u32 s1, $0x11  }
0xbd: {  	s0 =	sor.u32 s1, s0  }
0xbe: {  	s0 =	sadd.s32 $0x8F2B, s0  }
0xbf: {  	[sflag:s0] =	ssyncadd.remote.s32 $0x1  }
0xc0: {  	_ =	sfence.sel $0xFFFF  }
0xc1: {  	[dreg:$0x0] =	wrdreg $0xFFFFFFFF;
	(pc) =	sbr.abs _section_cstart, $3  }
0xc2: {  	[dreg:$0x1] =	wrdreg $0xFFFFFFFF  }
0xc3: {  	_ =	task.clear_ibuf [dreg:s8], $0x2FFFF;
	_ =	strace $0x9FFFFFFF  }
0xc4: {  	(tm) =	ssettm $0x7FFFFFFF  }
0xc5: {  	_ =	shalt  }
tec
execute0_lowered:
.L_overlay_start_1:
0x0: {  	(tag) =	ssettag $0x1  }
0x1: {  	s1 =	rddreg [dreg:$0x0]  }
0x2: {  	s2 =	srdreg.scid;
	s7 =	rddreg [dreg:$0x1]  }
0x3: {  	s0 =	stileid.u32;
	s26 =	rddreg [dreg:$0x2];
	v3 =	vimm.s32 $0x600;
	vm0 =	vcmask $0x300  }
0x4: {  	s3 =	simm.s32 $0x0;
	s6 =	sand.u32 $0x1, s2;
	s25 =	sshll.u32 s0, $0x1;
	v4 =	vsel vm0, $0x0, v3;
	vm0 =	vcmask $0x704  }
0x5: {  	s11 =	simm.s32 $0x200;
	s12 =	simm.s32 $0x1000;
	s8 =	sor.u32 s6, s25;
	v5 =	vsel vm0, $0x80, v4;
	vm0 =	vcmask $0xB08  }
0x6: {  	s13 =	simm.s32 $0xA00;
	s14 =	simm.s32 $0x800;
	s9 =	smul.u32 $0xC, s8;
	v6 =	vsel vm0, $0x100, v5;
	vm0 =	vcmask $0xF0C  }
0x7: {  	s15 =	simm.s32 $0x1200;
	s16 =	simm.s32 $0x1A00;
	s17 =	simm.s32 $0x2200;
	v7 =	vsel vm0, $0x180, v6;
	vm0 =	vcmask $0x1310  }
0x8: {  	s18 =	simm.s32 $0x2A00;
	s19 =	simm.s32 $0x1;
	[dreg:$0x5] =	wrdreg s26;
	v0 =	vmov s9;
	v8 =	vsel vm0, $0x200, v7;
	vm0 =	vcmask $0x1714  }
0x9: {  	s20 =	simm.s32 $0x3200;
	s2 =	rddreg [dreg:$0x3];
	s28 =	sadd.s32 $0x6, s9;
	v1 =	vor.u32 $0x2, v0;
	v2 =	vor.u32 $0x3, v0;
	v3 =	vadd.s32 $0x4, v0  }
0xa: {  	s21 =	simm.s32 $0x3280;
	s22 =	simm.s32 $0x3300;
	[smem:$0x7FF] =	sst s3;
	v4 =	vadd.s32 $0x5, v0;
	v5 =	vmov s28;
	v9 =	vsel vm0, $0x280, v8  }
0xb: {  	s4 =	sadd.s32 $0x28000, s7;
	s5 =	sadd.s32 $0x1000, s7;
	s10 =	sadd.s32 $0xE00, s7;
	vm0 =	vcmask $0x1B18;
	v6 =	vadd.s32 $0x2, v5;
	v7 =	vadd.s32 $0x3, v5  }
0xc: {  	_ =	strace $0x80000047;
	s6 =	ssub.s32 $0x2, s6;
	s8 =	sshll.u32 s8, $0x2;
	v8 =	vadd.s32 $0x4, v5;
	v10 =	vsel vm0, $0x300, v9;
	vm0 =	vcmask $0x1F1C  }
0xd: {  	[dreg:$0x4] =	wrdreg s10;
	s30 =	sshrl.u32 s6, $0x1;
	s7 =	sadd.s32 s8, s7;
	v9 =	vadd.s32 $0x5, v5;
	v11 =	vsel vm0, $0x380, v10;
	vm0 =	vcmask $0x2320  }
0xe: {  	s10 =	simm.s32 $0x2000;
	s6 =	ssub.s32 s6, s30;
	s29 =	sadd.s32 $0x76000, s7;
	v10 =	vimm.s32 $0x1;
	v12 =	vsel vm0, $0x400, v11;
	vm0 =	vcmask $0x2724  }
0xf: {  	s8 =	simm.s32 $0x180;
	s31 =	sadd.s32 $0x76080, s7;
	[dreg:$0x6] =	wrdreg s29;
	v11 =	vimm.s32 $0x2;
	v12 =	vsel vm0, $0x480, v12;
	vm0 =	vcmask $0x2B28  }
0x10: {  	s7 =	sadd.s32 $0x76100, s7;
	s6 =	smax.u32 s6, $0x1;
	[dreg:$0x7] =	wrdreg s31;
	v13 =	vsel vm0, $0x500, v12;
	vm0 =	vcmask $0x2F2C;
	v12 =	vlaneseq.u32  }
0x11: {  	s9 =	simm.s32 $0x80;
	[dreg:$0x8] =	wrdreg s7;
	s7 =	simm.s32 $0x2;
	v13 =	vsel vm0, $0x580, v13;
	vm0 =	vcmask $0x3338;
	v14 =	vor.u32 $0x10, v12  }
.LBB2_1:
0x12: {  	s23 =	rddreg [dreg:$0x4]  }
0x13: {  	[tilespmem:s3], [sflag:$0x2] =	stream.linear.gather [hbm4b:s23+s3], $0x180, $0x38;
	[tilespmem:$0x3380] =	vst v63  }
0x14: {  	_ =	swait.ge [sflag:s7], $0x180  }
0x15: {  	[sflag:s7] =	ssyncset.done $0x0  }
0x16: {  	s29 =	rddreg [dreg:$0x5];
	[sflag:s7] =	ssyncadd.s32 $0xFFFFFE80  }
0x17: {  	[tilespmem:s8], [sflag:$0x2] =	stream.linear.gather [hbm4b:s29+s3], $0x80, $0x38;
	[tilespmem:$0x3380] =	vst v63  }
0x18: {  	_ =	swait.ge [sflag:s7], $0x80  }
0x19: {  	[sflag:s7] =	ssyncset.done $0x0  }
0x1a: {  	[sflag:s7] =	ssyncadd.s32 $0xFFFFFF80  }
0x1b: {  	v19 =	vld.msk [tilespmem:s8+$0x0], $0xffff  }
0x1c: {  	v20 =	vld.idx.msk [tilespmem:v10+s8+$0x0], $0xffff  }
0x1d: {  	v15 =	vld.idx.msk [tilespmem:v3+s3+$0x0], $0xffff  }
0x1e: {  	v16 =	vld.idx.msk [tilespmem:v4+s3+$0x0], $0xffff;
	_ =	sdelay $0x4  }
0x1f: {  	v17 =	vmul.f32 v15, v19;
	v16 =	vmul.f32 v16, v20;
	_ =	sdelay $0x1  }
0x20: {  	v18 =	vmul.f32 v16, v17;
	v15 =	vmin.f32 v17, $6.400000000e+02  }
0x21: {  	v21 =	vmin.f32 v16, $8.320000000e+02;
	v22 =	vmin.f32 v17, $1.024000000e+03;
	v23 =	vmin.f32 v16, $1.920000000e+03  }
0x22: {  	v24 =	vmin.f32 v17, $2.112000000e+03;
	v15 =	vmul.f32 v21, v15;
	v33 =	vadd.f32 $5.324800000e+05, v18  }
0x23: {  	v25 =	vmin.f32 v16, $1.472000000e+03;
	v22 =	vmul.f32 v23, v22;
	v34 =	vadd.f32 $1.966080000e+06, v18  }
0x24: {  	v24 =	vmul.f32 v25, v24;
	v35 =	vadd.f32 $3.108864000e+06, v18;
	v21 =	vsub.f32 v33, v15  }
0x25: {  	v23 =	vsub.f32 v34, v22  }
0x26: {  	v25 =	vsub.f32 v35, v24;
	v21 =	vadd.f32 $1.000000020e-16, v21  }
0x27: {  	v23 =	vadd.f32 $1.000000020e-16, v23  }
0x28: {  	v36 =	vadd.f32 $1.000000020e-16, v25;
	(erf) = vrcp.f32 v21  }
0x29: {  	(erf) = vrcp.f32 v23  }
0x2a: {  	(erf) = vrcp.f32 v36  }
0x2b: {  	v42 =	vld.idx.msk [tilespmem:v2+s3+$0x0], $0xffff;
	_ =	sdelay $0x4  }
0x2c: {  	v45 =	vmul.f32 $6.400000000e+01, v42;
	v41 =	vmin.f32 v17, $9.600000000e+02;
	v26 =	vmin.f32 v16, $1.952000000e+03  }
0x2d: {  	v27 =	vmin.f32 v17, $1.984000000e+03;
	v28 =	vmin.f32 v16, $1.440000000e+03;
	v30 =	vmin.f32 v17, $1.888000000e+03;
	v38 =	vpop (erf)  }
0x2e: {  	v31 =	vmin.f32 v16, $3.808000000e+03;
	v50 =	vmin.f32 v17, $1.856000000e+03;
	v51 =	vmin.f32 v17, $2.496000000e+03;
	v39 =	vpop (erf)  }
0x2f: {  	v52 =	vmin.f32 v16, $3.168000000e+03;
	v17 =	vmin.f32 v17, $5.968000000e+03;
	v27 =	vmul.f32 v28, v27;
	v40 =	vpop (erf)  }
0x30: {  	v43 =	vadd.f32 $1.873920000e+06, v18;
	v23 =	vmul.f32 v40, v24;
	v24 =	vmul.f32 v26, v41  }
0x31: {  	v29 =	vadd.f32 $2.856960000e+06, v18;
	v15 =	vmul.f32 v38, v15;
	v22 =	vmul.f32 v39, v22  }
0x32: {  	v30 =	vmul.f32 v31, v30;
	v44 =	vadd.f32 $7.189504000e+06, v18;
	v26 =	vsub.f32 v43, v24  }
0x33: {  	vm1 =	vge.f32 v15, v22;
	vm2 =	vge.f32 v15, v23;
	v15 =	vsub.f32 v29, v27  }
0x34: {  	v37 =	vld.idx.msk [tilespmem:v0+s3+$0x0], $0xffff;
	v16 =	vmin.f32 v16, $5.216000000e+03;
	v31 =	vsub.f32 v44, v30;
	v26 =	vadd.f32 $1.000000020e-16, v26  }
0x35: {  	v17 =	vmul.f32 v16, v17;
	v55 =	vadd.f32 $3.112908800e+07, v18;
	v15 =	vadd.f32 $1.000000020e-16, v15  }
0x36: {  	v47 =	vadd.f32 $1.000000020e-16, v31;
	(erf) = vrcp.f32 v26  }
0x37: {  	v46 =	vtrunc.f32 v45;
	v16 =	vsub.f32 v55, v17;
	(erf) = vrcp.f32 v15  }
0x38: {  	v53 =	vadd.f32 $2.672640000e+06, v18;
	v54 =	vadd.f32 $7.907328000e+06, v18;
	(erf) = vrcp.f32 v47  }
0x39: {  	v16 =	vadd.f32 $1.000000020e-16, v16;
	v31 =	vmul.f32 $3.200000000e+01, v42;
	v21 =	vtrunc.f32 v37  }
0x3a: {  	vm1 =	vmand vm1, vm2;
	vm2 =	vge.f32 v22, v23;
	v26 =	vmul.f32 v28, v50  }
0x3b: {  	v29 =	vmul.f32 v52, v51;
	v22 =	vcvt.f32.s32 v46;
	v48 =	vsel vm2, $0x1, v11  }
0x3c: {  	v21 =	vcvt.f32.s32 v21;
	v15 =	vsel vm1, $0x0, v48;
	v28 =	vsub.f32 v53, v26  }
0x3d: {  	v57 =	vsub.f32 v54, v29;
	vm1 =	vgt.s32 v22, $0x0;
	v49 =	vmul.u32 $0xD, v15  }
0x3e: {  	v21 =	vxor.u32 $0x80000000, v21;
	v22 =	vnsel vm1, $0x0, v22;
	v28 =	vadd.f32 $1.000000020e-16, v28  }
0x3f: {  	(xrf0) =	vmax.scan.msk.u32 $0xffff, v21;
	v23 =	vadd.f32 $1.000000020e-16, v57;
	v22 =	vmin.u32 v22, $0x3F;
	v56 =	vor.u32 $0x80000000, v49;
	v58 =	vpop (erf)  }
0x40: {  	v59 =	vor.u32 $0x80000000, v22;
	(xrf0) =	vmax.scan.msk.u32 $0xffff, v56;
	(erf) = vrcp.f32 v28;
	v60 =	vmul.f32 v58, v24;
	v61 =	vpop (erf)  }
0x41: {  	(xrf0) =	vmax.scan.msk.u32 $0xffff, v59;
	(erf) = vrcp.f32 v23;
	v62 =	vmul.f32 v61, v27;
	v63 =	vpop (erf)  }
0x42: {  	(erf) = vrcp.f32 v16;
	v30 =	vmul.f32 v63, v30  }
0x43: {  	v32 =	vtrunc.f32 v31  }
0x44: {  	vm1 =	vge.f32 v60, v62;
	vm2 =	vge.f32 v60, v30;
	vm3 =	vge.f32 v62, v30  }
0x45: {  	v34 =	vcvt.f32.s32 v32;
	v33, _, _ =	vpop (xrf0);
	vm1 =	vmand vm1, vm2;
	v21 =	vsel vm3, $0x1, v11  }
0x46: {  	(v2sf) =	vpush v33, $0xF;
	v35, _, _ =	vpop (xrf0);
	v16 =	vsel vm1, $0x0, v21  }
0x47: {  	(v2sf) =	vpush v35, $0xF;
	v36, _, _ =	vpop (xrf0);
	vm1 =	vgt.s32 v34, $0x0;
	v21 =	vmul.u32 $0xD, v16  }
0x48: {  	(v2sf) =	vpush v36, $0xF;
	v37 =	vnsel vm1, $0x0, v34  }
0x49: {  	v18 =	vmin.u32 v37, $0x1F;
	v38 =	vpop (erf);
	v21 =	vor.u32 $0x80000000, v21  }
0x4a: {  	v18 =	vor.u32 $0x80000000, v18;
	v39 =	vpop (erf);
	(xrf0) =	vmax.scan.msk.u32 $0xffff, v21  }
0x4b: {  	v42 =	vmul.f32 $1.600000000e+01, v42;
	v40 =	vmul.f32 v38, v26;
	v41 =	vpop (erf);
	(xrf0) =	vmax.scan.msk.u32 $0xffff, v18  }
0x4c: {  	v21 =	vmul.f32 v39, v29;
	v17 =	vmul.f32 v41, v17  }
0x4d: {  	v43 =	vtrunc.f32 v42  }
0x4e: {  	vm1 =	vge.f32 v40, v21;
	vm2 =	vge.f32 v40, v17;
	vm3 =	vge.f32 v21, v17  }
0x4f: {  	v45 =	vcvt.f32.s32 v43;
	vm1 =	vmand vm1, vm2;
	v44 =	vsel vm3, $0x1, v11  }
0x50: {  	v17 =	vsel vm1, $0x0, v44;
	v46, _, _ =	vpop (xrf0)  }
0x51: {  	vm1 =	vgt.s32 v45, $0x0;
	v48 =	vmul.u32 $0xD, v17;
	(v2sf) =	vpush v46, $0xF;
	v47, _, _ =	vpop (xrf0)  }
0x52: {  	v49 =	vnsel vm1, $0x0, v45;
	(v2sf) =	vpush v47, $0xF  }
0x53: {  	v18 =	vmin.u32 v49, $0xF;
	v50 =	vor.u32 $0x80000000, v48  }
0x54: {  	v18 =	vor.u32 $0x80000000, v18;
	(xrf0) =	vmax.scan.msk.u32 $0xffff, v50  }
0x55: {  	s30 =	spop (v2sf);
	(xrf0) =	vmax.scan.msk.u32 $0xffff, v18  }
0x56: {  	s24 =	spop (v2sf)  }
0x57: {  	s23 =	sxor.u32 $0x80000000, s30;
	s25 =	spop (v2sf)  }
0x58: {  	s26 =	smul.u32 $0x4E000, s23;
	s25 =	sshll.u32 s25, $0x7  }
0x59: {  	s28 =	sand.u32 $0xFFFFFC00, s25  }
0x5a: {  	s25 =	sand.u32 $0x380, s25;
	s26 =	sadd.s32 s26, s28;
	v51, _, _ =	vpop (xrf0)  }
0x5b: {  	s24 =	sshll.u32 s24, $0xD;
	s25 =	sor.u32 s25, s26;
	(v2sf) =	vpush v51, $0xF;
	v52, _, _ =	vpop (xrf0)  }
0x5c: {  	s24 =	sadd.s32 s24, s25;
	(v2sf) =	vpush v52, $0xF  }
0x5d: {  	s24 =	sshrl.u32 s24, $0x3  }
0x5e: {  	s24 =	sadd.s32 s1, s24  }
0x5f: {  	v18 =	vld.idx.msk [tilespmem:v1+s3+$0x0], $0xffff;
	[tilespmem:s11], [sflag:$0x1] =	stream.strided.gather [hbm4b:s24+s9], $0x680, s10, s9, $0x38  }
0x60: {  	s31 =	spop (v2sf)  }
0x61: {  	s28 =	spop (v2sf)  }
0x62: {  	s29 =	smul.u32 $0x27000, s23;
	s25 =	sshll.u32 s28, $0x7  }
0x63: {  	s30 =	sand.u32 $0xFFFFFC00, s25  }
0x64: {  	s25 =	sand.u32 $0x380, s25;
	s26 =	sadd.s32 s29, s30  }
0x65: {  	s24 =	sshll.u32 s31, $0xC;
	s25 =	sor.u32 s25, s26  }
0x66: {  	s24 =	sadd.s32 s24, s25  }
0x67: {  	s24 =	sshrl.u32 s24, $0x3  }
0x68: {  	s24 =	sadd.s32 s4, s24  }
0x69: {  	[tilespmem:s13], [sflag:$0x1] =	stream.strided.gather [hbm4b:s24+s9], $0x680, s12, s9, $0x38;
	[tilespmem:$0x3380] =	vst v63  }
0x6a: {  	s31 =	spop (v2sf)  }
0x6b: {  	s28 =	spop (v2sf)  }
0x6c: {  	s23 =	smul.u32 $0x13800, s23;
	s25 =	sshll.u32 s28, $0x7  }
0x6d: {  	s29 =	sand.u32 $0xFFFFFC00, s25  }
0x6e: {  	s25 =	sand.u32 $0x380, s25;
	s23 =	sadd.s32 s23, s29  }
0x6f: {  	s24 =	sshll.u32 s31, $0xB;
	s23 =	sor.u32 s25, s23  }
0x70: {  	s23 =	sadd.s32 s24, s23  }
0x71: {  	s23 =	sshrl.u32 s23, $0x3  }
0x72: {  	s23 =	sadd.s32 s5, s23  }
0x73: {  	[tilespmem:s15], [sflag:$0x1] =	stream.strided.gather [hbm4b:s23+s9], $0x680, s14, s9, $0x38;
	[tilespmem:$0x3380] =	vst v63  }
0x74: {  	v53 =	vld.idx.msk [tilespmem:v8+s3+$0x0], $0xffff  }
0x75: {  	v54 =	vld.idx.msk [tilespmem:v9+s3+$0x0], $0xffff;
	_ =	sdelay $0x4  }
0x76: {  	v19 =	vmul.f32 v53, v19;
	v20 =	vmul.f32 v54, v20;
	_ =	sdelay $0x1  }
0x77: {  	v21 =	vmul.f32 v20, v19;
	v55 =	vmin.f32 v19, $6.400000000e+02  }
0x78: {  	v31 =	vld.idx.msk [tilespmem:v5+s3+$0x0], $0xffff;
	v56 =	vmin.f32 v20, $8.320000000e+02;
	v58 =	vmin.f32 v19, $1.024000000e+03;
	v59 =	vmin.f32 v20, $1.920000000e+03  }
0x79: {  	v61 =	vmin.f32 v19, $2.112000000e+03;
	v22 =	vmul.f32 v56, v55;
	v57 =	vadd.f32 $5.324800000e+05, v21  }
0x7a: {  	v62 =	vmin.f32 v20, $1.472000000e+03;
	v24 =	vmul.f32 v59, v58;
	v60 =	vadd.f32 $1.966080000e+06, v21  }
0x7b: {  	v26 =	vmul.f32 v62, v61;
	v63 =	vadd.f32 $3.108864000e+06, v21;
	v23 =	vsub.f32 v57, v22  }
0x7c: {  	v25 =	vsub.f32 v60, v24  }
0x7d: {  	v32 =	vtrunc.f32 v31;
	v27 =	vsub.f32 v63, v26;
	v23 =	vadd.f32 $1.000000020e-16, v23  }
0x7e: {  	v35 =	vmin.f32 v19, $9.600000000e+02;
	v36 =	vmin.f32 v20, $1.952000000e+03;
	v25 =	vadd.f32 $1.000000020e-16, v25  }
0x7f: {  	v40 =	vmin.f32 v19, $1.984000000e+03;
	v30 =	vadd.f32 $1.000000020e-16, v27;
	(erf) = vrcp.f32 v23  }
0x80: {  	v47 =	vld.idx.msk [tilespmem:v7+s3+$0x0], $0xffff;
	v37 =	vmul.f32 v36, v35;
	v39 =	vadd.f32 $1.873920000e+06, v21;
	(erf) = vrcp.f32 v25  }
0x81: {  	v41 =	vmin.f32 v20, $1.440000000e+03;
	v44 =	vmin.f32 v19, $1.888000000e+03;
	(erf) = vrcp.f32 v30  }
0x82: {  	v42 =	vmul.f32 v41, v40;
	v43 =	vadd.f32 $2.856960000e+06, v21;
	v28 =	vsub.f32 v39, v37  }
0x83: {  	v45 =	vadd.f32 $7.189504000e+06, v21;
	v23 =	vcvt.f32.s32 v32;
	v32 =	vmin.f32 v20, $3.808000000e+03  }
0x84: {  	v29 =	vsub.f32 v43, v42;
	v46 =	vadd.f32 $1.000000020e-16, v28;
	v31 =	vmul.f32 v32, v44  }
0x85: {  	v51 =	vmin.f32 v19, $2.496000000e+03;
	v52 =	vmin.f32 v20, $3.168000000e+03;
	v56 =	vmul.f32 $6.400000000e+01, v47  }
0x86: {  	v29 =	vadd.f32 $1.000000020e-16, v29;
	v32 =	vsub.f32 v45, v31;
	(erf) = vrcp.f32 v46  }
0x87: {  	v48 =	vmin.f32 v19, $1.856000000e+03;
	v53 =	vmul.f32 v52, v51;
	v50 =	vadd.f32 $2.672640000e+06, v21  }
0x88: {  	v58 =	vtrunc.f32 v56;
	(erf) = vrcp.f32 v29;
	v49 =	vadd.f32 $1.000000020e-16, v32;
	v33 =	vpop (erf)  }
0x89: {  	v54 =	vadd.f32 $7.907328000e+06, v21;
	v57 =	vadd.f32 $3.112908800e+07, v21;
	v21 =	vcvt.f32.s32 v58;
	v34 =	vpop (erf)  }
0x8a: {  	v19 =	vmin.f32 v19, $5.968000000e+03;
	(erf) = vrcp.f32 v49;
	v22 =	vmul.f32 v33, v22;
	v38 =	vpop (erf)  }
0x8b: {  	v20 =	vmin.f32 v20, $5.216000000e+03;
	v24 =	vmul.f32 v34, v24;
	v26 =	vmul.f32 v38, v26  }
0x8c: {  	v23 =	vxor.u32 $0x80000000, v23;
	v30 =	vmul.f32 $3.200000000e+01, v47;
	v29 =	vsub.f32 v54, v53  }
0x8d: {  	vm1 =	vge.f32 v22, v24;
	vm2 =	vge.f32 v22, v26;
	v22 =	vmul.f32 v41, v48  }
0x8e: {  	v33 =	vmul.f32 v20, v19;
	vm1 =	vmand vm1, vm2;
	vm2 =	vge.f32 v24, v26  }
0x8f: {  	v29 =	vadd.f32 $1.000000020e-16, v29;
	v60 =	vpop (erf);
	v55 =	vsel vm2, $0x1, v11;
	v26 =	vsub.f32 v50, v22  }
0x90: {  	v20 =	vsub.f32 v57, v33;
	v25 =	vmul.f32 v60, v37;
	v19 =	vsel vm1, $0x0, v55  }
0x91: {  	v61 =	vpop (erf);
	vm1 =	vgt.s32 v21, $0x0;
	v26 =	vadd.f32 $1.000000020e-16, v26;
	v59 =	vmul.u32 $0xD, v19  }
0x92: {  	(xrf0) =	vmax.scan.msk.u32 $0xffff, v23;
	v20 =	vadd.f32 $1.000000020e-16, v20;
	v23 =	vmul.f32 v61, v42;
	v21 =	vnsel vm1, $0x0, v21  }
0x93: {  	v62 =	vpop (erf);
	v21 =	vmin.u32 v21, $0x3F;
	(erf) = vrcp.f32 v26;
	v26 =	vor.u32 $0x80000000, v59  }
0x94: {  	v63 =	vor.u32 $0x80000000, v21;
	(erf) = vrcp.f32 v29;
	(xrf0) =	vmax.scan.msk.u32 $0xffff, v26;
	v29 =	vmul.f32 v62, v31  }
0x95: {  	vm1 =	vge.f32 v25, v23;
	(erf) = vrcp.f32 v20;
	(xrf0) =	vmax.scan.msk.u32 $0xffff, v63  }
0x96: {  	v31 =	vtrunc.f32 v30;
	vm2 =	vge.f32 v25, v29;
	vm3 =	vge.f32 v23, v29  }
0x97: {  	v34 =	vcvt.f32.s32 v31;
	vm1 =	vmand vm1, vm2;
	v23 =	vsel vm3, $0x1, v11  }
0x98: {  	v36 =	vsel vm1, $0x0, v23  }
0x99: {  	v32, _, _ =	vpop (xrf0);
	vm1 =	vgt.s32 v34, $0x0;
	v38 =	vmul.u32 $0xD, v36  }
0x9a: {  	v25 =	vnsel vm1, $0x0, v34;
	v39, _, _ =	vpop (xrf0)  }
0x9b: {  	(v2sf) =	vpush v32, $0xF;
	v25 =	vmin.u32 v25, $0x1F;
	v40, _, _ =	vpop (xrf0);
	v27 =	vor.u32 $0x80000000, v38  }
0x9c: {  	(v2sf) =	vpush v39, $0xF;
	v25 =	vor.u32 $0x80000000, v25;
	v35 =	vpop (erf);
	(xrf0) =	vmax.scan.msk.u32 $0xffff, v27  }
0x9d: {  	(v2sf) =	vpush v40, $0xF;
	v37 =	vpop (erf);
	(xrf0) =	vmax.scan.msk.u32 $0xffff, v25  }
0x9e: {  	v44 =	vmul.f32 $1.600000000e+01, v47;
	v22 =	vmul.f32 v35, v22;
	v41 =	vpop (erf)  }
0x9f: {  	v42 =	vmul.f32 v37, v53;
	v43 =	vmul.f32 v41, v33  }
0xa0: {  	v45 =	vtrunc.f32 v44  }
0xa1: {  	vm1 =	vge.f32 v22, v42;
	vm2 =	vge.f32 v22, v43;
	vm3 =	vge.f32 v42, v43  }
0xa2: {  	v22 =	vcvt.f32.s32 v45;
	vm1 =	vmand vm1, vm2;
	v21 =	vsel vm3, $0x1, v11;
	v46, _, _ =	vpop (xrf0)  }
0xa3: {  	v21 =	vsel vm1, $0x0, v21;
	(v2sf) =	vpush v46, $0xF;
	v48, _, _ =	vpop (xrf0)  }
0xa4: {  	vm1 =	vgt.s32 v22, $0x0;
	v47 =	vmul.u32 $0xD, v21;
	(v2sf) =	vpush v48, $0xF  }
0xa5: {  	v22 =	vnsel vm1, $0x0, v22  }
0xa6: {  	v22 =	vmin.u32 v22, $0xF;
	v49 =	vor.u32 $0x80000000, v47  }
0xa7: {  	v22 =	vor.u32 $0x80000000, v22;
	(xrf0) =	vmax.scan.msk.u32 $0xffff, v49  }
0xa8: {  	(xrf0) =	vmax.scan.msk.u32 $0xffff, v22;
	_ =	sdelay $0x1  }
0xa9: {  	s30 =	spop (v2sf)  }
0xaa: {  	s31 =	spop (v2sf)  }
0xab: {  	s23 =	sxor.u32 $0x80000000, s30;
	s28 =	spop (v2sf)  }
0xac: {  	s29 =	smul.u32 $0x4E000, s23;
	s25 =	sshll.u32 s28, $0x7;
	v50, _, _ =	vpop (xrf0)  }
0xad: {  	s30 =	sand.u32 $0xFFFFFC00, s25;
	(v2sf) =	vpush v50, $0xF;
	v51, _, _ =	vpop (xrf0)  }
0xae: {  	s25 =	sand.u32 $0x380, s25;
	s26 =	sadd.s32 s29, s30;
	(v2sf) =	vpush v51, $0xF  }
0xaf: {  	s24 =	sshll.u32 s31, $0xD;
	s25 =	sor.u32 s25, s26  }
0xb0: {  	s24 =	sadd.s32 s24, s25  }
0xb1: {  	s24 =	sshrl.u32 s24, $0x3;
	s31 =	spop (v2sf)  }
0xb2: {  	s24 =	sadd.s32 s1, s24;
	s28 =	spop (v2sf)  }
0xb3: {  	v52 =	vld.idx.msk [tilespmem:v6+s3+$0x0], $0xffff;
	[tilespmem:s16], [sflag:$0x1] =	stream.strided.gather [hbm4b:s24+s9], $0x680, s10, s9, $0x38  }
0xb4: {  	s29 =	smul.u32 $0x27000, s23;
	s26 =	sshll.u32 s28, $0x7  }
0xb5: {  	s30 =	sand.u32 $0xFFFFFC00, s26  }
0xb6: {  	s26 =	sand.u32 $0x380, s26;
	s24 =	sadd.s32 s29, s30  }
0xb7: {  	s25 =	sshll.u32 s31, $0xC;
	s24 =	sor.u32 s26, s24  }
0xb8: {  	s24 =	sadd.s32 s25, s24  }
0xb9: {  	s24 =	sshrl.u32 s24, $0x3  }
0xba: {  	s24 =	sadd.s32 s4, s24  }
0xbb: {  	[tilespmem:s17], [sflag:$0x1] =	stream.strided.gather [hbm4b:s24+s9], $0x680, s12, s9, $0x38;
	[tilespmem:$0x3380] =	vst v63  }
0xbc: {  	s31 =	spop (v2sf)  }
0xbd: {  	s26 =	spop (v2sf)  }
0xbe: {  	s23 =	smul.u32 $0x13800, s23;
	s24 =	sshll.u32 s26, $0x7  }
0xbf: {  	s28 =	sand.u32 $0xFFFFFC00, s24  }
0xc0: {  	s24 =	sand.u32 $0x380, s24;
	s23 =	sadd.s32 s23, s28  }
0xc1: {  	s25 =	sshll.u32 s31, $0xB;
	s23 =	sor.u32 s24, s23  }
0xc2: {  	s23 =	sadd.s32 s25, s23  }
0xc3: {  	s23 =	sshrl.u32 s23, $0x3  }
0xc4: {  	s23 =	sadd.s32 s5, s23  }
0xc5: {  	[tilespmem:s18], [sflag:$0x1] =	stream.strided.gather [hbm4b:s23+s9], $0x680, s14, s9, $0x38;
	[tilespmem:$0x3380] =	vst v63  }
0xc6: {  	_ =	swait.ge [sflag:s19], $0x680  }
0xc7: {  	[sflag:s19] =	ssyncset.done $0x0  }
0xc8: {  	[sflag:s19] =	ssyncadd.s32 $0xFFFFF980  }
0xc9: {  	_ =	swait.ge [sflag:s19], $0x680  }
0xca: {  	[sflag:s19] =	ssyncset.done $0x0  }
0xcb: {  	v53 =	vmul.f32 $6.400000000e+01, v18;
	[sflag:s19] =	ssyncadd.s32 $0xFFFFF980  }
0xcc: {  	_ =	swait.ge [sflag:s19], $0x680  }
0xcd: {  	v23 =	vtrunc.f32 v53;
	[sflag:s19] =	ssyncset.done $0x0  }
0xce: {  	v23 =	vcvt.f32.s32 v23;
	[sflag:s19] =	ssyncadd.s32 $0xFFFFF980  }
0xcf: {  	_ =	swait.ge [sflag:s19], $0x680  }
0xd0: {  	vm1 =	vgt.s32 v23, $0x0;
	[sflag:s19] =	ssyncset.done $0x0  }
0xd1: {  	v23 =	vnsel vm1, $0x0, v23;
	[sflag:s19] =	ssyncadd.s32 $0xFFFFF980  }
0xd2: {  	v54 =	vmul.f32 $3.200000000e+01, v18;
	v23 =	vmin.u32 v23, $0x3F;
	_ =	swait.ge [sflag:s19], $0x680  }
0xd3: {  	v23 =	vor.u32 v13, v23;
	[sflag:s19] =	ssyncset.done $0x0  }
0xd4: {  	v24 =	vtrunc.f32 v54;
	[sflag:s19] =	ssyncadd.s32 $0xFFFFF980  }
0xd5: {  	v24 =	vcvt.f32.s32 v24;
	_ =	swait.ge [sflag:s19], $0x680  }
0xd6: {  	[sflag:s19] =	ssyncset.done $0x0  }
0xd7: {  	vm1 =	vgt.s32 v24, $0x0;
	[sflag:s19] =	ssyncadd.s32 $0xFFFFF980  }
0xd8: {  	v24 =	vnsel vm1, $0x0, v24;
	v23 =	vld.idx.msk [tilespmem:v23+s11+$0x0], $0xffff  }
0xd9: {  	v18 =	vmul.f32 $1.600000000e+01, v18;
	v24 =	vmin.u32 v24, $0x1F  }
0xda: {  	v24 =	vor.u32 v13, v24  }
0xdb: {  	v15 =	vcvt.s32.f32 v15;
	v18 =	vtrunc.f32 v18  }
0xdc: {  	v18 =	vcvt.f32.s32 v18  }
0xdd: {  	v15 =	vsel vm0, v23, v15  }
0xde: {  	vm1 =	vgt.s32 v18, $0x0;
	[tilespmem:v12+s20+$0x0] =	vst.idx.msk $0xffff, v15  }
0xdf: {  	v15 =	vnsel vm1, $0x0, v18;
	v55 =	vld.idx.msk [tilespmem:v24+s13+$0x0], $0xffff  }
0xe0: {  	v56 =	vmul.f32 $6.400000000e+01, v52;
	v15 =	vmin.u32 v15, $0xF  }
0xe1: {  	v15 =	vor.u32 v13, v15  }
0xe2: {  	v16 =	vcvt.s32.f32 v16;
	v23 =	vtrunc.f32 v56  }
0xe3: {  	v23 =	vcvt.f32.s32 v23  }
0xe4: {  	v16 =	vsel vm0, v55, v16  }
0xe5: {  	vm1 =	vgt.s32 v23, $0x0;
	[tilespmem:v12+s21+$0x0] =	vst.idx.msk $0xffff, v16  }
0xe6: {  	v57 =	vnsel vm1, $0x0, v23;
	v15 =	vld.idx.msk [tilespmem:v15+s15+$0x0], $0xffff  }
0xe7: {  	v58 =	vmul.f32 $3.200000000e+01, v52;
	v16 =	vmin.u32 v57, $0x3F  }
0xe8: {  	v16 =	vor.u32 v13, v16  }
0xe9: {  	v17 =	vcvt.s32.f32 v17;
	v18 =	vtrunc.f32 v58  }
0xea: {  	v18 =	vcvt.f32.s32 v18  }
0xeb: {  	v15 =	vsel vm0, v15, v17  }
0xec: {  	vm1 =	vgt.s32 v18, $0x0;
	[tilespmem:v12+s22+$0x0] =	vst.idx.msk $0xffff, v15  }
0xed: {  	v15 =	vnsel vm1, $0x0, v18;
	v16 =	vld.idx.msk [tilespmem:v16+s16+$0x0], $0xffff  }
0xee: {  	v59 =	vmul.f32 $1.600000000e+01, v52;
	v15 =	vmin.u32 v15, $0x1F  }
0xef: {  	v15 =	vor.u32 v13, v15  }
0xf0: {  	v60 =	vcvt.s32.f32 v19;
	v17 =	vtrunc.f32 v59  }
0xf1: {  	v17 =	vcvt.f32.s32 v17  }
0xf2: {  	v16 =	vsel vm0, v16, v60  }
0xf3: {  	vm1 =	vgt.s32 v17, $0x0;
	[tilespmem:v14+s20+$0x0] =	vst.idx.msk $0xffff, v16  }
0xf4: {  	v61 =	vnsel vm1, $0x0, v17;
	v15 =	vld.idx.msk [tilespmem:v15+s17+$0x0], $0xffff  }
0xf5: {  	v16 =	vmin.u32 v61, $0xF  }
0xf6: {  	v16 =	vor.u32 v13, v16  }
0xf7: {  	v62 =	vcvt.s32.f32 v36;
	_ =	sdelay $0x1  }
0xf8: {  	v15 =	vsel vm0, v15, v62  }
0xf9: {  	[tilespmem:v14+s21+$0x0] =	vst.idx.msk $0xffff, v15  }
0xfa: {  	v15 =	vld.idx.msk [tilespmem:v16+s18+$0x0], $0xffff;
	_ =	sdelay $0x2  }
0xfb: {  	v63 =	vcvt.s32.f32 v21;
	_ =	sdelay $0x1  }
0xfc: {  	v15 =	vsel vm0, v15, v63  }
0xfd: {  	s29 =	rddreg [dreg:$0x6];
	[tilespmem:v14+s22+$0x0] =	vst.idx.msk $0xffff, v15  }
0xfe: {  	[hbm4b:s29+s3] =	stream.linear.scatter [tilespmem:s20], [sflag:$0x2], $0x20, $0x38;
	[tilespmem:$0x3380] =	vst v63  }
0xff: {  	_ =	swait.ge [sflag:s7], $0x20  }
0x100: {  	[sflag:s7] =	ssyncset.done $0x0  }
0x101: {  	s30 =	rddreg [dreg:$0x7];
	[sflag:s7] =	ssyncadd.s32 $0xFFFFFFE0  }
0x102: {  	[hbm4b:s30+s3] =	stream.linear.scatter [tilespmem:s21], [sflag:$0x2], $0x20, $0x38;
	[tilespmem:$0x3380] =	vst v63  }
0x103: {  	_ =	swait.ge [sflag:s7], $0x20  }
0x104: {  	p0 =	sne.s32 s6, $0x1;
	[sflag:s7] =	ssyncset.done $0x0  }
.Ltmp0:
0x105: {  	s31 =	rddreg [dreg:$0x8];
	[sflag:s7] =	ssyncadd.s32 $0xFFFFFFE0;
	(pc) =	sbr.rel @p0 .LBB2_1-.Ltmp0, $4  }
0x106: {  	[hbm4b:s31+s3] =	stream.linear.scatter [tilespmem:s22], [sflag:$0x2], $0x20, $0x38;
	[tilespmem:$0x3380] =	vst v63  }
0x107: {  	_ =	swait.ge [sflag:s7], $0x20  }
0x108: {  	[sflag:s7] =	ssyncset.done $0x0  }
0x109: {  	s6 =	sadd.s32 $0xFFFFFFFF, s6;
	[sflag:s7] =	ssyncadd.s32 $0xFFFFFFE0  }
0x10a: {  	_ =	sfence.sel $0x180000  }
0x10b: {  	[bflag:$0x0] =	sbarrier.arrive $0xFFFF  }
0x10c: {  	p0 =	sne.s32 s0, $0x0;
	_ =	strace $0x90000047  }
0x10d: {  	s0 =	sadd.s32 @!p0 $0x100000, s2;
	[bflag:$0x2] =	sbarrier.arrive $0xFFFF  }
0x10e: {  	[sflag:s0] =	ssyncadd.tile.s32 @!p0 $0x1;
	_ =	shalt  }
.Lfunc_end2:
_tile_overlayer_lowered:
.L_overlay_start_2:
0x10f: {  	(tag) =	ssettag $0x2  }
0x110: {  	s0 =	rddreg [dreg:$0x0];
	s2 =	stileid.u32  }
0x111: {  	s1 =	rddreg [dreg:$0x1];
	p0 =	sne.s32 s2, $0x0  }
0x112: {  	s3 =	rddreg [dreg:$0x2];
	[bflag:$0x3] =	sbarrier.arrive $0xFFFF;
	s2 =	simm.s32 @!p0 $0x1C02  }
0x113: {  	[timem:s3], [sflag:s2] =	dma.local @!p0 [hbm:s0], s1  }
0x114: {  	s0 =	simm.s32 @!p0 $0x2  }
0x115: {  	_ =	swait.ge @!p0 [sflag:s0], s1  }
0x116: {  	s1 =	ssub.s32 @!p0 $0x0, s1;
	[sflag:s0] =	ssyncset.done @!p0 $0x0  }
0x117: {  	[sflag:s0] =	ssyncadd.s32 @!p0 s1  }
0x118: {  	[bflag:$0x3] =	sbarrier.arrive $0xFFFF  }
0x119: {  	_ =	shalt  }

</sc_bundles>
